<compile_context>
chip_gen: v7x
topology: tpu7x:2x2x1
jax: 0.10.2.dev20260603
libtpu: 0.0.44.dev20260713+nightly
codegen_flags: <defaults>
</compile_context>

<pallas_src>
import dataclasses
import functools

import jax
import jax.numpy as jnp
from jax import lax
from jax.experimental import pallas as pl
from jax.experimental.pallas import tpu as pltpu
from jax.experimental.pallas import tpu_sc as plsc

N = 10000
NP = 10240
H = 2
C = 128
D = H * C
EB = 64
NSUB = 16
NACC = NP

_F32 = jnp.float32
_I32 = jnp.int32
_HIGH = lax.Precision.HIGHEST


def _elu(v):
    return jnp.where(v > 0, v, jnp.exp(v) - 1.0)


G = 8
BS = NP // G


def _lin_body(h_ref, w_ref, as_ref, ad_ref, xlh_ref, asrc_ref, adst_ref):
    hv = h_ref[...]
    for h in range(H):
        xl_h = jnp.dot(hv, w_ref[:, h * C:(h + 1) * C],
                       preferred_element_type=_F32, precision=_HIGH)
        xlh_ref[h, :, :] = xl_h
        asrc_ref[h, :] = jnp.sum(xl_h * as_ref[h, :][None, :], axis=1)
        adst_ref[h, :] = jnp.sum(xl_h * ad_ref[h, :][None, :], axis=1)


def _lin(hp, W, as_, ad):
    return pl.pallas_call(
        _lin_body,
        grid=(G,),
        in_specs=[
            pl.BlockSpec((BS, D), lambda i: (i, 0)),
            pl.BlockSpec((D, D), lambda i: (0, 0)),
            pl.BlockSpec((H, C), lambda i: (0, 0)),
            pl.BlockSpec((H, C), lambda i: (0, 0)),
        ],
        out_specs=[
            pl.BlockSpec((H, BS, C), lambda i: (0, i, 0)),
            pl.BlockSpec((H, BS), lambda i: (0, i)),
            pl.BlockSpec((H, BS), lambda i: (0, i)),
        ],
        out_shape=[
            jax.ShapeDtypeStruct((H, NP, C), _F32),
            jax.ShapeDtypeStruct((H, NP), _F32),
            jax.ShapeDtypeStruct((H, NP), _F32),
        ],
    )(hp, W, as_, ad)


def _fin_body(num_ref, den_ref, xlh_ref, asrc_ref, adst_ref, b_ref, out_ref):
    for h in range(H):
        al = asrc_ref[h, :] + adst_ref[h, :]
        ea_self = jnp.exp(jnp.maximum(al, 0.2 * al))
        xl_h = xlh_ref[h, :, :]
        numf = num_ref[h, :, :]
        denf = jnp.sum(den_ref[h, :, :], axis=0)
        numh = numf + ea_self[:, None] * xl_h
        denh = denf + ea_self + 1e-16
        oh = numh / denh[:, None] + b_ref[pl.ds(h * C, C)][None, :]
        out_ref[:, pl.ds(h * C, C)] = _elu(oh)


def _fin(num, den, xlh, asrc, adst, b):
    num3 = num.reshape(H, NP, C)
    return pl.pallas_call(
        _fin_body,
        grid=(G,),
        in_specs=[
            pl.BlockSpec((H, BS, C), lambda i: (0, i, 0)),
            pl.BlockSpec((H, NSUB, BS), lambda i: (0, 0, i)),
            pl.BlockSpec((H, BS, C), lambda i: (0, i, 0)),
            pl.BlockSpec((H, BS), lambda i: (0, i)),
            pl.BlockSpec((H, BS), lambda i: (0, i)),
            pl.BlockSpec((D,), lambda i: (0,)),
        ],
        out_specs=pl.BlockSpec((BS, D), lambda i: (i, 0)),
        out_shape=jax.ShapeDtypeStruct((NP, D), _F32),
    )(num3, den, xlh, asrc, adst, b)


def _edge_sc(nb):
    mesh = plsc.VectorSubcoreMesh(core_axis_name="c", subcore_axis_name="s")
    cp = pltpu.CompilerParams()
    if "needs_layout_passes" in pltpu.CompilerParams.__dataclass_fields__:
        cp = dataclasses.replace(cp, needs_layout_passes=False)

    @functools.partial(
        pl.kernel,
        mesh=mesh,
        compiler_params=cp,
        out_type=[
            jax.ShapeDtypeStruct((H * NP, C), _F32),
            jax.ShapeDtypeStruct((H, NSUB, NACC), _F32),
        ],
        scratch_types=[
            pltpu.VMEM((NP,), _F32),
            pltpu.VMEM((NP,), _F32),
            pltpu.VMEM((2, EB), _I32),
            pltpu.VMEM((2, EB), _I32),
            pltpu.VMEM((2, EB), _I32),
            pltpu.VMEM((2, EB), _I32),
            pltpu.VMEM((2, EB + 16), _F32),
            pltpu.VMEM((NACC,), _F32),
            pltpu.VMEM((2, EB, C), _F32),
            pltpu.VMEM_SHARED((NACC, C), _F32),
            pltpu.SemaphoreType.DMA,
            pltpu.SemaphoreType.DMA,
            pltpu.SemaphoreType.DMA,
            pltpu.SemaphoreType.DMA,
            pltpu.SemaphoreType.DMA,
            pltpu.SemaphoreType.DMA,
        ],
    )
    def k(xlh, asrc, adst, edg, num, den,
          asrc_v, adst_v, pk_v, dst_v, sdst_v, srcb_v, ea_v, den_v,
          rows_v, acc_num, gsem0, gsem1, psem0, psem1, ssem0, ssem1):
        c = lax.axis_index("c")
        s = lax.axis_index("s")
        gsems = (gsem0, gsem1)
        psems = (psem0, psem1)
        ssems = (ssem0, ssem1)

        pltpu.sync_copy(asrc.at[c], asrc_v)
        pltpu.sync_copy(adst.at[c], adst_v)

        z16 = jnp.zeros((16,), _F32)

        @pl.loop(0, NACC // 16)
        def _(i):
            den_v[pl.ds(i * 16, 16)] = z16

        @pl.loop(0, EB)
        def _(i):
            for t in range(C // 16):
                rows_v[0, i, pl.ds(t * 16, 16)] = z16

        for t in range(10):
            blk = s + NSUB * t

            @pl.when(blk < NACC // EB)
            def _():
                pltpu.sync_copy(rows_v.at[0],
                                acc_num.at[pl.ds(blk * EB, EB)])
        plsc.subcore_barrier()

        bias = c * NP

        def fire_pk(j, b):
            pltpu.async_copy(edg.at[s, j], pk_v.at[b], psems[b])

        def unpack(j, b):
            pltpu.make_async_copy(edg.at[s, j], pk_v.at[b],
                                  psems[b]).wait()

            @plsc.parallel_loop(0, EB // 16)
            def _(kk):
                p16 = pk_v[b, pl.ds(kk * 16, 16)]
                s16 = lax.bitwise_and(
                    lax.shift_right_logical(p16, 14), 16383)
                d16 = lax.bitwise_and(p16, 16383)
                dst_v[b, pl.ds(kk * 16, 16)] = d16
                srcb_v[b, pl.ds(kk * 16, 16)] = s16 + bias
                asv = plsc.load_gather(asrc_v, [s16])
                adv = plsc.load_gather(adst_v, [d16])
                al = asv + adv
                ea = jnp.exp(jnp.maximum(al, 0.2 * al))
                ea_v[b, pl.ds(kk * 16, 16)] = ea
                plsc.addupdate_scatter(den_v, [d16], ea)

        def fire_gather(b, wait_scatter=True):
            if wait_scatter:
                pltpu.make_async_copy(rows_v.at[b],
                                      acc_num.at[sdst_v.at[b]],
                                      ssems[b]).wait()
            pltpu.async_copy(xlh.at[srcb_v.at[b]], rows_v.at[b], gsems[b])

        def finish(b):
            pltpu.make_async_copy(xlh.at[srcb_v.at[b]],
                                  rows_v.at[b], gsems[b]).wait()

            @plsc.parallel_loop(0, EB, step=4)
            def _(e0):
                for u in range(4):
                    e = e0 + u
                    ea_e = ea_v[b, pl.ds(e, 16)][0]
                    for t in range(C // 16):
                        rows_v[b, e, pl.ds(t * 16, 16)] = (
                            rows_v[b, e, pl.ds(t * 16, 16)] * ea_e)

            @plsc.parallel_loop(0, EB // 16)
            def _(kk):
                sdst_v[b, pl.ds(kk * 16, 16)] = dst_v[b, pl.ds(kk * 16, 16)]

            pltpu.async_copy(rows_v.at[b], acc_num.at[sdst_v.at[b]],
                             ssems[b], add=True)

        fire_pk(0, 0)
        fire_pk(1, 1)
        unpack(0, 0)
        fire_pk(2, 0)
        fire_gather(0, wait_scatter=False)
        unpack(1, 1)
        fire_pk(3, 1)
        fire_gather(1, wait_scatter=False)

        @pl.loop(0, nb // 2)
        def _body(g):
            j0 = g * 2
            finish(0)

            @pl.when(j0 + 2 < nb)
            def _():
                unpack(j0 + 2, 0)

                @pl.when(j0 + 4 < nb)
                def _():
                    fire_pk(j0 + 4, 0)

                fire_gather(0)

            finish(1)

            @pl.when(j0 + 3 < nb)
            def _():
                unpack(j0 + 3, 1)

                @pl.when(j0 + 5 < nb)
                def _():
                    fire_pk(j0 + 5, 1)

                fire_gather(1)

        for b in range(2):
            pltpu.make_async_copy(rows_v.at[b], acc_num.at[sdst_v.at[b]],
                                  ssems[b]).wait()
        plsc.subcore_barrier()

        rps = NP // NSUB
        pltpu.sync_copy(acc_num.at[pl.ds(s * rps, rps)],
                        num.at[pl.ds(bias + s * rps, rps)])
        pltpu.sync_copy(den_v, den.at[c, s])

    return k


def kernel(x, edges, W1, att_src1, att_dst1, b1, W2, att_src2, att_dst2, b2):
    E = edges.shape[1]
    nb = max(4, 2 * -(-E // (NSUB * EB * 2)))
    Ep = nb * NSUB * EB

    h0 = jnp.zeros((NP, D), _F32).at[:N, :x.shape[1]].set(x)
    src = jnp.concatenate([edges[0], jnp.zeros((Ep - E,), _I32)])
    dst = jnp.concatenate([edges[1], jnp.full((Ep - E,), N, _I32)])
    edg = (jnp.left_shift(src, 14) | dst).reshape(NSUB, nb, EB)

    W1p = jnp.zeros((D, D), _F32).at[:W1.shape[0]].set(W1)
    Ws = jnp.stack([W1p, W2])
    ass = jnp.stack([att_src1, att_src2])
    ads = jnp.stack([att_dst1, att_dst2])
    bs = jnp.stack([b1, b2])

    edge = _edge_sc(nb)

    def layer(h, params):
        W, as_, ad, b = params
        xlh, asrc, adst = _lin(h, W, as_, ad)
        num, den = edge(xlh.reshape(H * NP, C), asrc, adst, edg)
        h_next = _fin(num, den, xlh, asrc, adst, b)
        return h_next, None

    hL, _ = lax.scan(layer, h0, (Ws, ass, ads, bs))
    return hL[:N]

# --- scband reference (transcript-rebuilt; emitter-appended) ---
"""Pipeline reference for scband-multi-gat-72318659330634 (READ-ONLY COPY).

The authoritative reference and input builder live on the scoring server;
editing this copy changes nothing except your own understanding.
"""

import jax, jax.numpy as jnp
import numpy as np

N = 10000
E = 320000
H = 2
C = 128
D_IN = 128

def setup_inputs(seed: int = 0) -> dict:
    key = jax.random.key(seed)
    ks = jax.random.split(key, 10)
    x = jax.random.normal(ks[0], (N, D_IN), dtype=jnp.float32)
    edges = jax.random.randint(ks[1], (2, E), 0, N, dtype=jnp.int32)
    W1 = jax.random.normal(ks[2], (D_IN, H * C), dtype=jnp.float32) * (1.0 / np.sqrt(D_IN))
    att_src1 = jax.random.normal(ks[3], (H, C), dtype=jnp.float32) * 0.1
    att_dst1 = jax.random.normal(ks[4], (H, C), dtype=jnp.float32) * 0.1
    b1 = jnp.zeros((H * C,), dtype=jnp.float32)
    W2 = jax.random.normal(ks[5], (H * C, H * C), dtype=jnp.float32) * (1.0 / np.sqrt(H * C))
    att_src2 = jax.random.normal(ks[6], (H, C), dtype=jnp.float32) * 0.1
    att_dst2 = jax.random.normal(ks[7], (H, C), dtype=jnp.float32) * 0.1
    b2 = jnp.zeros((H * C,), dtype=jnp.float32)
    return {"x": x, "edges": edges, "W1": W1, "att_src1": att_src1, "att_dst1": att_dst1, "b1": b1,
            "W2": W2, "att_src2": att_src2, "att_dst2": att_dst2, "b2": b2}


def _gat_layer(x, src, dst, W, a_src, a_dst, b):
    # PyG GATConv semantics: linear -> per-head attention logits -> leaky_relu ->
    # softmax over incoming edges per dst node -> weighted scatter-add -> bias
    n = x.shape[0]
    xl = (x @ W).reshape(n, H, C)
    alpha_src = (xl * a_src[None, :, :]).sum(-1)  # [n, H]
    alpha_dst = (xl * a_dst[None, :, :]).sum(-1)  # [n, H]
    alpha = alpha_src[src] + alpha_dst[dst]       # [e, H]
    alpha = jnp.where(alpha > 0, alpha, 0.2 * alpha)  # leaky_relu(0.2)
    m = jax.lax.stop_gradient(jax.ops.segment_max(alpha, dst, num_segments=n))
    ea = jnp.exp(alpha - m[dst])
    den = jax.ops.segment_sum(ea, dst, num_segments=n)
    coef = ea / (den[dst] + 1e-16)                # softmax per dst node
    msg = xl[src] * coef[:, :, None]              # [e, H, C]
    out = jax.ops.segment_sum(msg, dst, num_segments=n)
    return out.reshape(n, H * C) + b[None, :]


def reference(x, edges, W1, att_src1, att_dst1, b1, W2, att_src2, att_dst2, b2):
    n = x.shape[0]
    # GATConv add_self_loops=True default
    loop = jnp.arange(n, dtype=edges.dtype)
    src = jnp.concatenate([edges[0], loop])
    dst = jnp.concatenate([edges[1], loop])
    # dropout p=0.0 and eval mode -> identity
    h = _gat_layer(x, src, dst, W1, att_src1, att_dst1, b1)
    h = jax.nn.elu(h)  # idx+1=1 < num_layers=3
    h = _gat_layer(h, src, dst, W2, att_src2, att_dst2, b2)
    h = jax.nn.elu(h)  # idx+1=2 < num_layers=3
    return h

if __name__ == "__main__":
    import jax
    _d = setup_inputs()
    print(jax.jit(kernel)(*tuple(_d.values())))

</pallas_src>

<mosaic_0001>
#map = affine_map<(d0, d1) -> (0, 0)>
#map1 = affine_map<(d0, d1) -> (0, 0, 0)>
module attributes {stable_mosaic.version = 14 : i64} {
  func.func @k(%arg0: i32, %arg1: i32, %arg2: memref<20480x128xf32, #tpu.memory_space<hbm>>, %arg3: memref<2x10240xf32, #tpu.memory_space<hbm>>, %arg4: memref<2x10240xf32, #tpu.memory_space<hbm>>, %arg5: memref<16x314x64xi32, #tpu.memory_space<hbm>>, %arg6: memref<20480x128xf32, #tpu.memory_space<hbm>>, %arg7: memref<2x16x10240xf32, #tpu.memory_space<hbm>>, %arg8: memref<10240xf32, #tpu.memory_space<vmem>>, %arg9: memref<10240xf32, #tpu.memory_space<vmem>>, %arg10: memref<2x64xi32, #tpu.memory_space<vmem>>, %arg11: memref<2x64xi32, #tpu.memory_space<vmem>>, %arg12: memref<2x64xi32, #tpu.memory_space<vmem>>, %arg13: memref<2x64xi32, #tpu.memory_space<vmem>>, %arg14: memref<2x80xf32, #tpu.memory_space<vmem>>, %arg15: memref<10240xf32, #tpu.memory_space<vmem>>, %arg16: memref<2x64x128xf32, #tpu.memory_space<vmem>>, %arg17: memref<10240x128xf32, #tpu.memory_space<vmem_shared>>, %arg18: memref<!tpu.dma_semaphore, #tpu.memory_space<semaphore_mem>>, %arg19: memref<!tpu.dma_semaphore, #tpu.memory_space<semaphore_mem>>, %arg20: memref<!tpu.dma_semaphore, #tpu.memory_space<semaphore_mem>>, %arg21: memref<!tpu.dma_semaphore, #tpu.memory_space<semaphore_mem>>, %arg22: memref<!tpu.dma_semaphore, #tpu.memory_space<semaphore_mem>>, %arg23: memref<!tpu.dma_semaphore, #tpu.memory_space<semaphore_mem>>) attributes {dimension_semantics = [#tpu.dimension_semantics<core_parallel>, #tpu.dimension_semantics<subcore_parallel>], iteration_bounds = array<i64: 2, 16>, scalar_prefetch = 0 : i64, scratch_operands = 16 : i64, tpu.core_type = #tpu.core_type<sc_vector_subcore>, window_params = [{transform_indices = #map}, {transform_indices = #map}, {transform_indices = #map}, {transform_indices = #map1}, {transform_indices = #map}, {transform_indices = #map1}]} {
    "tpu.region"() ({
      %run_scoped3A = tpu.sem_alloc : memref<!tpu.dma_semaphore, #tpu.memory_space<semaphore_mem>>
      %dma_start3A_223 = arith.constant 0 : i32
      %dma_start3A_224 = tpu.memref_slice %arg3[%arg0, %dma_start3A_223] : memref<2x10240xf32, #tpu.memory_space<hbm>> -> memref<1x10240xf32, #tpu.memory_space<hbm>>
      %dma_start3A_225 = tpu.memref_squeeze %dma_start3A_224 : memref<1x10240xf32, #tpu.memory_space<hbm>> -> memref<10240xf32, #tpu.memory_space<hbm>>
      %dma_start3A_226 = arith.constant 0 : i32
      %dma_start3A_227 = tpu.memref_slice %arg3[%arg0, %dma_start3A_226] : memref<2x10240xf32, #tpu.memory_space<hbm>> -> memref<1x10240xf32, #tpu.memory_space<hbm>>
      %dma_start3A_228 = tpu.memref_squeeze %dma_start3A_227 : memref<1x10240xf32, #tpu.memory_space<hbm>> -> memref<10240xf32, #tpu.memory_space<hbm>>
      tpu.enqueue_dma source(%dma_start3A_228 : memref<10240xf32, #tpu.memory_space<hbm>>) target(%arg8 : memref<10240xf32, #tpu.memory_space<vmem>>) target_semaphore(%run_scoped3A : memref<!tpu.dma_semaphore, #tpu.memory_space<semaphore_mem>>)
      %dma_wait3A_229 = arith.constant 0 : i32
      %dma_wait3A_230 = tpu.memref_slice %arg3[%arg0, %dma_wait3A_229] : memref<2x10240xf32, #tpu.memory_space<hbm>> -> memref<1x10240xf32, #tpu.memory_space<hbm>>
      %dma_wait3A_231 = tpu.memref_squeeze %dma_wait3A_230 : memref<1x10240xf32, #tpu.memory_space<hbm>> -> memref<10240xf32, #tpu.memory_space<hbm>>
      %dma_wait3A_232 = arith.constant 0 : i32
      %dma_wait3A_233 = tpu.memref_slice %arg3[%arg0, %dma_wait3A_232] : memref<2x10240xf32, #tpu.memory_space<hbm>> -> memref<1x10240xf32, #tpu.memory_space<hbm>>
      %dma_wait3A_234 = tpu.memref_squeeze %dma_wait3A_233 : memref<1x10240xf32, #tpu.memory_space<hbm>> -> memref<10240xf32, #tpu.memory_space<hbm>>
      tpu.wait_dma2 semaphore(%run_scoped3A : memref<!tpu.dma_semaphore, #tpu.memory_space<semaphore_mem>>) src(%dma_wait3A_234 : memref<10240xf32, #tpu.memory_space<hbm>>) dst(%arg8 : memref<10240xf32, #tpu.memory_space<vmem>>)
      tpu.yield
    }) : () -> ()
    "tpu.region"() ({
      %run_scoped3A = tpu.sem_alloc : memref<!tpu.dma_semaphore, #tpu.memory_space<semaphore_mem>>
      %dma_start3A_223 = arith.constant 0 : i32
      %dma_start3A_224 = tpu.memref_slice %arg4[%arg0, %dma_start3A_223] : memref<2x10240xf32, #tpu.memory_space<hbm>> -> memref<1x10240xf32, #tpu.memory_space<hbm>>
      %dma_start3A_225 = tpu.memref_squeeze %dma_start3A_224 : memref<1x10240xf32, #tpu.memory_space<hbm>> -> memref<10240xf32, #tpu.memory_space<hbm>>
      %dma_start3A_226 = arith.constant 0 : i32
      %dma_start3A_227 = tpu.memref_slice %arg4[%arg0, %dma_start3A_226] : memref<2x10240xf32, #tpu.memory_space<hbm>> -> memref<1x10240xf32, #tpu.memory_space<hbm>>
      %dma_start3A_228 = tpu.memref_squeeze %dma_start3A_227 : memref<1x10240xf32, #tpu.memory_space<hbm>> -> memref<10240xf32, #tpu.memory_space<hbm>>
      tpu.enqueue_dma source(%dma_start3A_228 : memref<10240xf32, #tpu.memory_space<hbm>>) target(%arg9 : memref<10240xf32, #tpu.memory_space<vmem>>) target_semaphore(%run_scoped3A : memref<!tpu.dma_semaphore, #tpu.memory_space<semaphore_mem>>)
      %dma_wait3A_229 = arith.constant 0 : i32
      %dma_wait3A_230 = tpu.memref_slice %arg4[%arg0, %dma_wait3A_229] : memref<2x10240xf32, #tpu.memory_space<hbm>> -> memref<1x10240xf32, #tpu.memory_space<hbm>>
      %dma_wait3A_231 = tpu.memref_squeeze %dma_wait3A_230 : memref<1x10240xf32, #tpu.memory_space<hbm>> -> memref<10240xf32, #tpu.memory_space<hbm>>
      %dma_wait3A_232 = arith.constant 0 : i32
      %dma_wait3A_233 = tpu.memref_slice %arg4[%arg0, %dma_wait3A_232] : memref<2x10240xf32, #tpu.memory_space<hbm>> -> memref<1x10240xf32, #tpu.memory_space<hbm>>
      %dma_wait3A_234 = tpu.memref_squeeze %dma_wait3A_233 : memref<1x10240xf32, #tpu.memory_space<hbm>> -> memref<10240xf32, #tpu.memory_space<hbm>>
      tpu.wait_dma2 semaphore(%run_scoped3A : memref<!tpu.dma_semaphore, #tpu.memory_space<semaphore_mem>>) src(%dma_wait3A_234 : memref<10240xf32, #tpu.memory_space<hbm>>) dst(%arg9 : memref<10240xf32, #tpu.memory_space<vmem>>)
      tpu.yield
    }) : () -> ()
    %broadcast_in_dim3A = arith.constant 0.000000e+00 : f32
    %broadcast_in_dim3A_0 = vector.broadcast %broadcast_in_dim3A : f32 to vector<16xf32>
    %scan3A = arith.constant 0 : i32
    %scan3A_1 = arith.constant 640 : i32
    %scan3A_2 = arith.addi %scan3A, %scan3A_1 : i32
    %scan3A_3 = arith.constant 1 : i32
    scf.for %scan3A_223 = %scan3A to %scan3A_2 step %scan3A_3  : i32 {
      %mul3A_224 = arith.constant 1 : i32
      %mul3A_225 = arith.muli %scan3A_223, %mul3A_224 : i32
      %add3A_226 = arith.constant 0 : i32
      %add3A_227 = arith.addi %add3A_226, %mul3A_225 : i32
      %mul3A_228 = arith.constant 16 : i32
      %mul3A_229 = arith.muli %add3A_227, %mul3A_228 : i32
      %swap3A = arith.index_cast %mul3A_229 : i32 to index
      %swap3A_230 = tpu.vector_load %arg15[%swap3A] {strides = array<i32>} : memref<10240xf32, #tpu.memory_space<vmem>>, vector<16xf32>,
      tpu.vector_store %arg15[%swap3A], %broadcast_in_dim3A_0 {strides = array<i32>} : memref<10240xf32, #tpu.memory_space<vmem>>, vector<16xf32>,
    }
    %scan3A_4 = arith.constant 640 : i32
    %scan3A_5 = arith.constant 0 : i32
    %scan3A_6 = arith.constant 64 : i32
    %scan3A_7 = arith.addi %scan3A_5, %scan3A_6 : i32
    %scan3A_8 = arith.constant 1 : i32
    scf.for %scan3A_223 = %scan3A_5 to %scan3A_7 step %scan3A_8  : i32 {
      %mul3A_224 = arith.constant 1 : i32
      %mul3A_225 = arith.muli %scan3A_223, %mul3A_224 : i32
      %add3A_226 = arith.constant 0 : i32
      %add3A_227 = arith.addi %add3A_226, %mul3A_225 : i32
      %swap3A = arith.constant 0 : i32
      %swap3A_228 = arith.index_cast %swap3A : i32 to index
      %swap3A_229 = arith.index_cast %add3A_227 : i32 to index
      %swap3A_230 = arith.constant 0 : index
      %swap3A_231 = tpu.vector_load %arg16[%swap3A_228, %swap3A_229, %swap3A_230] {strides = array<i32>} : memref<2x64x128xf32, #tpu.memory_space<vmem>>, vector<16xf32>,
      tpu.vector_store %arg16[%swap3A_228, %swap3A_229, %swap3A_230], %broadcast_in_dim3A_0 {strides = array<i32>} : memref<2x64x128xf32, #tpu.memory_space<vmem>>, vector<16xf32>,
      %swap3A_232 = arith.constant 0 : i32
      %swap3A_233 = arith.index_cast %swap3A_232 : i32 to index
      %swap3A_234 = arith.index_cast %add3A_227 : i32 to index
      %swap3A_235 = arith.constant 16 : index
      %swap3A_236 = tpu.vector_load %arg16[%swap3A_233, %swap3A_234, %swap3A_235] {strides = array<i32>} : memref<2x64x128xf32, #tpu.memory_space<vmem>>, vector<16xf32>,
      tpu.vector_store %arg16[%swap3A_233, %swap3A_234, %swap3A_235], %broadcast_in_dim3A_0 {strides = array<i32>} : memref<2x64x128xf32, #tpu.memory_space<vmem>>, vector<16xf32>,
      %swap3A_237 = arith.constant 0 : i32
      %swap3A_238 = arith.index_cast %swap3A_237 : i32 to index
      %swap3A_239 = arith.index_cast %add3A_227 : i32 to index
      %swap3A_240 = arith.constant 32 : index
      %swap3A_241 = tpu.vector_load %arg16[%swap3A_238, %swap3A_239, %swap3A_240] {strides = array<i32>} : memref<2x64x128xf32, #tpu.memory_space<vmem>>, vector<16xf32>,
      tpu.vector_store %arg16[%swap3A_238, %swap3A_239, %swap3A_240], %broadcast_in_dim3A_0 {strides = array<i32>} : memref<2x64x128xf32, #tpu.memory_space<vmem>>, vector<16xf32>,
      %swap3A_242 = arith.constant 0 : i32
      %swap3A_243 = arith.index_cast %swap3A_242 : i32 to index
      %swap3A_244 = arith.index_cast %add3A_227 : i32 to index
      %swap3A_245 = arith.constant 48 : index
      %swap3A_246 = tpu.vector_load %arg16[%swap3A_243, %swap3A_244, %swap3A_245] {strides = array<i32>} : memref<2x64x128xf32, #tpu.memory_space<vmem>>, vector<16xf32>,
      tpu.vector_store %arg16[%swap3A_243, %swap3A_244, %swap3A_245], %broadcast_in_dim3A_0 {strides = array<i32>} : memref<2x64x128xf32, #tpu.memory_space<vmem>>, vector<16xf32>,
      %swap3A_247 = arith.constant 0 : i32
      %swap3A_248 = arith.index_cast %swap3A_247 : i32 to index
      %swap3A_249 = arith.index_cast %add3A_227 : i32 to index
      %swap3A_250 = arith.constant 64 : index
      %swap3A_251 = tpu.vector_load %arg16[%swap3A_248, %swap3A_249, %swap3A_250] {strides = array<i32>} : memref<2x64x128xf32, #tpu.memory_space<vmem>>, vector<16xf32>,
      tpu.vector_store %arg16[%swap3A_248, %swap3A_249, %swap3A_250], %broadcast_in_dim3A_0 {strides = array<i32>} : memref<2x64x128xf32, #tpu.memory_space<vmem>>, vector<16xf32>,
      %swap3A_252 = arith.constant 0 : i32
      %swap3A_253 = arith.index_cast %swap3A_252 : i32 to index
      %swap3A_254 = arith.index_cast %add3A_227 : i32 to index
      %swap3A_255 = arith.constant 80 : index
      %swap3A_256 = tpu.vector_load %arg16[%swap3A_253, %swap3A_254, %swap3A_255] {strides = array<i32>} : memref<2x64x128xf32, #tpu.memory_space<vmem>>, vector<16xf32>,
      tpu.vector_store %arg16[%swap3A_253, %swap3A_254, %swap3A_255], %broadcast_in_dim3A_0 {strides = array<i32>} : memref<2x64x128xf32, #tpu.memory_space<vmem>>, vector<16xf32>,
      %swap3A_257 = arith.constant 0 : i32
      %swap3A_258 = arith.index_cast %swap3A_257 : i32 to index
      %swap3A_259 = arith.index_cast %add3A_227 : i32 to index
      %swap3A_260 = arith.constant 96 : index
      %swap3A_261 = tpu.vector_load %arg16[%swap3A_258, %swap3A_259, %swap3A_260] {strides = array<i32>} : memref<2x64x128xf32, #tpu.memory_space<vmem>>, vector<16xf32>,
      tpu.vector_store %arg16[%swap3A_258, %swap3A_259, %swap3A_260], %broadcast_in_dim3A_0 {strides = array<i32>} : memref<2x64x128xf32, #tpu.memory_space<vmem>>, vector<16xf32>,
      %swap3A_262 = arith.constant 0 : i32
      %swap3A_263 = arith.index_cast %swap3A_262 : i32 to index
      %swap3A_264 = arith.index_cast %add3A_227 : i32 to index
      %swap3A_265 = arith.constant 112 : index
      %swap3A_266 = tpu.vector_load %arg16[%swap3A_263, %swap3A_264, %swap3A_265] {strides = array<i32>} : memref<2x64x128xf32, #tpu.memory_space<vmem>>, vector<16xf32>,
      tpu.vector_store %arg16[%swap3A_263, %swap3A_264, %swap3A_265], %broadcast_in_dim3A_0 {strides = array<i32>} : memref<2x64x128xf32, #tpu.memory_space<vmem>>, vector<16xf32>,
    }
    %scan3A_9 = arith.constant 64 : i32
    %add3A = arith.constant 0 : i32
    %add3A_10 = arith.addi %arg1, %add3A : i32
    %lt3A = arith.constant 160 : i32
    %lt3A_11 = arith.cmpi slt, %add3A_10, %lt3A : i32
    %convert_element_type3A = arith.extui %lt3A_11 : i1 to i32
    %cond3A = arith.constant 0 : i32
    %cond3A_12 = arith.cmpi ne, %convert_element_type3A, %cond3A : i32
    scf.if %cond3A_12 {
      %mul3A_223 = arith.constant 64 : i32
      %mul3A_224 = arith.muli %add3A_10, %mul3A_223 : i32
      %run_scoped3A = arith.constant 0 : i32
      "tpu.region"() ({
        %run_scoped3A_225 = tpu.sem_alloc : memref<!tpu.dma_semaphore, #tpu.memory_space<semaphore_mem>>
        %dma_start3A_226 = arith.constant 0 : i32
        %dma_start3A_227 = arith.constant 0 : i32
        %dma_start3A_228 = tpu.memref_slice %arg16[%run_scoped3A, %dma_start3A_226, %dma_start3A_227] : memref<2x64x128xf32, #tpu.memory_space<vmem>> -> memref<1x64x128xf32, #tpu.memory_space<vmem>>
        %dma_start3A_229 = tpu.memref_squeeze %dma_start3A_228 : memref<1x64x128xf32, #tpu.memory_space<vmem>> -> memref<64x128xf32, #tpu.memory_space<vmem>>
        %dma_start3A_230 = arith.constant 0 : i32
        %dma_start3A_231 = tpu.memref_slice %arg17[%mul3A_224, %dma_start3A_230] : memref<10240x128xf32, #tpu.memory_space<vmem_shared>> -> memref<64x128xf32, #tpu.memory_space<vmem_shared>>
        %dma_start3A_232 = arith.constant 0 : i32
        %dma_start3A_233 = tpu.memref_slice %arg17[%mul3A_224, %dma_start3A_232] : memref<10240x128xf32, #tpu.memory_space<vmem_shared>> -> memref<64x128xf32, #tpu.memory_space<vmem_shared>>
        %dma_start3A_234 = arith.constant 0 : i32
        %dma_start3A_235 = arith.constant 0 : i32
        %dma_start3A_236 = tpu.memref_slice %arg16[%run_scoped3A, %dma_start3A_234, %dma_start3A_235] : memref<2x64x128xf32, #tpu.memory_space<vmem>> -> memref<1x64x128xf32, #tpu.memory_space<vmem>>
        %dma_start3A_237 = tpu.memref_squeeze %dma_start3A_236 : memref<1x64x128xf32, #tpu.memory_space<vmem>> -> memref<64x128xf32, #tpu.memory_space<vmem>>
        tpu.enqueue_dma source(%dma_start3A_237 : memref<64x128xf32, #tpu.memory_space<vmem>>) target(%dma_start3A_233 : memref<64x128xf32, #tpu.memory_space<vmem_shared>>) target_semaphore(%run_scoped3A_225 : memref<!tpu.dma_semaphore, #tpu.memory_space<semaphore_mem>>)
        %dma_wait3A_238 = arith.constant 0 : i32
        %dma_wait3A_239 = arith.constant 0 : i32
        %dma_wait3A_240 = tpu.memref_slice %arg16[%run_scoped3A, %dma_wait3A_238, %dma_wait3A_239] : memref<2x64x128xf32, #tpu.memory_space<vmem>> -> memref<1x64x128xf32, #tpu.memory_space<vmem>>
        %dma_wait3A_241 = tpu.memref_squeeze %dma_wait3A_240 : memref<1x64x128xf32, #tpu.memory_space<vmem>> -> memref<64x128xf32, #tpu.memory_space<vmem>>
        %dma_wait3A_242 = arith.constant 0 : i32
        %dma_wait3A_243 = tpu.memref_slice %arg17[%mul3A_224, %dma_wait3A_242] : memref<10240x128xf32, #tpu.memory_space<vmem_shared>> -> memref<64x128xf32, #tpu.memory_space<vmem_shared>>
        %dma_wait3A_244 = arith.constant 0 : i32
        %dma_wait3A_245 = tpu.memref_slice %arg17[%mul3A_224, %dma_wait3A_244] : memref<10240x128xf32, #tpu.memory_space<vmem_shared>> -> memref<64x128xf32, #tpu.memory_space<vmem_shared>>
        %dma_wait3A_246 = arith.constant 0 : i32
        %dma_wait3A_247 = arith.constant 0 : i32
        %dma_wait3A_248 = tpu.memref_slice %arg16[%run_scoped3A, %dma_wait3A_246, %dma_wait3A_247] : memref<2x64x128xf32, #tpu.memory_space<vmem>> -> memref<1x64x128xf32, #tpu.memory_space<vmem>>
        %dma_wait3A_249 = tpu.memref_squeeze %dma_wait3A_248 : memref<1x64x128xf32, #tpu.memory_space<vmem>> -> memref<64x128xf32, #tpu.memory_space<vmem>>
        tpu.wait_dma2 semaphore(%run_scoped3A_225 : memref<!tpu.dma_semaphore, #tpu.memory_space<semaphore_mem>>) src(%dma_wait3A_249 : memref<64x128xf32, #tpu.memory_space<vmem>>) dst(%dma_wait3A_245 : memref<64x128xf32, #tpu.memory_space<vmem_shared>>)
        tpu.yield
      }) : () -> ()
    } else {
    }
    %add3A_13 = arith.constant 16 : i32
    %add3A_14 = arith.addi %arg1, %add3A_13 : i32
    %lt3A_15 = arith.constant 160 : i32
    %lt3A_16 = arith.cmpi slt, %add3A_14, %lt3A_15 : i32
    %convert_element_type3A_17 = arith.extui %lt3A_16 : i1 to i32
    %cond3A_18 = arith.constant 0 : i32
    %cond3A_19 = arith.cmpi ne, %convert_element_type3A_17, %cond3A_18 : i32
    scf.if %cond3A_19 {
      %mul3A_223 = arith.constant 64 : i32
      %mul3A_224 = arith.muli %add3A_14, %mul3A_223 : i32
      %run_scoped3A = arith.constant 0 : i32
      "tpu.region"() ({
        %run_scoped3A_225 = tpu.sem_alloc : memref<!tpu.dma_semaphore, #tpu.memory_space<semaphore_mem>>
        %dma_start3A_226 = arith.constant 0 : i32
        %dma_start3A_227 = arith.constant 0 : i32
        %dma_start3A_228 = tpu.memref_slice %arg16[%run_scoped3A, %dma_start3A_226, %dma_start3A_227] : memref<2x64x128xf32, #tpu.memory_space<vmem>> -> memref<1x64x128xf32, #tpu.memory_space<vmem>>
        %dma_start3A_229 = tpu.memref_squeeze %dma_start3A_228 : memref<1x64x128xf32, #tpu.memory_space<vmem>> -> memref<64x128xf32, #tpu.memory_space<vmem>>
        %dma_start3A_230 = arith.constant 0 : i32
        %dma_start3A_231 = tpu.memref_slice %arg17[%mul3A_224, %dma_start3A_230] : memref<10240x128xf32, #tpu.memory_space<vmem_shared>> -> memref<64x128xf32, #tpu.memory_space<vmem_shared>>
        %dma_start3A_232 = arith.constant 0 : i32
        %dma_start3A_233 = tpu.memref_slice %arg17[%mul3A_224, %dma_start3A_232] : memref<10240x128xf32, #tpu.memory_space<vmem_shared>> -> memref<64x128xf32, #tpu.memory_space<vmem_shared>>
        %dma_start3A_234 = arith.constant 0 : i32
        %dma_start3A_235 = arith.constant 0 : i32
        %dma_start3A_236 = tpu.memref_slice %arg16[%run_scoped3A, %dma_start3A_234, %dma_start3A_235] : memref<2x64x128xf32, #tpu.memory_space<vmem>> -> memref<1x64x128xf32, #tpu.memory_space<vmem>>
        %dma_start3A_237 = tpu.memref_squeeze %dma_start3A_236 : memref<1x64x128xf32, #tpu.memory_space<vmem>> -> memref<64x128xf32, #tpu.memory_space<vmem>>
        tpu.enqueue_dma source(%dma_start3A_237 : memref<64x128xf32, #tpu.memory_space<vmem>>) target(%dma_start3A_233 : memref<64x128xf32, #tpu.memory_space<vmem_shared>>) target_semaphore(%run_scoped3A_225 : memref<!tpu.dma_semaphore, #tpu.memory_space<semaphore_mem>>)
        %dma_wait3A_238 = arith.constant 0 : i32
        %dma_wait3A_239 = arith.constant 0 : i32
        %dma_wait3A_240 = tpu.memref_slice %arg16[%run_scoped3A, %dma_wait3A_238, %dma_wait3A_239] : memref<2x64x128xf32, #tpu.memory_space<vmem>> -> memref<1x64x128xf32, #tpu.memory_space<vmem>>
        %dma_wait3A_241 = tpu.memref_squeeze %dma_wait3A_240 : memref<1x64x128xf32, #tpu.memory_space<vmem>> -> memref<64x128xf32, #tpu.memory_space<vmem>>
        %dma_wait3A_242 = arith.constant 0 : i32
        %dma_wait3A_243 = tpu.memref_slice %arg17[%mul3A_224, %dma_wait3A_242] : memref<10240x128xf32, #tpu.memory_space<vmem_shared>> -> memref<64x128xf32, #tpu.memory_space<vmem_shared>>
        %dma_wait3A_244 = arith.constant 0 : i32
        %dma_wait3A_245 = tpu.memref_slice %arg17[%mul3A_224, %dma_wait3A_244] : memref<10240x128xf32, #tpu.memory_space<vmem_shared>> -> memref<64x128xf32, #tpu.memory_space<vmem_shared>>
        %dma_wait3A_246 = arith.constant 0 : i32
        %dma_wait3A_247 = arith.constant 0 : i32
        %dma_wait3A_248 = tpu.memref_slice %arg16[%run_scoped3A, %dma_wait3A_246, %dma_wait3A_247] : memref<2x64x128xf32, #tpu.memory_space<vmem>> -> memref<1x64x128xf32, #tpu.memory_space<vmem>>
        %dma_wait3A_249 = tpu.memref_squeeze %dma_wait3A_248 : memref<1x64x128xf32, #tpu.memory_space<vmem>> -> memref<64x128xf32, #tpu.memory_space<vmem>>
        tpu.wait_dma2 semaphore(%run_scoped3A_225 : memref<!tpu.dma_semaphore, #tpu.memory_space<semaphore_mem>>) src(%dma_wait3A_249 : memref<64x128xf32, #tpu.memory_space<vmem>>) dst(%dma_wait3A_245 : memref<64x128xf32, #tpu.memory_space<vmem_shared>>)
        tpu.yield
      }) : () -> ()
    } else {
    }
    %add3A_20 = arith.constant 32 : i32
    %add3A_21 = arith.addi %arg1, %add3A_20 : i32
    %lt3A_22 = arith.constant 160 : i32
    %lt3A_23 = arith.cmpi slt, %add3A_21, %lt3A_22 : i32
    %convert_element_type3A_24 = arith.extui %lt3A_23 : i1 to i32
    %cond3A_25 = arith.constant 0 : i32
    %cond3A_26 = arith.cmpi ne, %convert_element_type3A_24, %cond3A_25 : i32
    scf.if %cond3A_26 {
      %mul3A_223 = arith.constant 64 : i32
      %mul3A_224 = arith.muli %add3A_21, %mul3A_223 : i32
      %run_scoped3A = arith.constant 0 : i32
      "tpu.region"() ({
        %run_scoped3A_225 = tpu.sem_alloc : memref<!tpu.dma_semaphore, #tpu.memory_space<semaphore_mem>>
        %dma_start3A_226 = arith.constant 0 : i32
        %dma_start3A_227 = arith.constant 0 : i32
        %dma_start3A_228 = tpu.memref_slice %arg16[%run_scoped3A, %dma_start3A_226, %dma_start3A_227] : memref<2x64x128xf32, #tpu.memory_space<vmem>> -> memref<1x64x128xf32, #tpu.memory_space<vmem>>
        %dma_start3A_229 = tpu.memref_squeeze %dma_start3A_228 : memref<1x64x128xf32, #tpu.memory_space<vmem>> -> memref<64x128xf32, #tpu.memory_space<vmem>>
        %dma_start3A_230 = arith.constant 0 : i32
        %dma_start3A_231 = tpu.memref_slice %arg17[%mul3A_224, %dma_start3A_230] : memref<10240x128xf32, #tpu.memory_space<vmem_shared>> -> memref<64x128xf32, #tpu.memory_space<vmem_shared>>
        %dma_start3A_232 = arith.constant 0 : i32
        %dma_start3A_233 = tpu.memref_slice %arg17[%mul3A_224, %dma_start3A_232] : memref<10240x128xf32, #tpu.memory_space<vmem_shared>> -> memref<64x128xf32, #tpu.memory_space<vmem_shared>>
        %dma_start3A_234 = arith.constant 0 : i32
        %dma_start3A_235 = arith.constant 0 : i32
        %dma_start3A_236 = tpu.memref_slice %arg16[%run_scoped3A, %dma_start3A_234, %dma_start3A_235] : memref<2x64x128xf32, #tpu.memory_space<vmem>> -> memref<1x64x128xf32, #tpu.memory_space<vmem>>
        %dma_start3A_237 = tpu.memref_squeeze %dma_start3A_236 : memref<1x64x128xf32, #tpu.memory_space<vmem>> -> memref<64x128xf32, #tpu.memory_space<vmem>>
        tpu.enqueue_dma source(%dma_start3A_237 : memref<64x128xf32, #tpu.memory_space<vmem>>) target(%dma_start3A_233 : memref<64x128xf32, #tpu.memory_space<vmem_shared>>) target_semaphore(%run_scoped3A_225 : memref<!tpu.dma_semaphore, #tpu.memory_space<semaphore_mem>>)
        %dma_wait3A_238 = arith.constant 0 : i32
        %dma_wait3A_239 = arith.constant 0 : i32
        %dma_wait3A_240 = tpu.memref_slice %arg16[%run_scoped3A, %dma_wait3A_238, %dma_wait3A_239] : memref<2x64x128xf32, #tpu.memory_space<vmem>> -> memref<1x64x128xf32, #tpu.memory_space<vmem>>
        %dma_wait3A_241 = tpu.memref_squeeze %dma_wait3A_240 : memref<1x64x128xf32, #tpu.memory_space<vmem>> -> memref<64x128xf32, #tpu.memory_space<vmem>>
        %dma_wait3A_242 = arith.constant 0 : i32
        %dma_wait3A_243 = tpu.memref_slice %arg17[%mul3A_224, %dma_wait3A_242] : memref<10240x128xf32, #tpu.memory_space<vmem_shared>> -> memref<64x128xf32, #tpu.memory_space<vmem_shared>>
        %dma_wait3A_244 = arith.constant 0 : i32
        %dma_wait3A_245 = tpu.memref_slice %arg17[%mul3A_224, %dma_wait3A_244] : memref<10240x128xf32, #tpu.memory_space<vmem_shared>> -> memref<64x128xf32, #tpu.memory_space<vmem_shared>>
        %dma_wait3A_246 = arith.constant 0 : i32
        %dma_wait3A_247 = arith.constant 0 : i32
        %dma_wait3A_248 = tpu.memref_slice %arg16[%run_scoped3A, %dma_wait3A_246, %dma_wait3A_247] : memref<2x64x128xf32, #tpu.memory_space<vmem>> -> memref<1x64x128xf32, #tpu.memory_space<vmem>>
        %dma_wait3A_249 = tpu.memref_squeeze %dma_wait3A_248 : memref<1x64x128xf32, #tpu.memory_space<vmem>> -> memref<64x128xf32, #tpu.memory_space<vmem>>
        tpu.wait_dma2 semaphore(%run_scoped3A_225 : memref<!tpu.dma_semaphore, #tpu.memory_space<semaphore_mem>>) src(%dma_wait3A_249 : memref<64x128xf32, #tpu.memory_space<vmem>>) dst(%dma_wait3A_245 : memref<64x128xf32, #tpu.memory_space<vmem_shared>>)
        tpu.yield
      }) : () -> ()
    } else {
    }
    %add3A_27 = arith.constant 48 : i32
    %add3A_28 = arith.addi %arg1, %add3A_27 : i32
    %lt3A_29 = arith.constant 160 : i32
    %lt3A_30 = arith.cmpi slt, %add3A_28, %lt3A_29 : i32
    %convert_element_type3A_31 = arith.extui %lt3A_30 : i1 to i32
    %cond3A_32 = arith.constant 0 : i32
    %cond3A_33 = arith.cmpi ne, %convert_element_type3A_31, %cond3A_32 : i32
    scf.if %cond3A_33 {
      %mul3A_223 = arith.constant 64 : i32
      %mul3A_224 = arith.muli %add3A_28, %mul3A_223 : i32
      %run_scoped3A = arith.constant 0 : i32
      "tpu.region"() ({
        %run_scoped3A_225 = tpu.sem_alloc : memref<!tpu.dma_semaphore, #tpu.memory_space<semaphore_mem>>
        %dma_start3A_226 = arith.constant 0 : i32
        %dma_start3A_227 = arith.constant 0 : i32
        %dma_start3A_228 = tpu.memref_slice %arg16[%run_scoped3A, %dma_start3A_226, %dma_start3A_227] : memref<2x64x128xf32, #tpu.memory_space<vmem>> -> memref<1x64x128xf32, #tpu.memory_space<vmem>>
        %dma_start3A_229 = tpu.memref_squeeze %dma_start3A_228 : memref<1x64x128xf32, #tpu.memory_space<vmem>> -> memref<64x128xf32, #tpu.memory_space<vmem>>
        %dma_start3A_230 = arith.constant 0 : i32
        %dma_start3A_231 = tpu.memref_slice %arg17[%mul3A_224, %dma_start3A_230] : memref<10240x128xf32, #tpu.memory_space<vmem_shared>> -> memref<64x128xf32, #tpu.memory_space<vmem_shared>>
        %dma_start3A_232 = arith.constant 0 : i32
        %dma_start3A_233 = tpu.memref_slice %arg17[%mul3A_224, %dma_start3A_232] : memref<10240x128xf32, #tpu.memory_space<vmem_shared>> -> memref<64x128xf32, #tpu.memory_space<vmem_shared>>
        %dma_start3A_234 = arith.constant 0 : i32
        %dma_start3A_235 = arith.constant 0 : i32
        %dma_start3A_236 = tpu.memref_slice %arg16[%run_scoped3A, %dma_start3A_234, %dma_start3A_235] : memref<2x64x128xf32, #tpu.memory_space<vmem>> -> memref<1x64x128xf32, #tpu.memory_space<vmem>>
        %dma_start3A_237 = tpu.memref_squeeze %dma_start3A_236 : memref<1x64x128xf32, #tpu.memory_space<vmem>> -> memref<64x128xf32, #tpu.memory_space<vmem>>
        tpu.enqueue_dma source(%dma_start3A_237 : memref<64x128xf32, #tpu.memory_space<vmem>>) target(%dma_start3A_233 : memref<64x128xf32, #tpu.memory_space<vmem_shared>>) target_semaphore(%run_scoped3A_225 : memref<!tpu.dma_semaphore, #tpu.memory_space<semaphore_mem>>)
        %dma_wait3A_238 = arith.constant 0 : i32
        %dma_wait3A_239 = arith.constant 0 : i32
        %dma_wait3A_240 = tpu.memref_slice %arg16[%run_scoped3A, %dma_wait3A_238, %dma_wait3A_239] : memref<2x64x128xf32, #tpu.memory_space<vmem>> -> memref<1x64x128xf32, #tpu.memory_space<vmem>>
        %dma_wait3A_241 = tpu.memref_squeeze %dma_wait3A_240 : memref<1x64x128xf32, #tpu.memory_space<vmem>> -> memref<64x128xf32, #tpu.memory_space<vmem>>
        %dma_wait3A_242 = arith.constant 0 : i32
        %dma_wait3A_243 = tpu.memref_slice %arg17[%mul3A_224, %dma_wait3A_242] : memref<10240x128xf32, #tpu.memory_space<vmem_shared>> -> memref<64x128xf32, #tpu.memory_space<vmem_shared>>
        %dma_wait3A_244 = arith.constant 0 : i32
        %dma_wait3A_245 = tpu.memref_slice %arg17[%mul3A_224, %dma_wait3A_244] : memref<10240x128xf32, #tpu.memory_space<vmem_shared>> -> memref<64x128xf32, #tpu.memory_space<vmem_shared>>
        %dma_wait3A_246 = arith.constant 0 : i32
        %dma_wait3A_247 = arith.constant 0 : i32
        %dma_wait3A_248 = tpu.memref_slice %arg16[%run_scoped3A, %dma_wait3A_246, %dma_wait3A_247] : memref<2x64x128xf32, #tpu.memory_space<vmem>> -> memref<1x64x128xf32, #tpu.memory_space<vmem>>
        %dma_wait3A_249 = tpu.memref_squeeze %dma_wait3A_248 : memref<1x64x128xf32, #tpu.memory_space<vmem>> -> memref<64x128xf32, #tpu.memory_space<vmem>>
        tpu.wait_dma2 semaphore(%run_scoped3A_225 : memref<!tpu.dma_semaphore, #tpu.memory_space<semaphore_mem>>) src(%dma_wait3A_249 : memref<64x128xf32, #tpu.memory_space<vmem>>) dst(%dma_wait3A_245 : memref<64x128xf32, #tpu.memory_space<vmem_shared>>)
        tpu.yield
      }) : () -> ()
    } else {
    }
    %add3A_34 = arith.constant 64 : i32
    %add3A_35 = arith.addi %arg1, %add3A_34 : i32
    %lt3A_36 = arith.constant 160 : i32
    %lt3A_37 = arith.cmpi slt, %add3A_35, %lt3A_36 : i32
    %convert_element_type3A_38 = arith.extui %lt3A_37 : i1 to i32
    %cond3A_39 = arith.constant 0 : i32
    %cond3A_40 = arith.cmpi ne, %convert_element_type3A_38, %cond3A_39 : i32
    scf.if %cond3A_40 {
      %mul3A_223 = arith.constant 64 : i32
      %mul3A_224 = arith.muli %add3A_35, %mul3A_223 : i32
      %run_scoped3A = arith.constant 0 : i32
      "tpu.region"() ({
        %run_scoped3A_225 = tpu.sem_alloc : memref<!tpu.dma_semaphore, #tpu.memory_space<semaphore_mem>>
        %dma_start3A_226 = arith.constant 0 : i32
        %dma_start3A_227 = arith.constant 0 : i32
        %dma_start3A_228 = tpu.memref_slice %arg16[%run_scoped3A, %dma_start3A_226, %dma_start3A_227] : memref<2x64x128xf32, #tpu.memory_space<vmem>> -> memref<1x64x128xf32, #tpu.memory_space<vmem>>
        %dma_start3A_229 = tpu.memref_squeeze %dma_start3A_228 : memref<1x64x128xf32, #tpu.memory_space<vmem>> -> memref<64x128xf32, #tpu.memory_space<vmem>>
        %dma_start3A_230 = arith.constant 0 : i32
        %dma_start3A_231 = tpu.memref_slice %arg17[%mul3A_224, %dma_start3A_230] : memref<10240x128xf32, #tpu.memory_space<vmem_shared>> -> memref<64x128xf32, #tpu.memory_space<vmem_shared>>
        %dma_start3A_232 = arith.constant 0 : i32
        %dma_start3A_233 = tpu.memref_slice %arg17[%mul3A_224, %dma_start3A_232] : memref<10240x128xf32, #tpu.memory_space<vmem_shared>> -> memref<64x128xf32, #tpu.memory_space<vmem_shared>>
        %dma_start3A_234 = arith.constant 0 : i32
        %dma_start3A_235 = arith.constant 0 : i32
        %dma_start3A_236 = tpu.memref_slice %arg16[%run_scoped3A, %dma_start3A_234, %dma_start3A_235] : memref<2x64x128xf32, #tpu.memory_space<vmem>> -> memref<1x64x128xf32, #tpu.memory_space<vmem>>
        %dma_start3A_237 = tpu.memref_squeeze %dma_start3A_236 : memref<1x64x128xf32, #tpu.memory_space<vmem>> -> memref<64x128xf32, #tpu.memory_space<vmem>>
        tpu.enqueue_dma source(%dma_start3A_237 : memref<64x128xf32, #tpu.memory_space<vmem>>) target(%dma_start3A_233 : memref<64x128xf32, #tpu.memory_space<vmem_shared>>) target_semaphore(%run_scoped3A_225 : memref<!tpu.dma_semaphore, #tpu.memory_space<semaphore_mem>>)
        %dma_wait3A_238 = arith.constant 0 : i32
        %dma_wait3A_239 = arith.constant 0 : i32
        %dma_wait3A_240 = tpu.memref_slice %arg16[%run_scoped3A, %dma_wait3A_238, %dma_wait3A_239] : memref<2x64x128xf32, #tpu.memory_space<vmem>> -> memref<1x64x128xf32, #tpu.memory_space<vmem>>
        %dma_wait3A_241 = tpu.memref_squeeze %dma_wait3A_240 : memref<1x64x128xf32, #tpu.memory_space<vmem>> -> memref<64x128xf32, #tpu.memory_space<vmem>>
        %dma_wait3A_242 = arith.constant 0 : i32
        %dma_wait3A_243 = tpu.memref_slice %arg17[%mul3A_224, %dma_wait3A_242] : memref<10240x128xf32, #tpu.memory_space<vmem_shared>> -> memref<64x128xf32, #tpu.memory_space<vmem_shared>>
        %dma_wait3A_244 = arith.constant 0 : i32
        %dma_wait3A_245 = tpu.memref_slice %arg17[%mul3A_224, %dma_wait3A_244] : memref<10240x128xf32, #tpu.memory_space<vmem_shared>> -> memref<64x128xf32, #tpu.memory_space<vmem_shared>>
        %dma_wait3A_246 = arith.constant 0 : i32
        %dma_wait3A_247 = arith.constant 0 : i32
        %dma_wait3A_248 = tpu.memref_slice %arg16[%run_scoped3A, %dma_wait3A_246, %dma_wait3A_247] : memref<2x64x128xf32, #tpu.memory_space<vmem>> -> memref<1x64x128xf32, #tpu.memory_space<vmem>>
        %dma_wait3A_249 = tpu.memref_squeeze %dma_wait3A_248 : memref<1x64x128xf32, #tpu.memory_space<vmem>> -> memref<64x128xf32, #tpu.memory_space<vmem>>
        tpu.wait_dma2 semaphore(%run_scoped3A_225 : memref<!tpu.dma_semaphore, #tpu.memory_space<semaphore_mem>>) src(%dma_wait3A_249 : memref<64x128xf32, #tpu.memory_space<vmem>>) dst(%dma_wait3A_245 : memref<64x128xf32, #tpu.memory_space<vmem_shared>>)
        tpu.yield
      }) : () -> ()
    } else {
    }
    %add3A_41 = arith.constant 80 : i32
    %add3A_42 = arith.addi %arg1, %add3A_41 : i32
    %lt3A_43 = arith.constant 160 : i32
    %lt3A_44 = arith.cmpi slt, %add3A_42, %lt3A_43 : i32
    %convert_element_type3A_45 = arith.extui %lt3A_44 : i1 to i32
    %cond3A_46 = arith.constant 0 : i32
    %cond3A_47 = arith.cmpi ne, %convert_element_type3A_45, %cond3A_46 : i32
    scf.if %cond3A_47 {
      %mul3A_223 = arith.constant 64 : i32
      %mul3A_224 = arith.muli %add3A_42, %mul3A_223 : i32
      %run_scoped3A = arith.constant 0 : i32
      "tpu.region"() ({
        %run_scoped3A_225 = tpu.sem_alloc : memref<!tpu.dma_semaphore, #tpu.memory_space<semaphore_mem>>
        %dma_start3A_226 = arith.constant 0 : i32
        %dma_start3A_227 = arith.constant 0 : i32
        %dma_start3A_228 = tpu.memref_slice %arg16[%run_scoped3A, %dma_start3A_226, %dma_start3A_227] : memref<2x64x128xf32, #tpu.memory_space<vmem>> -> memref<1x64x128xf32, #tpu.memory_space<vmem>>
        %dma_start3A_229 = tpu.memref_squeeze %dma_start3A_228 : memref<1x64x128xf32, #tpu.memory_space<vmem>> -> memref<64x128xf32, #tpu.memory_space<vmem>>
        %dma_start3A_230 = arith.constant 0 : i32
        %dma_start3A_231 = tpu.memref_slice %arg17[%mul3A_224, %dma_start3A_230] : memref<10240x128xf32, #tpu.memory_space<vmem_shared>> -> memref<64x128xf32, #tpu.memory_space<vmem_shared>>
        %dma_start3A_232 = arith.constant 0 : i32
        %dma_start3A_233 = tpu.memref_slice %arg17[%mul3A_224, %dma_start3A_232] : memref<10240x128xf32, #tpu.memory_space<vmem_shared>> -> memref<64x128xf32, #tpu.memory_space<vmem_shared>>
        %dma_start3A_234 = arith.constant 0 : i32
        %dma_start3A_235 = arith.constant 0 : i32
        %dma_start3A_236 = tpu.memref_slice %arg16[%run_scoped3A, %dma_start3A_234, %dma_start3A_235] : memref<2x64x128xf32, #tpu.memory_space<vmem>> -> memref<1x64x128xf32, #tpu.memory_space<vmem>>
        %dma_start3A_237 = tpu.memref_squeeze %dma_start3A_236 : memref<1x64x128xf32, #tpu.memory_space<vmem>> -> memref<64x128xf32, #tpu.memory_space<vmem>>
        tpu.enqueue_dma source(%dma_start3A_237 : memref<64x128xf32, #tpu.memory_space<vmem>>) target(%dma_start3A_233 : memref<64x128xf32, #tpu.memory_space<vmem_shared>>) target_semaphore(%run_scoped3A_225 : memref<!tpu.dma_semaphore, #tpu.memory_space<semaphore_mem>>)
        %dma_wait3A_238 = arith.constant 0 : i32
        %dma_wait3A_239 = arith.constant 0 : i32
        %dma_wait3A_240 = tpu.memref_slice %arg16[%run_scoped3A, %dma_wait3A_238, %dma_wait3A_239] : memref<2x64x128xf32, #tpu.memory_space<vmem>> -> memref<1x64x128xf32, #tpu.memory_space<vmem>>
        %dma_wait3A_241 = tpu.memref_squeeze %dma_wait3A_240 : memref<1x64x128xf32, #tpu.memory_space<vmem>> -> memref<64x128xf32, #tpu.memory_space<vmem>>
        %dma_wait3A_242 = arith.constant 0 : i32
        %dma_wait3A_243 = tpu.memref_slice %arg17[%mul3A_224, %dma_wait3A_242] : memref<10240x128xf32, #tpu.memory_space<vmem_shared>> -> memref<64x128xf32, #tpu.memory_space<vmem_shared>>
        %dma_wait3A_244 = arith.constant 0 : i32
        %dma_wait3A_245 = tpu.memref_slice %arg17[%mul3A_224, %dma_wait3A_244] : memref<10240x128xf32, #tpu.memory_space<vmem_shared>> -> memref<64x128xf32, #tpu.memory_space<vmem_shared>>
        %dma_wait3A_246 = arith.constant 0 : i32
        %dma_wait3A_247 = arith.constant 0 : i32
        %dma_wait3A_248 = tpu.memref_slice %arg16[%run_scoped3A, %dma_wait3A_246, %dma_wait3A_247] : memref<2x64x128xf32, #tpu.memory_space<vmem>> -> memref<1x64x128xf32, #tpu.memory_space<vmem>>
        %dma_wait3A_249 = tpu.memref_squeeze %dma_wait3A_248 : memref<1x64x128xf32, #tpu.memory_space<vmem>> -> memref<64x128xf32, #tpu.memory_space<vmem>>
        tpu.wait_dma2 semaphore(%run_scoped3A_225 : memref<!tpu.dma_semaphore, #tpu.memory_space<semaphore_mem>>) src(%dma_wait3A_249 : memref<64x128xf32, #tpu.memory_space<vmem>>) dst(%dma_wait3A_245 : memref<64x128xf32, #tpu.memory_space<vmem_shared>>)
        tpu.yield
      }) : () -> ()
    } else {
    }
    %add3A_48 = arith.constant 96 : i32
    %add3A_49 = arith.addi %arg1, %add3A_48 : i32
    %lt3A_50 = arith.constant 160 : i32
    %lt3A_51 = arith.cmpi slt, %add3A_49, %lt3A_50 : i32
    %convert_element_type3A_52 = arith.extui %lt3A_51 : i1 to i32
    %cond3A_53 = arith.constant 0 : i32
    %cond3A_54 = arith.cmpi ne, %convert_element_type3A_52, %cond3A_53 : i32
    scf.if %cond3A_54 {
      %mul3A_223 = arith.constant 64 : i32
      %mul3A_224 = arith.muli %add3A_49, %mul3A_223 : i32
      %run_scoped3A = arith.constant 0 : i32
      "tpu.region"() ({
        %run_scoped3A_225 = tpu.sem_alloc : memref<!tpu.dma_semaphore, #tpu.memory_space<semaphore_mem>>
        %dma_start3A_226 = arith.constant 0 : i32
        %dma_start3A_227 = arith.constant 0 : i32
        %dma_start3A_228 = tpu.memref_slice %arg16[%run_scoped3A, %dma_start3A_226, %dma_start3A_227] : memref<2x64x128xf32, #tpu.memory_space<vmem>> -> memref<1x64x128xf32, #tpu.memory_space<vmem>>
        %dma_start3A_229 = tpu.memref_squeeze %dma_start3A_228 : memref<1x64x128xf32, #tpu.memory_space<vmem>> -> memref<64x128xf32, #tpu.memory_space<vmem>>
        %dma_start3A_230 = arith.constant 0 : i32
        %dma_start3A_231 = tpu.memref_slice %arg17[%mul3A_224, %dma_start3A_230] : memref<10240x128xf32, #tpu.memory_space<vmem_shared>> -> memref<64x128xf32, #tpu.memory_space<vmem_shared>>
        %dma_start3A_232 = arith.constant 0 : i32
        %dma_start3A_233 = tpu.memref_slice %arg17[%mul3A_224, %dma_start3A_232] : memref<10240x128xf32, #tpu.memory_space<vmem_shared>> -> memref<64x128xf32, #tpu.memory_space<vmem_shared>>
        %dma_start3A_234 = arith.constant 0 : i32
        %dma_start3A_235 = arith.constant 0 : i32
        %dma_start3A_236 = tpu.memref_slice %arg16[%run_scoped3A, %dma_start3A_234, %dma_start3A_235] : memref<2x64x128xf32, #tpu.memory_space<vmem>> -> memref<1x64x128xf32, #tpu.memory_space<vmem>>
        %dma_start3A_237 = tpu.memref_squeeze %dma_start3A_236 : memref<1x64x128xf32, #tpu.memory_space<vmem>> -> memref<64x128xf32, #tpu.memory_space<vmem>>
        tpu.enqueue_dma source(%dma_start3A_237 : memref<64x128xf32, #tpu.memory_space<vmem>>) target(%dma_start3A_233 : memref<64x128xf32, #tpu.memory_space<vmem_shared>>) target_semaphore(%run_scoped3A_225 : memref<!tpu.dma_semaphore, #tpu.memory_space<semaphore_mem>>)
        %dma_wait3A_238 = arith.constant 0 : i32
        %dma_wait3A_239 = arith.constant 0 : i32
        %dma_wait3A_240 = tpu.memref_slice %arg16[%run_scoped3A, %dma_wait3A_238, %dma_wait3A_239] : memref<2x64x128xf32, #tpu.memory_space<vmem>> -> memref<1x64x128xf32, #tpu.memory_space<vmem>>
        %dma_wait3A_241 = tpu.memref_squeeze %dma_wait3A_240 : memref<1x64x128xf32, #tpu.memory_space<vmem>> -> memref<64x128xf32, #tpu.memory_space<vmem>>
        %dma_wait3A_242 = arith.constant 0 : i32
        %dma_wait3A_243 = tpu.memref_slice %arg17[%mul3A_224, %dma_wait3A_242] : memref<10240x128xf32, #tpu.memory_space<vmem_shared>> -> memref<64x128xf32, #tpu.memory_space<vmem_shared>>
        %dma_wait3A_244 = arith.constant 0 : i32
        %dma_wait3A_245 = tpu.memref_slice %arg17[%mul3A_224, %dma_wait3A_244] : memref<10240x128xf32, #tpu.memory_space<vmem_shared>> -> memref<64x128xf32, #tpu.memory_space<vmem_shared>>
        %dma_wait3A_246 = arith.constant 0 : i32
        %dma_wait3A_247 = arith.constant 0 : i32
        %dma_wait3A_248 = tpu.memref_slice %arg16[%run_scoped3A, %dma_wait3A_246, %dma_wait3A_247] : memref<2x64x128xf32, #tpu.memory_space<vmem>> -> memref<1x64x128xf32, #tpu.memory_space<vmem>>
        %dma_wait3A_249 = tpu.memref_squeeze %dma_wait3A_248 : memref<1x64x128xf32, #tpu.memory_space<vmem>> -> memref<64x128xf32, #tpu.memory_space<vmem>>
        tpu.wait_dma2 semaphore(%run_scoped3A_225 : memref<!tpu.dma_semaphore, #tpu.memory_space<semaphore_mem>>) src(%dma_wait3A_249 : memref<64x128xf32, #tpu.memory_space<vmem>>) dst(%dma_wait3A_245 : memref<64x128xf32, #tpu.memory_space<vmem_shared>>)
        tpu.yield
      }) : () -> ()
    } else {
    }
    %add3A_55 = arith.constant 112 : i32
    %add3A_56 = arith.addi %arg1, %add3A_55 : i32
    %lt3A_57 = arith.constant 160 : i32
    %lt3A_58 = arith.cmpi slt, %add3A_56, %lt3A_57 : i32
    %convert_element_type3A_59 = arith.extui %lt3A_58 : i1 to i32
    %cond3A_60 = arith.constant 0 : i32
    %cond3A_61 = arith.cmpi ne, %convert_element_type3A_59, %cond3A_60 : i32
    scf.if %cond3A_61 {
      %mul3A_223 = arith.constant 64 : i32
      %mul3A_224 = arith.muli %add3A_56, %mul3A_223 : i32
      %run_scoped3A = arith.constant 0 : i32
      "tpu.region"() ({
        %run_scoped3A_225 = tpu.sem_alloc : memref<!tpu.dma_semaphore, #tpu.memory_space<semaphore_mem>>
        %dma_start3A_226 = arith.constant 0 : i32
        %dma_start3A_227 = arith.constant 0 : i32
        %dma_start3A_228 = tpu.memref_slice %arg16[%run_scoped3A, %dma_start3A_226, %dma_start3A_227] : memref<2x64x128xf32, #tpu.memory_space<vmem>> -> memref<1x64x128xf32, #tpu.memory_space<vmem>>
        %dma_start3A_229 = tpu.memref_squeeze %dma_start3A_228 : memref<1x64x128xf32, #tpu.memory_space<vmem>> -> memref<64x128xf32, #tpu.memory_space<vmem>>
        %dma_start3A_230 = arith.constant 0 : i32
        %dma_start3A_231 = tpu.memref_slice %arg17[%mul3A_224, %dma_start3A_230] : memref<10240x128xf32, #tpu.memory_space<vmem_shared>> -> memref<64x128xf32, #tpu.memory_space<vmem_shared>>
        %dma_start3A_232 = arith.constant 0 : i32
        %dma_start3A_233 = tpu.memref_slice %arg17[%mul3A_224, %dma_start3A_232] : memref<10240x128xf32, #tpu.memory_space<vmem_shared>> -> memref<64x128xf32, #tpu.memory_space<vmem_shared>>
        %dma_start3A_234 = arith.constant 0 : i32
        %dma_start3A_235 = arith.constant 0 : i32
        %dma_start3A_236 = tpu.memref_slice %arg16[%run_scoped3A, %dma_start3A_234, %dma_start3A_235] : memref<2x64x128xf32, #tpu.memory_space<vmem>> -> memref<1x64x128xf32, #tpu.memory_space<vmem>>
        %dma_start3A_237 = tpu.memref_squeeze %dma_start3A_236 : memref<1x64x128xf32, #tpu.memory_space<vmem>> -> memref<64x128xf32, #tpu.memory_space<vmem>>
        tpu.enqueue_dma source(%dma_start3A_237 : memref<64x128xf32, #tpu.memory_space<vmem>>) target(%dma_start3A_233 : memref<64x128xf32, #tpu.memory_space<vmem_shared>>) target_semaphore(%run_scoped3A_225 : memref<!tpu.dma_semaphore, #tpu.memory_space<semaphore_mem>>)
        %dma_wait3A_238 = arith.constant 0 : i32
        %dma_wait3A_239 = arith.constant 0 : i32
        %dma_wait3A_240 = tpu.memref_slice %arg16[%run_scoped3A, %dma_wait3A_238, %dma_wait3A_239] : memref<2x64x128xf32, #tpu.memory_space<vmem>> -> memref<1x64x128xf32, #tpu.memory_space<vmem>>
        %dma_wait3A_241 = tpu.memref_squeeze %dma_wait3A_240 : memref<1x64x128xf32, #tpu.memory_space<vmem>> -> memref<64x128xf32, #tpu.memory_space<vmem>>
        %dma_wait3A_242 = arith.constant 0 : i32
        %dma_wait3A_243 = tpu.memref_slice %arg17[%mul3A_224, %dma_wait3A_242] : memref<10240x128xf32, #tpu.memory_space<vmem_shared>> -> memref<64x128xf32, #tpu.memory_space<vmem_shared>>
        %dma_wait3A_244 = arith.constant 0 : i32
        %dma_wait3A_245 = tpu.memref_slice %arg17[%mul3A_224, %dma_wait3A_244] : memref<10240x128xf32, #tpu.memory_space<vmem_shared>> -> memref<64x128xf32, #tpu.memory_space<vmem_shared>>
        %dma_wait3A_246 = arith.constant 0 : i32
        %dma_wait3A_247 = arith.constant 0 : i32
        %dma_wait3A_248 = tpu.memref_slice %arg16[%run_scoped3A, %dma_wait3A_246, %dma_wait3A_247] : memref<2x64x128xf32, #tpu.memory_space<vmem>> -> memref<1x64x128xf32, #tpu.memory_space<vmem>>
        %dma_wait3A_249 = tpu.memref_squeeze %dma_wait3A_248 : memref<1x64x128xf32, #tpu.memory_space<vmem>> -> memref<64x128xf32, #tpu.memory_space<vmem>>
        tpu.wait_dma2 semaphore(%run_scoped3A_225 : memref<!tpu.dma_semaphore, #tpu.memory_space<semaphore_mem>>) src(%dma_wait3A_249 : memref<64x128xf32, #tpu.memory_space<vmem>>) dst(%dma_wait3A_245 : memref<64x128xf32, #tpu.memory_space<vmem_shared>>)
        tpu.yield
      }) : () -> ()
    } else {
    }
    %add3A_62 = arith.constant 128 : i32
    %add3A_63 = arith.addi %arg1, %add3A_62 : i32
    %lt3A_64 = arith.constant 160 : i32
    %lt3A_65 = arith.cmpi slt, %add3A_63, %lt3A_64 : i32
    %convert_element_type3A_66 = arith.extui %lt3A_65 : i1 to i32
    %cond3A_67 = arith.constant 0 : i32
    %cond3A_68 = arith.cmpi ne, %convert_element_type3A_66, %cond3A_67 : i32
    scf.if %cond3A_68 {
      %mul3A_223 = arith.constant 64 : i32
      %mul3A_224 = arith.muli %add3A_63, %mul3A_223 : i32
      %run_scoped3A = arith.constant 0 : i32
      "tpu.region"() ({
        %run_scoped3A_225 = tpu.sem_alloc : memref<!tpu.dma_semaphore, #tpu.memory_space<semaphore_mem>>
        %dma_start3A_226 = arith.constant 0 : i32
        %dma_start3A_227 = arith.constant 0 : i32
        %dma_start3A_228 = tpu.memref_slice %arg16[%run_scoped3A, %dma_start3A_226, %dma_start3A_227] : memref<2x64x128xf32, #tpu.memory_space<vmem>> -> memref<1x64x128xf32, #tpu.memory_space<vmem>>
        %dma_start3A_229 = tpu.memref_squeeze %dma_start3A_228 : memref<1x64x128xf32, #tpu.memory_space<vmem>> -> memref<64x128xf32, #tpu.memory_space<vmem>>
        %dma_start3A_230 = arith.constant 0 : i32
        %dma_start3A_231 = tpu.memref_slice %arg17[%mul3A_224, %dma_start3A_230] : memref<10240x128xf32, #tpu.memory_space<vmem_shared>> -> memref<64x128xf32, #tpu.memory_space<vmem_shared>>
        %dma_start3A_232 = arith.constant 0 : i32
        %dma_start3A_233 = tpu.memref_slice %arg17[%mul3A_224, %dma_start3A_232] : memref<10240x128xf32, #tpu.memory_space<vmem_shared>> -> memref<64x128xf32, #tpu.memory_space<vmem_shared>>
        %dma_start3A_234 = arith.constant 0 : i32
        %dma_start3A_235 = arith.constant 0 : i32
        %dma_start3A_236 = tpu.memref_slice %arg16[%run_scoped3A, %dma_start3A_234, %dma_start3A_235] : memref<2x64x128xf32, #tpu.memory_space<vmem>> -> memref<1x64x128xf32, #tpu.memory_space<vmem>>
        %dma_start3A_237 = tpu.memref_squeeze %dma_start3A_236 : memref<1x64x128xf32, #tpu.memory_space<vmem>> -> memref<64x128xf32, #tpu.memory_space<vmem>>
        tpu.enqueue_dma source(%dma_start3A_237 : memref<64x128xf32, #tpu.memory_space<vmem>>) target(%dma_start3A_233 : memref<64x128xf32, #tpu.memory_space<vmem_shared>>) target_semaphore(%run_scoped3A_225 : memref<!tpu.dma_semaphore, #tpu.memory_space<semaphore_mem>>)
        %dma_wait3A_238 = arith.constant 0 : i32
        %dma_wait3A_239 = arith.constant 0 : i32
        %dma_wait3A_240 = tpu.memref_slice %arg16[%run_scoped3A, %dma_wait3A_238, %dma_wait3A_239] : memref<2x64x128xf32, #tpu.memory_space<vmem>> -> memref<1x64x128xf32, #tpu.memory_space<vmem>>
        %dma_wait3A_241 = tpu.memref_squeeze %dma_wait3A_240 : memref<1x64x128xf32, #tpu.memory_space<vmem>> -> memref<64x128xf32, #tpu.memory_space<vmem>>
        %dma_wait3A_242 = arith.constant 0 : i32
        %dma_wait3A_243 = tpu.memref_slice %arg17[%mul3A_224, %dma_wait3A_242] : memref<10240x128xf32, #tpu.memory_space<vmem_shared>> -> memref<64x128xf32, #tpu.memory_space<vmem_shared>>
        %dma_wait3A_244 = arith.constant 0 : i32
        %dma_wait3A_245 = tpu.memref_slice %arg17[%mul3A_224, %dma_wait3A_244] : memref<10240x128xf32, #tpu.memory_space<vmem_shared>> -> memref<64x128xf32, #tpu.memory_space<vmem_shared>>
        %dma_wait3A_246 = arith.constant 0 : i32
        %dma_wait3A_247 = arith.constant 0 : i32
        %dma_wait3A_248 = tpu.memref_slice %arg16[%run_scoped3A, %dma_wait3A_246, %dma_wait3A_247] : memref<2x64x128xf32, #tpu.memory_space<vmem>> -> memref<1x64x128xf32, #tpu.memory_space<vmem>>
        %dma_wait3A_249 = tpu.memref_squeeze %dma_wait3A_248 : memref<1x64x128xf32, #tpu.memory_space<vmem>> -> memref<64x128xf32, #tpu.memory_space<vmem>>
        tpu.wait_dma2 semaphore(%run_scoped3A_225 : memref<!tpu.dma_semaphore, #tpu.memory_space<semaphore_mem>>) src(%dma_wait3A_249 : memref<64x128xf32, #tpu.memory_space<vmem>>) dst(%dma_wait3A_245 : memref<64x128xf32, #tpu.memory_space<vmem_shared>>)
        tpu.yield
      }) : () -> ()
    } else {
    }
    %add3A_69 = arith.constant 144 : i32
    %add3A_70 = arith.addi %arg1, %add3A_69 : i32
    %lt3A_71 = arith.constant 160 : i32
    %lt3A_72 = arith.cmpi slt, %add3A_70, %lt3A_71 : i32
    %convert_element_type3A_73 = arith.extui %lt3A_72 : i1 to i32
    %cond3A_74 = arith.constant 0 : i32
    %cond3A_75 = arith.cmpi ne, %convert_element_type3A_73, %cond3A_74 : i32
    scf.if %cond3A_75 {
      %mul3A_223 = arith.constant 64 : i32
      %mul3A_224 = arith.muli %add3A_70, %mul3A_223 : i32
      %run_scoped3A = arith.constant 0 : i32
      "tpu.region"() ({
        %run_scoped3A_225 = tpu.sem_alloc : memref<!tpu.dma_semaphore, #tpu.memory_space<semaphore_mem>>
        %dma_start3A_226 = arith.constant 0 : i32
        %dma_start3A_227 = arith.constant 0 : i32
        %dma_start3A_228 = tpu.memref_slice %arg16[%run_scoped3A, %dma_start3A_226, %dma_start3A_227] : memref<2x64x128xf32, #tpu.memory_space<vmem>> -> memref<1x64x128xf32, #tpu.memory_space<vmem>>
        %dma_start3A_229 = tpu.memref_squeeze %dma_start3A_228 : memref<1x64x128xf32, #tpu.memory_space<vmem>> -> memref<64x128xf32, #tpu.memory_space<vmem>>
        %dma_start3A_230 = arith.constant 0 : i32
        %dma_start3A_231 = tpu.memref_slice %arg17[%mul3A_224, %dma_start3A_230] : memref<10240x128xf32, #tpu.memory_space<vmem_shared>> -> memref<64x128xf32, #tpu.memory_space<vmem_shared>>
        %dma_start3A_232 = arith.constant 0 : i32
        %dma_start3A_233 = tpu.memref_slice %arg17[%mul3A_224, %dma_start3A_232] : memref<10240x128xf32, #tpu.memory_space<vmem_shared>> -> memref<64x128xf32, #tpu.memory_space<vmem_shared>>
        %dma_start3A_234 = arith.constant 0 : i32
        %dma_start3A_235 = arith.constant 0 : i32
        %dma_start3A_236 = tpu.memref_slice %arg16[%run_scoped3A, %dma_start3A_234, %dma_start3A_235] : memref<2x64x128xf32, #tpu.memory_space<vmem>> -> memref<1x64x128xf32, #tpu.memory_space<vmem>>
        %dma_start3A_237 = tpu.memref_squeeze %dma_start3A_236 : memref<1x64x128xf32, #tpu.memory_space<vmem>> -> memref<64x128xf32, #tpu.memory_space<vmem>>
        tpu.enqueue_dma source(%dma_start3A_237 : memref<64x128xf32, #tpu.memory_space<vmem>>) target(%dma_start3A_233 : memref<64x128xf32, #tpu.memory_space<vmem_shared>>) target_semaphore(%run_scoped3A_225 : memref<!tpu.dma_semaphore, #tpu.memory_space<semaphore_mem>>)
        %dma_wait3A_238 = arith.constant 0 : i32
        %dma_wait3A_239 = arith.constant 0 : i32
        %dma_wait3A_240 = tpu.memref_slice %arg16[%run_scoped3A, %dma_wait3A_238, %dma_wait3A_239] : memref<2x64x128xf32, #tpu.memory_space<vmem>> -> memref<1x64x128xf32, #tpu.memory_space<vmem>>
        %dma_wait3A_241 = tpu.memref_squeeze %dma_wait3A_240 : memref<1x64x128xf32, #tpu.memory_space<vmem>> -> memref<64x128xf32, #tpu.memory_space<vmem>>
        %dma_wait3A_242 = arith.constant 0 : i32
        %dma_wait3A_243 = tpu.memref_slice %arg17[%mul3A_224, %dma_wait3A_242] : memref<10240x128xf32, #tpu.memory_space<vmem_shared>> -> memref<64x128xf32, #tpu.memory_space<vmem_shared>>
        %dma_wait3A_244 = arith.constant 0 : i32
        %dma_wait3A_245 = tpu.memref_slice %arg17[%mul3A_224, %dma_wait3A_244] : memref<10240x128xf32, #tpu.memory_space<vmem_shared>> -> memref<64x128xf32, #tpu.memory_space<vmem_shared>>
        %dma_wait3A_246 = arith.constant 0 : i32
        %dma_wait3A_247 = arith.constant 0 : i32
        %dma_wait3A_248 = tpu.memref_slice %arg16[%run_scoped3A, %dma_wait3A_246, %dma_wait3A_247] : memref<2x64x128xf32, #tpu.memory_space<vmem>> -> memref<1x64x128xf32, #tpu.memory_space<vmem>>
        %dma_wait3A_249 = tpu.memref_squeeze %dma_wait3A_248 : memref<1x64x128xf32, #tpu.memory_space<vmem>> -> memref<64x128xf32, #tpu.memory_space<vmem>>
        tpu.wait_dma2 semaphore(%run_scoped3A_225 : memref<!tpu.dma_semaphore, #tpu.memory_space<semaphore_mem>>) src(%dma_wait3A_249 : memref<64x128xf32, #tpu.memory_space<vmem>>) dst(%dma_wait3A_245 : memref<64x128xf32, #tpu.memory_space<vmem_shared>>)
        tpu.yield
      }) : () -> ()
    } else {
    }
    %barrier3A = arith.constant 0 : index
    tpu.barrier barrier_id(%barrier3A)
    %mul3A = arith.constant 10240 : i32
    %mul3A_76 = arith.muli %arg0, %mul3A : i32
    %dma_start3A = arith.constant 0 : i32
    %dma_start3A_77 = arith.constant 0 : i32
    %dma_start3A_78 = arith.constant 0 : i32
    %dma_start3A_79 = tpu.memref_slice %arg10[%dma_start3A_77, %dma_start3A_78] : memref<2x64xi32, #tpu.memory_space<vmem>> -> memref<1x64xi32, #tpu.memory_space<vmem>>
    %dma_start3A_80 = tpu.memref_squeeze %dma_start3A_79 : memref<1x64xi32, #tpu.memory_space<vmem>> -> memref<64xi32, #tpu.memory_space<vmem>>
    %dma_start3A_81 = arith.constant 0 : i32
    %dma_start3A_82 = tpu.memref_slice %arg5[%arg1, %dma_start3A, %dma_start3A_81] : memref<16x314x64xi32, #tpu.memory_space<hbm>> -> memref<1x1x64xi32, #tpu.memory_space<hbm>>
    %dma_start3A_83 = tpu.memref_squeeze %dma_start3A_82 : memref<1x1x64xi32, #tpu.memory_space<hbm>> -> memref<64xi32, #tpu.memory_space<hbm>>
    %dma_start3A_84 = arith.constant 0 : i32
    %dma_start3A_85 = tpu.memref_slice %arg10[%dma_start3A_77, %dma_start3A_84] : memref<2x64xi32, #tpu.memory_space<vmem>> -> memref<1x64xi32, #tpu.memory_space<vmem>>
    %dma_start3A_86 = tpu.memref_squeeze %dma_start3A_85 : memref<1x64xi32, #tpu.memory_space<vmem>> -> memref<64xi32, #tpu.memory_space<vmem>>
    %dma_start3A_87 = arith.constant 0 : i32
    %dma_start3A_88 = tpu.memref_slice %arg5[%arg1, %dma_start3A, %dma_start3A_87] : memref<16x314x64xi32, #tpu.memory_space<hbm>> -> memref<1x1x64xi32, #tpu.memory_space<hbm>>
    %dma_start3A_89 = tpu.memref_squeeze %dma_start3A_88 : memref<1x1x64xi32, #tpu.memory_space<hbm>> -> memref<64xi32, #tpu.memory_space<hbm>>
    tpu.enqueue_dma source(%dma_start3A_89 : memref<64xi32, #tpu.memory_space<hbm>>) target(%dma_start3A_86 : memref<64xi32, #tpu.memory_space<vmem>>) target_semaphore(%arg20 : memref<!tpu.dma_semaphore, #tpu.memory_space<semaphore_mem>>)
    %dma_start3A_90 = arith.constant 1 : i32
    %dma_start3A_91 = arith.constant 1 : i32
    %dma_start3A_92 = arith.constant 0 : i32
    %dma_start3A_93 = tpu.memref_slice %arg10[%dma_start3A_91, %dma_start3A_92] : memref<2x64xi32, #tpu.memory_space<vmem>> -> memref<1x64xi32, #tpu.memory_space<vmem>>
    %dma_start3A_94 = tpu.memref_squeeze %dma_start3A_93 : memref<1x64xi32, #tpu.memory_space<vmem>> -> memref<64xi32, #tpu.memory_space<vmem>>
    %dma_start3A_95 = arith.constant 0 : i32
    %dma_start3A_96 = tpu.memref_slice %arg5[%arg1, %dma_start3A_90, %dma_start3A_95] : memref<16x314x64xi32, #tpu.memory_space<hbm>> -> memref<1x1x64xi32, #tpu.memory_space<hbm>>
    %dma_start3A_97 = tpu.memref_squeeze %dma_start3A_96 : memref<1x1x64xi32, #tpu.memory_space<hbm>> -> memref<64xi32, #tpu.memory_space<hbm>>
    %dma_start3A_98 = arith.constant 0 : i32
    %dma_start3A_99 = tpu.memref_slice %arg10[%dma_start3A_91, %dma_start3A_98] : memref<2x64xi32, #tpu.memory_space<vmem>> -> memref<1x64xi32, #tpu.memory_space<vmem>>
    %dma_start3A_100 = tpu.memref_squeeze %dma_start3A_99 : memref<1x64xi32, #tpu.memory_space<vmem>> -> memref<64xi32, #tpu.memory_space<vmem>>
    %dma_start3A_101 = arith.constant 0 : i32
    %dma_start3A_102 = tpu.memref_slice %arg5[%arg1, %dma_start3A_90, %dma_start3A_101] : memref<16x314x64xi32, #tpu.memory_space<hbm>> -> memref<1x1x64xi32, #tpu.memory_space<hbm>>
    %dma_start3A_103 = tpu.memref_squeeze %dma_start3A_102 : memref<1x1x64xi32, #tpu.memory_space<hbm>> -> memref<64xi32, #tpu.memory_space<hbm>>
    tpu.enqueue_dma source(%dma_start3A_103 : memref<64xi32, #tpu.memory_space<hbm>>) target(%dma_start3A_100 : memref<64xi32, #tpu.memory_space<vmem>>) target_semaphore(%arg21 : memref<!tpu.dma_semaphore, #tpu.memory_space<semaphore_mem>>)
    %dma_wait3A = arith.constant 0 : i32
    %dma_wait3A_104 = arith.constant 0 : i32
    %dma_wait3A_105 = arith.constant 0 : i32
    %dma_wait3A_106 = tpu.memref_slice %arg10[%dma_wait3A_104, %dma_wait3A_105] : memref<2x64xi32, #tpu.memory_space<vmem>> -> memref<1x64xi32, #tpu.memory_space<vmem>>
    %dma_wait3A_107 = tpu.memref_squeeze %dma_wait3A_106 : memref<1x64xi32, #tpu.memory_space<vmem>> -> memref<64xi32, #tpu.memory_space<vmem>>
    %dma_wait3A_108 = arith.constant 0 : i32
    %dma_wait3A_109 = tpu.memref_slice %arg5[%arg1, %dma_wait3A, %dma_wait3A_108] : memref<16x314x64xi32, #tpu.memory_space<hbm>> -> memref<1x1x64xi32, #tpu.memory_space<hbm>>
    %dma_wait3A_110 = tpu.memref_squeeze %dma_wait3A_109 : memref<1x1x64xi32, #tpu.memory_space<hbm>> -> memref<64xi32, #tpu.memory_space<hbm>>
    %dma_wait3A_111 = arith.constant 0 : i32
    %dma_wait3A_112 = tpu.memref_slice %arg10[%dma_wait3A_104, %dma_wait3A_111] : memref<2x64xi32, #tpu.memory_space<vmem>> -> memref<1x64xi32, #tpu.memory_space<vmem>>
    %dma_wait3A_113 = tpu.memref_squeeze %dma_wait3A_112 : memref<1x64xi32, #tpu.memory_space<vmem>> -> memref<64xi32, #tpu.memory_space<vmem>>
    %dma_wait3A_114 = arith.constant 0 : i32
    %dma_wait3A_115 = tpu.memref_slice %arg5[%arg1, %dma_wait3A, %dma_wait3A_114] : memref<16x314x64xi32, #tpu.memory_space<hbm>> -> memref<1x1x64xi32, #tpu.memory_space<hbm>>
    %dma_wait3A_116 = tpu.memref_squeeze %dma_wait3A_115 : memref<1x1x64xi32, #tpu.memory_space<hbm>> -> memref<64xi32, #tpu.memory_space<hbm>>
    tpu.wait_dma2 semaphore(%arg20 : memref<!tpu.dma_semaphore, #tpu.memory_space<semaphore_mem>>) src(%dma_wait3A_116 : memref<64xi32, #tpu.memory_space<hbm>>) dst(%dma_wait3A_113 : memref<64xi32, #tpu.memory_space<vmem>>)
    %parallel_loop3A = arith.constant 0 : i32
    %parallel_loop3A_117 = arith.constant 4 : i32
    %parallel_loop3A_118 = arith.constant 1 : i32
    scf.for %parallel_loop3A_223 = %parallel_loop3A to %parallel_loop3A_117 step %parallel_loop3A_118  : i32 {
      %parallel_loop3A_224 = arith.constant 16 : i32
      %parallel_loop3A_225 = arith.muli %parallel_loop3A_223, %parallel_loop3A_224 : i32
      %parallel_loop3A_226 = arith.constant 0 : i32
      %parallel_loop3A_227 = arith.index_cast %parallel_loop3A_226 : i32 to index
      %parallel_loop3A_228 = arith.index_cast %parallel_loop3A_225 : i32 to index
      %parallel_loop3A_229 = tpu.vector_load %arg10[%parallel_loop3A_227, %parallel_loop3A_228] {strides = array<i32>} : memref<2x64xi32, #tpu.memory_space<vmem>>, vector<16xi32>,
      %parallel_loop3A_230 = arith.constant 14 : i32
      %parallel_loop3A_231 = vector.broadcast %parallel_loop3A_230 : i32 to vector<16xi32>
      %parallel_loop3A_232 = arith.shrui %parallel_loop3A_229, %parallel_loop3A_231 : vector<16xi32>
      %parallel_loop3A_233 = arith.constant 16383 : i32
      %parallel_loop3A_234 = vector.broadcast %parallel_loop3A_233 : i32 to vector<16xi32>
      %parallel_loop3A_235 = arith.andi %parallel_loop3A_232, %parallel_loop3A_234 : vector<16xi32>
      %parallel_loop3A_236 = arith.constant 16383 : i32
      %parallel_loop3A_237 = vector.broadcast %parallel_loop3A_236 : i32 to vector<16xi32>
      %parallel_loop3A_238 = arith.andi %parallel_loop3A_229, %parallel_loop3A_237 : vector<16xi32>
      %parallel_loop3A_239 = arith.constant 16 : i32
      %parallel_loop3A_240 = arith.muli %parallel_loop3A_223, %parallel_loop3A_239 : i32
      %parallel_loop3A_241 = arith.constant 0 : i32
      %parallel_loop3A_242 = arith.index_cast %parallel_loop3A_241 : i32 to index
      %parallel_loop3A_243 = arith.index_cast %parallel_loop3A_240 : i32 to index
      %parallel_loop3A_244 = tpu.vector_load %arg11[%parallel_loop3A_242, %parallel_loop3A_243] {strides = array<i32>} : memref<2x64xi32, #tpu.memory_space<vmem>>, vector<16xi32>,
      tpu.vector_store %arg11[%parallel_loop3A_242, %parallel_loop3A_243], %parallel_loop3A_238 {strides = array<i32>} : memref<2x64xi32, #tpu.memory_space<vmem>>, vector<16xi32>,
      %parallel_loop3A_245 = vector.broadcast %mul3A_76 : i32 to vector<16xi32>
      %parallel_loop3A_246 = arith.addi %parallel_loop3A_235, %parallel_loop3A_245 : vector<16xi32>
      %parallel_loop3A_247 = arith.constant 16 : i32
      %parallel_loop3A_248 = arith.muli %parallel_loop3A_223, %parallel_loop3A_247 : i32
      %parallel_loop3A_249 = arith.constant 0 : i32
      %parallel_loop3A_250 = arith.index_cast %parallel_loop3A_249 : i32 to index
      %parallel_loop3A_251 = arith.index_cast %parallel_loop3A_248 : i32 to index
      %parallel_loop3A_252 = tpu.vector_load %arg13[%parallel_loop3A_250, %parallel_loop3A_251] {strides = array<i32>} : memref<2x64xi32, #tpu.memory_space<vmem>>, vector<16xi32>,
      tpu.vector_store %arg13[%parallel_loop3A_250, %parallel_loop3A_251], %parallel_loop3A_246 {strides = array<i32>} : memref<2x64xi32, #tpu.memory_space<vmem>>, vector<16xi32>,
      %parallel_loop3A_253 = tpu.vector_load_idx %arg8[%parallel_loop3A_235] : memref<10240xf32, #tpu.memory_space<vmem>>[vector<16xi32>], vector<16xf32>,
      %parallel_loop3A_254 = tpu.vector_load_idx %arg9[%parallel_loop3A_238] : memref<10240xf32, #tpu.memory_space<vmem>>[vector<16xi32>], vector<16xf32>,
      %parallel_loop3A_255 = arith.addf %parallel_loop3A_253, %parallel_loop3A_254 : vector<16xf32>
      %parallel_loop3A_256 = arith.constant 2.000000e-01 : f32
      %parallel_loop3A_257 = vector.broadcast %parallel_loop3A_256 : f32 to vector<16xf32>
      %parallel_loop3A_258 = arith.mulf %parallel_loop3A_257, %parallel_loop3A_255 : vector<16xf32>
      %parallel_loop3A_259 = arith.maximumf %parallel_loop3A_255, %parallel_loop3A_258 : vector<16xf32>
      %parallel_loop3A_260 = math.exp %parallel_loop3A_259 : vector<16xf32>
      %parallel_loop3A_261 = arith.constant 16 : i32
      %parallel_loop3A_262 = arith.muli %parallel_loop3A_223, %parallel_loop3A_261 : i32
      %parallel_loop3A_263 = arith.constant 0 : i32
      %parallel_loop3A_264 = arith.index_cast %parallel_loop3A_263 : i32 to index
      %parallel_loop3A_265 = arith.index_cast %parallel_loop3A_262 : i32 to index
      %parallel_loop3A_266 = tpu.vector_load %arg14[%parallel_loop3A_264, %parallel_loop3A_265] {strides = array<i32>} : memref<2x80xf32, #tpu.memory_space<vmem>>, vector<16xf32>,
      tpu.vector_store %arg14[%parallel_loop3A_264, %parallel_loop3A_265], %parallel_loop3A_260 {strides = array<i32>} : memref<2x80xf32, #tpu.memory_space<vmem>>, vector<16xf32>,
      tpu.vector_store_idx %arg15[%parallel_loop3A_238], %parallel_loop3A_260 {add = true} : memref<10240xf32, #tpu.memory_space<vmem>>[vector<16xi32>], vector<16xf32>,
    } {sc.loop_unroll_factor = 1 : i64, sc.parallel_access}
    %dma_start3A_119 = arith.constant 2 : i32
    %dma_start3A_120 = arith.constant 0 : i32
    %dma_start3A_121 = arith.constant 0 : i32
    %dma_start3A_122 = tpu.memref_slice %arg10[%dma_start3A_120, %dma_start3A_121] : memref<2x64xi32, #tpu.memory_space<vmem>> -> memref<1x64xi32, #tpu.memory_space<vmem>>
    %dma_start3A_123 = tpu.memref_squeeze %dma_start3A_122 : memref<1x64xi32, #tpu.memory_space<vmem>> -> memref<64xi32, #tpu.memory_space<vmem>>
    %dma_start3A_124 = arith.constant 0 : i32
    %dma_start3A_125 = tpu.memref_slice %arg5[%arg1, %dma_start3A_119, %dma_start3A_124] : memref<16x314x64xi32, #tpu.memory_space<hbm>> -> memref<1x1x64xi32, #tpu.memory_space<hbm>>
    %dma_start3A_126 = tpu.memref_squeeze %dma_start3A_125 : memref<1x1x64xi32, #tpu.memory_space<hbm>> -> memref<64xi32, #tpu.memory_space<hbm>>
    %dma_start3A_127 = arith.constant 0 : i32
    %dma_start3A_128 = tpu.memref_slice %arg10[%dma_start3A_120, %dma_start3A_127] : memref<2x64xi32, #tpu.memory_space<vmem>> -> memref<1x64xi32, #tpu.memory_space<vmem>>
    %dma_start3A_129 = tpu.memref_squeeze %dma_start3A_128 : memref<1x64xi32, #tpu.memory_space<vmem>> -> memref<64xi32, #tpu.memory_space<vmem>>
    %dma_start3A_130 = arith.constant 0 : i32
    %dma_start3A_131 = tpu.memref_slice %arg5[%arg1, %dma_start3A_119, %dma_start3A_130] : memref<16x314x64xi32, #tpu.memory_space<hbm>> -> memref<1x1x64xi32, #tpu.memory_space<hbm>>
    %dma_start3A_132 = tpu.memref_squeeze %dma_start3A_131 : memref<1x1x64xi32, #tpu.memory_space<hbm>> -> memref<64xi32, #tpu.memory_space<hbm>>
    tpu.enqueue_dma source(%dma_start3A_132 : memref<64xi32, #tpu.memory_space<hbm>>) target(%dma_start3A_129 : memref<64xi32, #tpu.memory_space<vmem>>) target_semaphore(%arg20 : memref<!tpu.dma_semaphore, #tpu.memory_space<semaphore_mem>>)
    %dma_start3A_133 = arith.constant 0 : i32
    %dma_start3A_134 = arith.constant 0 : i32
    %dma_start3A_135 = arith.constant 0 : i32
    %dma_start3A_136 = arith.constant 0 : i32
    %dma_start3A_137 = tpu.memref_slice %arg16[%dma_start3A_134, %dma_start3A_135, %dma_start3A_136] : memref<2x64x128xf32, #tpu.memory_space<vmem>> -> memref<1x64x128xf32, #tpu.memory_space<vmem>>
    %dma_start3A_138 = tpu.memref_squeeze %dma_start3A_137 : memref<1x64x128xf32, #tpu.memory_space<vmem>> -> memref<64x128xf32, #tpu.memory_space<vmem>>
    %dma_start3A_139 = arith.constant 0 : i32
    %dma_start3A_140 = tpu.memref_slice %arg13[%dma_start3A_133, %dma_start3A_139] : memref<2x64xi32, #tpu.memory_space<vmem>> -> memref<1x64xi32, #tpu.memory_space<vmem>>
    %dma_start3A_141 = tpu.memref_squeeze %dma_start3A_140 : memref<1x64xi32, #tpu.memory_space<vmem>> -> memref<64xi32, #tpu.memory_space<vmem>>
    %dma_start3A_142 = arith.constant 0 : i32
    %dma_start3A_143 = arith.constant 0 : i32
    %dma_start3A_144 = tpu.memref_slice %arg2[%dma_start3A_142, %dma_start3A_143] : memref<20480x128xf32, #tpu.memory_space<hbm>> -> memref<20480x128xf32, #tpu.memory_space<hbm>>
    tpu.enqueue_indirect_dma source(%dma_start3A_144 : memref<20480x128xf32, #tpu.memory_space<hbm>>) target(%dma_start3A_138 : memref<64x128xf32, #tpu.memory_space<vmem>>) offsets(%dma_start3A_141 : memref<64xi32, #tpu.memory_space<vmem>>) semaphore(%arg18 : memref<!tpu.dma_semaphore, #tpu.memory_space<semaphore_mem>>)
    %dma_wait3A_145 = arith.constant 1 : i32
    %dma_wait3A_146 = arith.constant 1 : i32
    %dma_wait3A_147 = arith.constant 0 : i32
    %dma_wait3A_148 = tpu.memref_slice %arg10[%dma_wait3A_146, %dma_wait3A_147] : memref<2x64xi32, #tpu.memory_space<vmem>> -> memref<1x64xi32, #tpu.memory_space<vmem>>
    %dma_wait3A_149 = tpu.memref_squeeze %dma_wait3A_148 : memref<1x64xi32, #tpu.memory_space<vmem>> -> memref<64xi32, #tpu.memory_space<vmem>>
    %dma_wait3A_150 = arith.constant 0 : i32
    %dma_wait3A_151 = tpu.memref_slice %arg5[%arg1, %dma_wait3A_145, %dma_wait3A_150] : memref<16x314x64xi32, #tpu.memory_space<hbm>> -> memref<1x1x64xi32, #tpu.memory_space<hbm>>
    %dma_wait3A_152 = tpu.memref_squeeze %dma_wait3A_151 : memref<1x1x64xi32, #tpu.memory_space<hbm>> -> memref<64xi32, #tpu.memory_space<hbm>>
    %dma_wait3A_153 = arith.constant 0 : i32
    %dma_wait3A_154 = tpu.memref_slice %arg10[%dma_wait3A_146, %dma_wait3A_153] : memref<2x64xi32, #tpu.memory_space<vmem>> -> memref<1x64xi32, #tpu.memory_space<vmem>>
    %dma_wait3A_155 = tpu.memref_squeeze %dma_wait3A_154 : memref<1x64xi32, #tpu.memory_space<vmem>> -> memref<64xi32, #tpu.memory_space<vmem>>
    %dma_wait3A_156 = arith.constant 0 : i32
    %dma_wait3A_157 = tpu.memref_slice %arg5[%arg1, %dma_wait3A_145, %dma_wait3A_156] : memref<16x314x64xi32, #tpu.memory_space<hbm>> -> memref<1x1x64xi32, #tpu.memory_space<hbm>>
    %dma_wait3A_158 = tpu.memref_squeeze %dma_wait3A_157 : memref<1x1x64xi32, #tpu.memory_space<hbm>> -> memref<64xi32, #tpu.memory_space<hbm>>
    tpu.wait_dma2 semaphore(%arg21 : memref<!tpu.dma_semaphore, #tpu.memory_space<semaphore_mem>>) src(%dma_wait3A_158 : memref<64xi32, #tpu.memory_space<hbm>>) dst(%dma_wait3A_155 : memref<64xi32, #tpu.memory_space<vmem>>)
    %parallel_loop3A_159 = arith.constant 0 : i32
    %parallel_loop3A_160 = arith.constant 4 : i32
    %parallel_loop3A_161 = arith.constant 1 : i32
    scf.for %parallel_loop3A_223 = %parallel_loop3A_159 to %parallel_loop3A_160 step %parallel_loop3A_161  : i32 {
      %parallel_loop3A_224 = arith.constant 16 : i32
      %parallel_loop3A_225 = arith.muli %parallel_loop3A_223, %parallel_loop3A_224 : i32
      %parallel_loop3A_226 = arith.constant 1 : i32
      %parallel_loop3A_227 = arith.index_cast %parallel_loop3A_226 : i32 to index
      %parallel_loop3A_228 = arith.index_cast %parallel_loop3A_225 : i32 to index
      %parallel_loop3A_229 = tpu.vector_load %arg10[%parallel_loop3A_227, %parallel_loop3A_228] {strides = array<i32>} : memref<2x64xi32, #tpu.memory_space<vmem>>, vector<16xi32>,
      %parallel_loop3A_230 = arith.constant 14 : i32
      %parallel_loop3A_231 = vector.broadcast %parallel_loop3A_230 : i32 to vector<16xi32>
      %parallel_loop3A_232 = arith.shrui %parallel_loop3A_229, %parallel_loop3A_231 : vector<16xi32>
      %parallel_loop3A_233 = arith.constant 16383 : i32
      %parallel_loop3A_234 = vector.broadcast %parallel_loop3A_233 : i32 to vector<16xi32>
      %parallel_loop3A_235 = arith.andi %parallel_loop3A_232, %parallel_loop3A_234 : vector<16xi32>
      %parallel_loop3A_236 = arith.constant 16383 : i32
      %parallel_loop3A_237 = vector.broadcast %parallel_loop3A_236 : i32 to vector<16xi32>
      %parallel_loop3A_238 = arith.andi %parallel_loop3A_229, %parallel_loop3A_237 : vector<16xi32>
      %parallel_loop3A_239 = arith.constant 16 : i32
      %parallel_loop3A_240 = arith.muli %parallel_loop3A_223, %parallel_loop3A_239 : i32
      %parallel_loop3A_241 = arith.constant 1 : i32
      %parallel_loop3A_242 = arith.index_cast %parallel_loop3A_241 : i32 to index
      %parallel_loop3A_243 = arith.index_cast %parallel_loop3A_240 : i32 to index
      %parallel_loop3A_244 = tpu.vector_load %arg11[%parallel_loop3A_242, %parallel_loop3A_243] {strides = array<i32>} : memref<2x64xi32, #tpu.memory_space<vmem>>, vector<16xi32>,
      tpu.vector_store %arg11[%parallel_loop3A_242, %parallel_loop3A_243], %parallel_loop3A_238 {strides = array<i32>} : memref<2x64xi32, #tpu.memory_space<vmem>>, vector<16xi32>,
      %parallel_loop3A_245 = vector.broadcast %mul3A_76 : i32 to vector<16xi32>
      %parallel_loop3A_246 = arith.addi %parallel_loop3A_235, %parallel_loop3A_245 : vector<16xi32>
      %parallel_loop3A_247 = arith.constant 16 : i32
      %parallel_loop3A_248 = arith.muli %parallel_loop3A_223, %parallel_loop3A_247 : i32
      %parallel_loop3A_249 = arith.constant 1 : i32
      %parallel_loop3A_250 = arith.index_cast %parallel_loop3A_249 : i32 to index
      %parallel_loop3A_251 = arith.index_cast %parallel_loop3A_248 : i32 to index
      %parallel_loop3A_252 = tpu.vector_load %arg13[%parallel_loop3A_250, %parallel_loop3A_251] {strides = array<i32>} : memref<2x64xi32, #tpu.memory_space<vmem>>, vector<16xi32>,
      tpu.vector_store %arg13[%parallel_loop3A_250, %parallel_loop3A_251], %parallel_loop3A_246 {strides = array<i32>} : memref<2x64xi32, #tpu.memory_space<vmem>>, vector<16xi32>,
      %parallel_loop3A_253 = tpu.vector_load_idx %arg8[%parallel_loop3A_235] : memref<10240xf32, #tpu.memory_space<vmem>>[vector<16xi32>], vector<16xf32>,
      %parallel_loop3A_254 = tpu.vector_load_idx %arg9[%parallel_loop3A_238] : memref<10240xf32, #tpu.memory_space<vmem>>[vector<16xi32>], vector<16xf32>,
      %parallel_loop3A_255 = arith.addf %parallel_loop3A_253, %parallel_loop3A_254 : vector<16xf32>
      %parallel_loop3A_256 = arith.constant 2.000000e-01 : f32
      %parallel_loop3A_257 = vector.broadcast %parallel_loop3A_256 : f32 to vector<16xf32>
      %parallel_loop3A_258 = arith.mulf %parallel_loop3A_257, %parallel_loop3A_255 : vector<16xf32>
      %parallel_loop3A_259 = arith.maximumf %parallel_loop3A_255, %parallel_loop3A_258 : vector<16xf32>
      %parallel_loop3A_260 = math.exp %parallel_loop3A_259 : vector<16xf32>
      %parallel_loop3A_261 = arith.constant 16 : i32
      %parallel_loop3A_262 = arith.muli %parallel_loop3A_223, %parallel_loop3A_261 : i32
      %parallel_loop3A_263 = arith.constant 1 : i32
      %parallel_loop3A_264 = arith.index_cast %parallel_loop3A_263 : i32 to index
      %parallel_loop3A_265 = arith.index_cast %parallel_loop3A_262 : i32 to index
      %parallel_loop3A_266 = tpu.vector_load %arg14[%parallel_loop3A_264, %parallel_loop3A_265] {strides = array<i32>} : memref<2x80xf32, #tpu.memory_space<vmem>>, vector<16xf32>,
      tpu.vector_store %arg14[%parallel_loop3A_264, %parallel_loop3A_265], %parallel_loop3A_260 {strides = array<i32>} : memref<2x80xf32, #tpu.memory_space<vmem>>, vector<16xf32>,
      tpu.vector_store_idx %arg15[%parallel_loop3A_238], %parallel_loop3A_260 {add = true} : memref<10240xf32, #tpu.memory_space<vmem>>[vector<16xi32>], vector<16xf32>,
    } {sc.loop_unroll_factor = 1 : i64, sc.parallel_access}
    %dma_start3A_162 = arith.constant 3 : i32
    %dma_start3A_163 = arith.constant 1 : i32
    %dma_start3A_164 = arith.constant 0 : i32
    %dma_start3A_165 = tpu.memref_slice %arg10[%dma_start3A_163, %dma_start3A_164] : memref<2x64xi32, #tpu.memory_space<vmem>> -> memref<1x64xi32, #tpu.memory_space<vmem>>
    %dma_start3A_166 = tpu.memref_squeeze %dma_start3A_165 : memref<1x64xi32, #tpu.memory_space<vmem>> -> memref<64xi32, #tpu.memory_space<vmem>>
    %dma_start3A_167 = arith.constant 0 : i32
    %dma_start3A_168 = tpu.memref_slice %arg5[%arg1, %dma_start3A_162, %dma_start3A_167] : memref<16x314x64xi32, #tpu.memory_space<hbm>> -> memref<1x1x64xi32, #tpu.memory_space<hbm>>
    %dma_start3A_169 = tpu.memref_squeeze %dma_start3A_168 : memref<1x1x64xi32, #tpu.memory_space<hbm>> -> memref<64xi32, #tpu.memory_space<hbm>>
    %dma_start3A_170 = arith.constant 0 : i32
    %dma_start3A_171 = tpu.memref_slice %arg10[%dma_start3A_163, %dma_start3A_170] : memref<2x64xi32, #tpu.memory_space<vmem>> -> memref<1x64xi32, #tpu.memory_space<vmem>>
    %dma_start3A_172 = tpu.memref_squeeze %dma_start3A_171 : memref<1x64xi32, #tpu.memory_space<vmem>> -> memref<64xi32, #tpu.memory_space<vmem>>
    %dma_start3A_173 = arith.constant 0 : i32
    %dma_start3A_174 = tpu.memref_slice %arg5[%arg1, %dma_start3A_162, %dma_start3A_173] : memref<16x314x64xi32, #tpu.memory_space<hbm>> -> memref<1x1x64xi32, #tpu.memory_space<hbm>>
    %dma_start3A_175 = tpu.memref_squeeze %dma_start3A_174 : memref<1x1x64xi32, #tpu.memory_space<hbm>> -> memref<64xi32, #tpu.memory_space<hbm>>
    tpu.enqueue_dma source(%dma_start3A_175 : memref<64xi32, #tpu.memory_space<hbm>>) target(%dma_start3A_172 : memref<64xi32, #tpu.memory_space<vmem>>) target_semaphore(%arg21 : memref<!tpu.dma_semaphore, #tpu.memory_space<semaphore_mem>>)
    %dma_start3A_176 = arith.constant 1 : i32
    %dma_start3A_177 = arith.constant 1 : i32
    %dma_start3A_178 = arith.constant 0 : i32
    %dma_start3A_179 = arith.constant 0 : i32
    %dma_start3A_180 = tpu.memref_slice %arg16[%dma_start3A_177, %dma_start3A_178, %dma_start3A_179] : memref<2x64x128xf32, #tpu.memory_space<vmem>> -> memref<1x64x128xf32, #tpu.memory_space<vmem>>
    %dma_start3A_181 = tpu.memref_squeeze %dma_start3A_180 : memref<1x64x128xf32, #tpu.memory_space<vmem>> -> memref<64x128xf32, #tpu.memory_space<vmem>>
    %dma_start3A_182 = arith.constant 0 : i32
    %dma_start3A_183 = tpu.memref_slice %arg13[%dma_start3A_176, %dma_start3A_182] : memref<2x64xi32, #tpu.memory_space<vmem>> -> memref<1x64xi32, #tpu.memory_space<vmem>>
    %dma_start3A_184 = tpu.memref_squeeze %dma_start3A_183 : memref<1x64xi32, #tpu.memory_space<vmem>> -> memref<64xi32, #tpu.memory_space<vmem>>
    %dma_start3A_185 = arith.constant 0 : i32
    %dma_start3A_186 = arith.constant 0 : i32
    %dma_start3A_187 = tpu.memref_slice %arg2[%dma_start3A_185, %dma_start3A_186] : memref<20480x128xf32, #tpu.memory_space<hbm>> -> memref<20480x128xf32, #tpu.memory_space<hbm>>
    tpu.enqueue_indirect_dma source(%dma_start3A_187 : memref<20480x128xf32, #tpu.memory_space<hbm>>) target(%dma_start3A_181 : memref<64x128xf32, #tpu.memory_space<vmem>>) offsets(%dma_start3A_184 : memref<64xi32, #tpu.memory_space<vmem>>) semaphore(%arg19 : memref<!tpu.dma_semaphore, #tpu.memory_space<semaphore_mem>>)
    %scan3A_188 = arith.constant 0 : i32
    %scan3A_189 = arith.constant 157 : i32
    %scan3A_190 = arith.addi %scan3A_188, %scan3A_189 : i32
    %scan3A_191 = arith.constant 1 : i32
    scf.for %scan3A_223 = %scan3A_188 to %scan3A_190 step %scan3A_191  : i32 {
      %mul3A_224 = arith.constant 1 : i32
      %mul3A_225 = arith.muli %scan3A_223, %mul3A_224 : i32
      %add3A_226 = arith.constant 0 : i32
      %add3A_227 = arith.addi %add3A_226, %mul3A_225 : i32
      %mul3A_228 = arith.constant 2 : i32
      %mul3A_229 = arith.muli %add3A_227, %mul3A_228 : i32
      %dma_wait3A_230 = arith.constant 0 : i32
      %dma_wait3A_231 = arith.constant 0 : i32
      %dma_wait3A_232 = arith.constant 0 : i32
      %dma_wait3A_233 = arith.constant 0 : i32
      %dma_wait3A_234 = tpu.memref_slice %arg16[%dma_wait3A_231, %dma_wait3A_232, %dma_wait3A_233] : memref<2x64x128xf32, #tpu.memory_space<vmem>> -> memref<1x64x128xf32, #tpu.memory_space<vmem>>
      %dma_wait3A_235 = tpu.memref_squeeze %dma_wait3A_234 : memref<1x64x128xf32, #tpu.memory_space<vmem>> -> memref<64x128xf32, #tpu.memory_space<vmem>>
      %dma_wait3A_236 = arith.constant 0 : i32
      %dma_wait3A_237 = tpu.memref_slice %arg13[%dma_wait3A_230, %dma_wait3A_236] : memref<2x64xi32, #tpu.memory_space<vmem>> -> memref<1x64xi32, #tpu.memory_space<vmem>>
      %dma_wait3A_238 = tpu.memref_squeeze %dma_wait3A_237 : memref<1x64xi32, #tpu.memory_space<vmem>> -> memref<64xi32, #tpu.memory_space<vmem>>
      %dma_wait3A_239 = arith.constant 0 : i32
      %dma_wait3A_240 = arith.constant 0 : i32
      %dma_wait3A_241 = tpu.memref_slice %arg2[%dma_wait3A_239, %dma_wait3A_240] : memref<20480x128xf32, #tpu.memory_space<hbm>> -> memref<20480x128xf32, #tpu.memory_space<hbm>>
      tpu.wait_indirect_dma semaphore(%arg18 : memref<!tpu.dma_semaphore, #tpu.memory_space<semaphore_mem>>) src(%dma_wait3A_241 : memref<20480x128xf32, #tpu.memory_space<hbm>>) dst(%dma_wait3A_235 : memref<64x128xf32, #tpu.memory_space<vmem>>)
      %parallel_loop3A_242 = arith.constant 0 : i32
      %parallel_loop3A_243 = arith.constant 64 : i32
      %parallel_loop3A_244 = arith.constant 4 : i32
      scf.for %parallel_loop3A_304 = %parallel_loop3A_242 to %parallel_loop3A_243 step %parallel_loop3A_244  : i32 {
        %parallel_loop3A_305 = arith.constant 0 : i32
        %parallel_loop3A_306 = arith.addi %parallel_loop3A_304, %parallel_loop3A_305 : i32
        %parallel_loop3A_307 = arith.constant 0 : i32
        %parallel_loop3A_308 = arith.index_cast %parallel_loop3A_307 : i32 to index
        %parallel_loop3A_309 = arith.index_cast %parallel_loop3A_306 : i32 to index
        %parallel_loop3A_310 = tpu.vector_load %arg14[%parallel_loop3A_308, %parallel_loop3A_309] {strides = array<i32>} : memref<2x80xf32, #tpu.memory_space<vmem>>, vector<16xf32>,
        %parallel_loop3A_311 = vector.extract_strided_slice %parallel_loop3A_310 {offsets = [0], sizes = [1], strides = [1]} : vector<16xf32> to vector<1xf32>
        %parallel_loop3A_312 = vector.extract %parallel_loop3A_311[0] : f32 from vector<1xf32>
        %parallel_loop3A_313 = arith.constant 0 : i32
        %parallel_loop3A_314 = arith.index_cast %parallel_loop3A_313 : i32 to index
        %parallel_loop3A_315 = arith.index_cast %parallel_loop3A_306 : i32 to index
        %parallel_loop3A_316 = arith.constant 0 : index
        %parallel_loop3A_317 = tpu.vector_load %arg16[%parallel_loop3A_314, %parallel_loop3A_315, %parallel_loop3A_316] {strides = array<i32>} : memref<2x64x128xf32, #tpu.memory_space<vmem>>, vector<16xf32>,
        %parallel_loop3A_318 = vector.broadcast %parallel_loop3A_312 : f32 to vector<16xf32>
        %parallel_loop3A_319 = arith.mulf %parallel_loop3A_317, %parallel_loop3A_318 : vector<16xf32>
        %parallel_loop3A_320 = arith.constant 0 : i32
        %parallel_loop3A_321 = arith.index_cast %parallel_loop3A_320 : i32 to index
        %parallel_loop3A_322 = arith.index_cast %parallel_loop3A_306 : i32 to index
        %parallel_loop3A_323 = arith.constant 0 : index
        %parallel_loop3A_324 = tpu.vector_load %arg16[%parallel_loop3A_321, %parallel_loop3A_322, %parallel_loop3A_323] {strides = array<i32>} : memref<2x64x128xf32, #tpu.memory_space<vmem>>, vector<16xf32>,
        tpu.vector_store %arg16[%parallel_loop3A_321, %parallel_loop3A_322, %parallel_loop3A_323], %parallel_loop3A_319 {strides = array<i32>} : memref<2x64x128xf32, #tpu.memory_space<vmem>>, vector<16xf32>,
        %parallel_loop3A_325 = arith.constant 0 : i32
        %parallel_loop3A_326 = arith.index_cast %parallel_loop3A_325 : i32 to index
        %parallel_loop3A_327 = arith.index_cast %parallel_loop3A_306 : i32 to index
        %parallel_loop3A_328 = arith.constant 16 : index
        %parallel_loop3A_329 = tpu.vector_load %arg16[%parallel_loop3A_326, %parallel_loop3A_327, %parallel_loop3A_328] {strides = array<i32>} : memref<2x64x128xf32, #tpu.memory_space<vmem>>, vector<16xf32>,
        %parallel_loop3A_330 = vector.broadcast %parallel_loop3A_312 : f32 to vector<16xf32>
        %parallel_loop3A_331 = arith.mulf %parallel_loop3A_329, %parallel_loop3A_330 : vector<16xf32>
        %parallel_loop3A_332 = arith.constant 0 : i32
        %parallel_loop3A_333 = arith.index_cast %parallel_loop3A_332 : i32 to index
        %parallel_loop3A_334 = arith.index_cast %parallel_loop3A_306 : i32 to index
        %parallel_loop3A_335 = arith.constant 16 : index
        %parallel_loop3A_336 = tpu.vector_load %arg16[%parallel_loop3A_333, %parallel_loop3A_334, %parallel_loop3A_335] {strides = array<i32>} : memref<2x64x128xf32, #tpu.memory_space<vmem>>, vector<16xf32>,
        tpu.vector_store %arg16[%parallel_loop3A_333, %parallel_loop3A_334, %parallel_loop3A_335], %parallel_loop3A_331 {strides = array<i32>} : memref<2x64x128xf32, #tpu.memory_space<vmem>>, vector<16xf32>,
        %parallel_loop3A_337 = arith.constant 0 : i32
        %parallel_loop3A_338 = arith.index_cast %parallel_loop3A_337 : i32 to index
        %parallel_loop3A_339 = arith.index_cast %parallel_loop3A_306 : i32 to index
        %parallel_loop3A_340 = arith.constant 32 : index
        %parallel_loop3A_341 = tpu.vector_load %arg16[%parallel_loop3A_338, %parallel_loop3A_339, %parallel_loop3A_340] {strides = array<i32>} : memref<2x64x128xf32, #tpu.memory_space<vmem>>, vector<16xf32>,
        %parallel_loop3A_342 = vector.broadcast %parallel_loop3A_312 : f32 to vector<16xf32>
        %parallel_loop3A_343 = arith.mulf %parallel_loop3A_341, %parallel_loop3A_342 : vector<16xf32>
        %parallel_loop3A_344 = arith.constant 0 : i32
        %parallel_loop3A_345 = arith.index_cast %parallel_loop3A_344 : i32 to index
        %parallel_loop3A_346 = arith.index_cast %parallel_loop3A_306 : i32 to index
        %parallel_loop3A_347 = arith.constant 32 : index
        %parallel_loop3A_348 = tpu.vector_load %arg16[%parallel_loop3A_345, %parallel_loop3A_346, %parallel_loop3A_347] {strides = array<i32>} : memref<2x64x128xf32, #tpu.memory_space<vmem>>, vector<16xf32>,
        tpu.vector_store %arg16[%parallel_loop3A_345, %parallel_loop3A_346, %parallel_loop3A_347], %parallel_loop3A_343 {strides = array<i32>} : memref<2x64x128xf32, #tpu.memory_space<vmem>>, vector<16xf32>,
        %parallel_loop3A_349 = arith.constant 0 : i32
        %parallel_loop3A_350 = arith.index_cast %parallel_loop3A_349 : i32 to index
        %parallel_loop3A_351 = arith.index_cast %parallel_loop3A_306 : i32 to index
        %parallel_loop3A_352 = arith.constant 48 : index
        %parallel_loop3A_353 = tpu.vector_load %arg16[%parallel_loop3A_350, %parallel_loop3A_351, %parallel_loop3A_352] {strides = array<i32>} : memref<2x64x128xf32, #tpu.memory_space<vmem>>, vector<16xf32>,
        %parallel_loop3A_354 = vector.broadcast %parallel_loop3A_312 : f32 to vector<16xf32>
        %parallel_loop3A_355 = arith.mulf %parallel_loop3A_353, %parallel_loop3A_354 : vector<16xf32>
        %parallel_loop3A_356 = arith.constant 0 : i32
        %parallel_loop3A_357 = arith.index_cast %parallel_loop3A_356 : i32 to index
        %parallel_loop3A_358 = arith.index_cast %parallel_loop3A_306 : i32 to index
        %parallel_loop3A_359 = arith.constant 48 : index
        %parallel_loop3A_360 = tpu.vector_load %arg16[%parallel_loop3A_357, %parallel_loop3A_358, %parallel_loop3A_359] {strides = array<i32>} : memref<2x64x128xf32, #tpu.memory_space<vmem>>, vector<16xf32>,
        tpu.vector_store %arg16[%parallel_loop3A_357, %parallel_loop3A_358, %parallel_loop3A_359], %parallel_loop3A_355 {strides = array<i32>} : memref<2x64x128xf32, #tpu.memory_space<vmem>>, vector<16xf32>,
        %parallel_loop3A_361 = arith.constant 0 : i32
        %parallel_loop3A_362 = arith.index_cast %parallel_loop3A_361 : i32 to index
        %parallel_loop3A_363 = arith.index_cast %parallel_loop3A_306 : i32 to index
        %parallel_loop3A_364 = arith.constant 64 : index
        %parallel_loop3A_365 = tpu.vector_load %arg16[%parallel_loop3A_362, %parallel_loop3A_363, %parallel_loop3A_364] {strides = array<i32>} : memref<2x64x128xf32, #tpu.memory_space<vmem>>, vector<16xf32>,
        %parallel_loop3A_366 = vector.broadcast %parallel_loop3A_312 : f32 to vector<16xf32>
        %parallel_loop3A_367 = arith.mulf %parallel_loop3A_365, %parallel_loop3A_366 : vector<16xf32>
        %parallel_loop3A_368 = arith.constant 0 : i32
        %parallel_loop3A_369 = arith.index_cast %parallel_loop3A_368 : i32 to index
        %parallel_loop3A_370 = arith.index_cast %parallel_loop3A_306 : i32 to index
        %parallel_loop3A_371 = arith.constant 64 : index
        %parallel_loop3A_372 = tpu.vector_load %arg16[%parallel_loop3A_369, %parallel_loop3A_370, %parallel_loop3A_371] {strides = array<i32>} : memref<2x64x128xf32, #tpu.memory_space<vmem>>, vector<16xf32>,
        tpu.vector_store %arg16[%parallel_loop3A_369, %parallel_loop3A_370, %parallel_loop3A_371], %parallel_loop3A_367 {strides = array<i32>} : memref<2x64x128xf32, #tpu.memory_space<vmem>>, vector<16xf32>,
        %parallel_loop3A_373 = arith.constant 0 : i32
        %parallel_loop3A_374 = arith.index_cast %parallel_loop3A_373 : i32 to index
        %parallel_loop3A_375 = arith.index_cast %parallel_loop3A_306 : i32 to index
        %parallel_loop3A_376 = arith.constant 80 : index
        %parallel_loop3A_377 = tpu.vector_load %arg16[%parallel_loop3A_374, %parallel_loop3A_375, %parallel_loop3A_376] {strides = array<i32>} : memref<2x64x128xf32, #tpu.memory_space<vmem>>, vector<16xf32>,
        %parallel_loop3A_378 = vector.broadcast %parallel_loop3A_312 : f32 to vector<16xf32>
        %parallel_loop3A_379 = arith.mulf %parallel_loop3A_377, %parallel_loop3A_378 : vector<16xf32>
        %parallel_loop3A_380 = arith.constant 0 : i32
        %parallel_loop3A_381 = arith.index_cast %parallel_loop3A_380 : i32 to index
        %parallel_loop3A_382 = arith.index_cast %parallel_loop3A_306 : i32 to index
        %parallel_loop3A_383 = arith.constant 80 : index
        %parallel_loop3A_384 = tpu.vector_load %arg16[%parallel_loop3A_381, %parallel_loop3A_382, %parallel_loop3A_383] {strides = array<i32>} : memref<2x64x128xf32, #tpu.memory_space<vmem>>, vector<16xf32>,
        tpu.vector_store %arg16[%parallel_loop3A_381, %parallel_loop3A_382, %parallel_loop3A_383], %parallel_loop3A_379 {strides = array<i32>} : memref<2x64x128xf32, #tpu.memory_space<vmem>>, vector<16xf32>,
        %parallel_loop3A_385 = arith.constant 0 : i32
        %parallel_loop3A_386 = arith.index_cast %parallel_loop3A_385 : i32 to index
        %parallel_loop3A_387 = arith.index_cast %parallel_loop3A_306 : i32 to index
        %parallel_loop3A_388 = arith.constant 96 : index
        %parallel_loop3A_389 = tpu.vector_load %arg16[%parallel_loop3A_386, %parallel_loop3A_387, %parallel_loop3A_388] {strides = array<i32>} : memref<2x64x128xf32, #tpu.memory_space<vmem>>, vector<16xf32>,
        %parallel_loop3A_390 = vector.broadcast %parallel_loop3A_312 : f32 to vector<16xf32>
        %parallel_loop3A_391 = arith.mulf %parallel_loop3A_389, %parallel_loop3A_390 : vector<16xf32>
        %parallel_loop3A_392 = arith.constant 0 : i32
        %parallel_loop3A_393 = arith.index_cast %parallel_loop3A_392 : i32 to index
        %parallel_loop3A_394 = arith.index_cast %parallel_loop3A_306 : i32 to index
        %parallel_loop3A_395 = arith.constant 96 : index
        %parallel_loop3A_396 = tpu.vector_load %arg16[%parallel_loop3A_393, %parallel_loop3A_394, %parallel_loop3A_395] {strides = array<i32>} : memref<2x64x128xf32, #tpu.memory_space<vmem>>, vector<16xf32>,
        tpu.vector_store %arg16[%parallel_loop3A_393, %parallel_loop3A_394, %parallel_loop3A_395], %parallel_loop3A_391 {strides = array<i32>} : memref<2x64x128xf32, #tpu.memory_space<vmem>>, vector<16xf32>,
        %parallel_loop3A_397 = arith.constant 0 : i32
        %parallel_loop3A_398 = arith.index_cast %parallel_loop3A_397 : i32 to index
        %parallel_loop3A_399 = arith.index_cast %parallel_loop3A_306 : i32 to index
        %parallel_loop3A_400 = arith.constant 112 : index
        %parallel_loop3A_401 = tpu.vector_load %arg16[%parallel_loop3A_398, %parallel_loop3A_399, %parallel_loop3A_400] {strides = array<i32>} : memref<2x64x128xf32, #tpu.memory_space<vmem>>, vector<16xf32>,
        %parallel_loop3A_402 = vector.broadcast %parallel_loop3A_312 : f32 to vector<16xf32>
        %parallel_loop3A_403 = arith.mulf %parallel_loop3A_401, %parallel_loop3A_402 : vector<16xf32>
        %parallel_loop3A_404 = arith.constant 0 : i32
        %parallel_loop3A_405 = arith.index_cast %parallel_loop3A_404 : i32 to index
        %parallel_loop3A_406 = arith.index_cast %parallel_loop3A_306 : i32 to index
        %parallel_loop3A_407 = arith.constant 112 : index
        %parallel_loop3A_408 = tpu.vector_load %arg16[%parallel_loop3A_405, %parallel_loop3A_406, %parallel_loop3A_407] {strides = array<i32>} : memref<2x64x128xf32, #tpu.memory_space<vmem>>, vector<16xf32>,
        tpu.vector_store %arg16[%parallel_loop3A_405, %parallel_loop3A_406, %parallel_loop3A_407], %parallel_loop3A_403 {strides = array<i32>} : memref<2x64x128xf32, #tpu.memory_space<vmem>>, vector<16xf32>,
        %parallel_loop3A_409 = arith.constant 1 : i32
        %parallel_loop3A_410 = arith.addi %parallel_loop3A_304, %parallel_loop3A_409 : i32
        %parallel_loop3A_411 = arith.constant 0 : i32
        %parallel_loop3A_412 = arith.index_cast %parallel_loop3A_411 : i32 to index
        %parallel_loop3A_413 = arith.index_cast %parallel_loop3A_410 : i32 to index
        %parallel_loop3A_414 = tpu.vector_load %arg14[%parallel_loop3A_412, %parallel_loop3A_413] {strides = array<i32>} : memref<2x80xf32, #tpu.memory_space<vmem>>, vector<16xf32>,
        %parallel_loop3A_415 = vector.extract_strided_slice %parallel_loop3A_414 {offsets = [0], sizes = [1], strides = [1]} : vector<16xf32> to vector<1xf32>
        %parallel_loop3A_416 = vector.extract %parallel_loop3A_415[0] : f32 from vector<1xf32>
        %parallel_loop3A_417 = arith.constant 0 : i32
        %parallel_loop3A_418 = arith.index_cast %parallel_loop3A_417 : i32 to index
        %parallel_loop3A_419 = arith.index_cast %parallel_loop3A_410 : i32 to index
        %parallel_loop3A_420 = arith.constant 0 : index
        %parallel_loop3A_421 = tpu.vector_load %arg16[%parallel_loop3A_418, %parallel_loop3A_419, %parallel_loop3A_420] {strides = array<i32>} : memref<2x64x128xf32, #tpu.memory_space<vmem>>, vector<16xf32>,
        %parallel_loop3A_422 = vector.broadcast %parallel_loop3A_416 : f32 to vector<16xf32>
        %parallel_loop3A_423 = arith.mulf %parallel_loop3A_421, %parallel_loop3A_422 : vector<16xf32>
        %parallel_loop3A_424 = arith.constant 0 : i32
        %parallel_loop3A_425 = arith.index_cast %parallel_loop3A_424 : i32 to index
        %parallel_loop3A_426 = arith.index_cast %parallel_loop3A_410 : i32 to index
        %parallel_loop3A_427 = arith.constant 0 : index
        %parallel_loop3A_428 = tpu.vector_load %arg16[%parallel_loop3A_425, %parallel_loop3A_426, %parallel_loop3A_427] {strides = array<i32>} : memref<2x64x128xf32, #tpu.memory_space<vmem>>, vector<16xf32>,
        tpu.vector_store %arg16[%parallel_loop3A_425, %parallel_loop3A_426, %parallel_loop3A_427], %parallel_loop3A_423 {strides = array<i32>} : memref<2x64x128xf32, #tpu.memory_space<vmem>>, vector<16xf32>,
        %parallel_loop3A_429 = arith.constant 0 : i32
        %parallel_loop3A_430 = arith.index_cast %parallel_loop3A_429 : i32 to index
        %parallel_loop3A_431 = arith.index_cast %parallel_loop3A_410 : i32 to index
        %parallel_loop3A_432 = arith.constant 16 : index
        %parallel_loop3A_433 = tpu.vector_load %arg16[%parallel_loop3A_430, %parallel_loop3A_431, %parallel_loop3A_432] {strides = array<i32>} : memref<2x64x128xf32, #tpu.memory_space<vmem>>, vector<16xf32>,
        %parallel_loop3A_434 = vector.broadcast %parallel_loop3A_416 : f32 to vector<16xf32>
        %parallel_loop3A_435 = arith.mulf %parallel_loop3A_433, %parallel_loop3A_434 : vector<16xf32>
        %parallel_loop3A_436 = arith.constant 0 : i32
        %parallel_loop3A_437 = arith.index_cast %parallel_loop3A_436 : i32 to index
        %parallel_loop3A_438 = arith.index_cast %parallel_loop3A_410 : i32 to index
        %parallel_loop3A_439 = arith.constant 16 : index
        %parallel_loop3A_440 = tpu.vector_load %arg16[%parallel_loop3A_437, %parallel_loop3A_438, %parallel_loop3A_439] {strides = array<i32>} : memref<2x64x128xf32, #tpu.memory_space<vmem>>, vector<16xf32>,
        tpu.vector_store %arg16[%parallel_loop3A_437, %parallel_loop3A_438, %parallel_loop3A_439], %parallel_loop3A_435 {strides = array<i32>} : memref<2x64x128xf32, #tpu.memory_space<vmem>>, vector<16xf32>,
        %parallel_loop3A_441 = arith.constant 0 : i32
        %parallel_loop3A_442 = arith.index_cast %parallel_loop3A_441 : i32 to index
        %parallel_loop3A_443 = arith.index_cast %parallel_loop3A_410 : i32 to index
        %parallel_loop3A_444 = arith.constant 32 : index
        %parallel_loop3A_445 = tpu.vector_load %arg16[%parallel_loop3A_442, %parallel_loop3A_443, %parallel_loop3A_444] {strides = array<i32>} : memref<2x64x128xf32, #tpu.memory_space<vmem>>, vector<16xf32>,
        %parallel_loop3A_446 = vector.broadcast %parallel_loop3A_416 : f32 to vector<16xf32>
        %parallel_loop3A_447 = arith.mulf %parallel_loop3A_445, %parallel_loop3A_446 : vector<16xf32>
        %parallel_loop3A_448 = arith.constant 0 : i32
        %parallel_loop3A_449 = arith.index_cast %parallel_loop3A_448 : i32 to index
        %parallel_loop3A_450 = arith.index_cast %parallel_loop3A_410 : i32 to index
        %parallel_loop3A_451 = arith.constant 32 : index
        %parallel_loop3A_452 = tpu.vector_load %arg16[%parallel_loop3A_449, %parallel_loop3A_450, %parallel_loop3A_451] {strides = array<i32>} : memref<2x64x128xf32, #tpu.memory_space<vmem>>, vector<16xf32>,
        tpu.vector_store %arg16[%parallel_loop3A_449, %parallel_loop3A_450, %parallel_loop3A_451], %parallel_loop3A_447 {strides = array<i32>} : memref<2x64x128xf32, #tpu.memory_space<vmem>>, vector<16xf32>,
        %parallel_loop3A_453 = arith.constant 0 : i32
        %parallel_loop3A_454 = arith.index_cast %parallel_loop3A_453 : i32 to index
        %parallel_loop3A_455 = arith.index_cast %parallel_loop3A_410 : i32 to index
        %parallel_loop3A_456 = arith.constant 48 : index
        %parallel_loop3A_457 = tpu.vector_load %arg16[%parallel_loop3A_454, %parallel_loop3A_455, %parallel_loop3A_456] {strides = array<i32>} : memref<2x64x128xf32, #tpu.memory_space<vmem>>, vector<16xf32>,
        %parallel_loop3A_458 = vector.broadcast %parallel_loop3A_416 : f32 to vector<16xf32>
        %parallel_loop3A_459 = arith.mulf %parallel_loop3A_457, %parallel_loop3A_458 : vector<16xf32>
        %parallel_loop3A_460 = arith.constant 0 : i32
        %parallel_loop3A_461 = arith.index_cast %parallel_loop3A_460 : i32 to index
        %parallel_loop3A_462 = arith.index_cast %parallel_loop3A_410 : i32 to index
        %parallel_loop3A_463 = arith.constant 48 : index
        %parallel_loop3A_464 = tpu.vector_load %arg16[%parallel_loop3A_461, %parallel_loop3A_462, %parallel_loop3A_463] {strides = array<i32>} : memref<2x64x128xf32, #tpu.memory_space<vmem>>, vector<16xf32>,
        tpu.vector_store %arg16[%parallel_loop3A_461, %parallel_loop3A_462, %parallel_loop3A_463], %parallel_loop3A_459 {strides = array<i32>} : memref<2x64x128xf32, #tpu.memory_space<vmem>>, vector<16xf32>,
        %parallel_loop3A_465 = arith.constant 0 : i32
        %parallel_loop3A_466 = arith.index_cast %parallel_loop3A_465 : i32 to index
        %parallel_loop3A_467 = arith.index_cast %parallel_loop3A_410 : i32 to index
        %parallel_loop3A_468 = arith.constant 64 : index
        %parallel_loop3A_469 = tpu.vector_load %arg16[%parallel_loop3A_466, %parallel_loop3A_467, %parallel_loop3A_468] {strides = array<i32>} : memref<2x64x128xf32, #tpu.memory_space<vmem>>, vector<16xf32>,
        %parallel_loop3A_470 = vector.broadcast %parallel_loop3A_416 : f32 to vector<16xf32>
        %parallel_loop3A_471 = arith.mulf %parallel_loop3A_469, %parallel_loop3A_470 : vector<16xf32>
        %parallel_loop3A_472 = arith.constant 0 : i32
        %parallel_loop3A_473 = arith.index_cast %parallel_loop3A_472 : i32 to index
        %parallel_loop3A_474 = arith.index_cast %parallel_loop3A_410 : i32 to index
        %parallel_loop3A_475 = arith.constant 64 : index
        %parallel_loop3A_476 = tpu.vector_load %arg16[%parallel_loop3A_473, %parallel_loop3A_474, %parallel_loop3A_475] {strides = array<i32>} : memref<2x64x128xf32, #tpu.memory_space<vmem>>, vector<16xf32>,
        tpu.vector_store %arg16[%parallel_loop3A_473, %parallel_loop3A_474, %parallel_loop3A_475], %parallel_loop3A_471 {strides = array<i32>} : memref<2x64x128xf32, #tpu.memory_space<vmem>>, vector<16xf32>,
        %parallel_loop3A_477 = arith.constant 0 : i32
        %parallel_loop3A_478 = arith.index_cast %parallel_loop3A_477 : i32 to index
        %parallel_loop3A_479 = arith.index_cast %parallel_loop3A_410 : i32 to index
        %parallel_loop3A_480 = arith.constant 80 : index
        %parallel_loop3A_481 = tpu.vector_load %arg16[%parallel_loop3A_478, %parallel_loop3A_479, %parallel_loop3A_480] {strides = array<i32>} : memref<2x64x128xf32, #tpu.memory_space<vmem>>, vector<16xf32>,
        %parallel_loop3A_482 = vector.broadcast %parallel_loop3A_416 : f32 to vector<16xf32>
        %parallel_loop3A_483 = arith.mulf %parallel_loop3A_481, %parallel_loop3A_482 : vector<16xf32>
        %parallel_loop3A_484 = arith.constant 0 : i32
        %parallel_loop3A_485 = arith.index_cast %parallel_loop3A_484 : i32 to index
        %parallel_loop3A_486 = arith.index_cast %parallel_loop3A_410 : i32 to index
        %parallel_loop3A_487 = arith.constant 80 : index
        %parallel_loop3A_488 = tpu.vector_load %arg16[%parallel_loop3A_485, %parallel_loop3A_486, %parallel_loop3A_487] {strides = array<i32>} : memref<2x64x128xf32, #tpu.memory_space<vmem>>, vector<16xf32>,
        tpu.vector_store %arg16[%parallel_loop3A_485, %parallel_loop3A_486, %parallel_loop3A_487], %parallel_loop3A_483 {strides = array<i32>} : memref<2x64x128xf32, #tpu.memory_space<vmem>>, vector<16xf32>,
        %parallel_loop3A_489 = arith.constant 0 : i32
        %parallel_loop3A_490 = arith.index_cast %parallel_loop3A_489 : i32 to index
        %parallel_loop3A_491 = arith.index_cast %parallel_loop3A_410 : i32 to index
        %parallel_loop3A_492 = arith.constant 96 : index
        %parallel_loop3A_493 = tpu.vector_load %arg16[%parallel_loop3A_490, %parallel_loop3A_491, %parallel_loop3A_492] {strides = array<i32>} : memref<2x64x128xf32, #tpu.memory_space<vmem>>, vector<16xf32>,
        %parallel_loop3A_494 = vector.broadcast %parallel_loop3A_416 : f32 to vector<16xf32>
        %parallel_loop3A_495 = arith.mulf %parallel_loop3A_493, %parallel_loop3A_494 : vector<16xf32>
        %parallel_loop3A_496 = arith.constant 0 : i32
        %parallel_loop3A_497 = arith.index_cast %parallel_loop3A_496 : i32 to index
        %parallel_loop3A_498 = arith.index_cast %parallel_loop3A_410 : i32 to index
        %parallel_loop3A_499 = arith.constant 96 : index
        %parallel_loop3A_500 = tpu.vector_load %arg16[%parallel_loop3A_497, %parallel_loop3A_498, %parallel_loop3A_499] {strides = array<i32>} : memref<2x64x128xf32, #tpu.memory_space<vmem>>, vector<16xf32>,
        tpu.vector_store %arg16[%parallel_loop3A_497, %parallel_loop3A_498, %parallel_loop3A_499], %parallel_loop3A_495 {strides = array<i32>} : memref<2x64x128xf32, #tpu.memory_space<vmem>>, vector<16xf32>,
        %parallel_loop3A_501 = arith.constant 0 : i32
        %parallel_loop3A_502 = arith.index_cast %parallel_loop3A_501 : i32 to index
        %parallel_loop3A_503 = arith.index_cast %parallel_loop3A_410 : i32 to index
        %parallel_loop3A_504 = arith.constant 112 : index
        %parallel_loop3A_505 = tpu.vector_load %arg16[%parallel_loop3A_502, %parallel_loop3A_503, %parallel_loop3A_504] {strides = array<i32>} : memref<2x64x128xf32, #tpu.memory_space<vmem>>, vector<16xf32>,
        %parallel_loop3A_506 = vector.broadcast %parallel_loop3A_416 : f32 to vector<16xf32>
        %parallel_loop3A_507 = arith.mulf %parallel_loop3A_505, %parallel_loop3A_506 : vector<16xf32>
        %parallel_loop3A_508 = arith.constant 0 : i32
        %parallel_loop3A_509 = arith.index_cast %parallel_loop3A_508 : i32 to index
        %parallel_loop3A_510 = arith.index_cast %parallel_loop3A_410 : i32 to index
        %parallel_loop3A_511 = arith.constant 112 : index
        %parallel_loop3A_512 = tpu.vector_load %arg16[%parallel_loop3A_509, %parallel_loop3A_510, %parallel_loop3A_511] {strides = array<i32>} : memref<2x64x128xf32, #tpu.memory_space<vmem>>, vector<16xf32>,
        tpu.vector_store %arg16[%parallel_loop3A_509, %parallel_loop3A_510, %parallel_loop3A_511], %parallel_loop3A_507 {strides = array<i32>} : memref<2x64x128xf32, #tpu.memory_space<vmem>>, vector<16xf32>,
        %parallel_loop3A_513 = arith.constant 2 : i32
        %parallel_loop3A_514 = arith.addi %parallel_loop3A_304, %parallel_loop3A_513 : i32
        %parallel_loop3A_515 = arith.constant 0 : i32
        %parallel_loop3A_516 = arith.index_cast %parallel_loop3A_515 : i32 to index
        %parallel_loop3A_517 = arith.index_cast %parallel_loop3A_514 : i32 to index
        %parallel_loop3A_518 = tpu.vector_load %arg14[%parallel_loop3A_516, %parallel_loop3A_517] {strides = array<i32>} : memref<2x80xf32, #tpu.memory_space<vmem>>, vector<16xf32>,
        %parallel_loop3A_519 = vector.extract_strided_slice %parallel_loop3A_518 {offsets = [0], sizes = [1], strides = [1]} : vector<16xf32> to vector<1xf32>
        %parallel_loop3A_520 = vector.extract %parallel_loop3A_519[0] : f32 from vector<1xf32>
        %parallel_loop3A_521 = arith.constant 0 : i32
        %parallel_loop3A_522 = arith.index_cast %parallel_loop3A_521 : i32 to index
        %parallel_loop3A_523 = arith.index_cast %parallel_loop3A_514 : i32 to index
        %parallel_loop3A_524 = arith.constant 0 : index
        %parallel_loop3A_525 = tpu.vector_load %arg16[%parallel_loop3A_522, %parallel_loop3A_523, %parallel_loop3A_524] {strides = array<i32>} : memref<2x64x128xf32, #tpu.memory_space<vmem>>, vector<16xf32>,
        %parallel_loop3A_526 = vector.broadcast %parallel_loop3A_520 : f32 to vector<16xf32>
        %parallel_loop3A_527 = arith.mulf %parallel_loop3A_525, %parallel_loop3A_526 : vector<16xf32>
        %parallel_loop3A_528 = arith.constant 0 : i32
        %parallel_loop3A_529 = arith.index_cast %parallel_loop3A_528 : i32 to index
        %parallel_loop3A_530 = arith.index_cast %parallel_loop3A_514 : i32 to index
        %parallel_loop3A_531 = arith.constant 0 : index
        %parallel_loop3A_532 = tpu.vector_load %arg16[%parallel_loop3A_529, %parallel_loop3A_530, %parallel_loop3A_531] {strides = array<i32>} : memref<2x64x128xf32, #tpu.memory_space<vmem>>, vector<16xf32>,
        tpu.vector_store %arg16[%parallel_loop3A_529, %parallel_loop3A_530, %parallel_loop3A_531], %parallel_loop3A_527 {strides = array<i32>} : memref<2x64x128xf32, #tpu.memory_space<vmem>>, vector<16xf32>,
        %parallel_loop3A_533 = arith.constant 0 : i32
        %parallel_loop3A_534 = arith.index_cast %parallel_loop3A_533 : i32 to index
        %parallel_loop3A_535 = arith.index_cast %parallel_loop3A_514 : i32 to index
        %parallel_loop3A_536 = arith.constant 16 : index
        %parallel_loop3A_537 = tpu.vector_load %arg16[%parallel_loop3A_534, %parallel_loop3A_535, %parallel_loop3A_536] {strides = array<i32>} : memref<2x64x128xf32, #tpu.memory_space<vmem>>, vector<16xf32>,
        %parallel_loop3A_538 = vector.broadcast %parallel_loop3A_520 : f32 to vector<16xf32>
        %parallel_loop3A_539 = arith.mulf %parallel_loop3A_537, %parallel_loop3A_538 : vector<16xf32>
        %parallel_loop3A_540 = arith.constant 0 : i32
        %parallel_loop3A_541 = arith.index_cast %parallel_loop3A_540 : i32 to index
        %parallel_loop3A_542 = arith.index_cast %parallel_loop3A_514 : i32 to index
        %parallel_loop3A_543 = arith.constant 16 : index
        %parallel_loop3A_544 = tpu.vector_load %arg16[%parallel_loop3A_541, %parallel_loop3A_542, %parallel_loop3A_543] {strides = array<i32>} : memref<2x64x128xf32, #tpu.memory_space<vmem>>, vector<16xf32>,
        tpu.vector_store %arg16[%parallel_loop3A_541, %parallel_loop3A_542, %parallel_loop3A_543], %parallel_loop3A_539 {strides = array<i32>} : memref<2x64x128xf32, #tpu.memory_space<vmem>>, vector<16xf32>,
        %parallel_loop3A_545 = arith.constant 0 : i32
        %parallel_loop3A_546 = arith.index_cast %parallel_loop3A_545 : i32 to index
        %parallel_loop3A_547 = arith.index_cast %parallel_loop3A_514 : i32 to index
        %parallel_loop3A_548 = arith.constant 32 : index
        %parallel_loop3A_549 = tpu.vector_load %arg16[%parallel_loop3A_546, %parallel_loop3A_547, %parallel_loop3A_548] {strides = array<i32>} : memref<2x64x128xf32, #tpu.memory_space<vmem>>, vector<16xf32>,
        %parallel_loop3A_550 = vector.broadcast %parallel_loop3A_520 : f32 to vector<16xf32>
        %parallel_loop3A_551 = arith.mulf %parallel_loop3A_549, %parallel_loop3A_550 : vector<16xf32>
        %parallel_loop3A_552 = arith.constant 0 : i32
        %parallel_loop3A_553 = arith.index_cast %parallel_loop3A_552 : i32 to index
        %parallel_loop3A_554 = arith.index_cast %parallel_loop3A_514 : i32 to index
        %parallel_loop3A_555 = arith.constant 32 : index
        %parallel_loop3A_556 = tpu.vector_load %arg16[%parallel_loop3A_553, %parallel_loop3A_554, %parallel_loop3A_555] {strides = array<i32>} : memref<2x64x128xf32, #tpu.memory_space<vmem>>, vector<16xf32>,
        tpu.vector_store %arg16[%parallel_loop3A_553, %parallel_loop3A_554, %parallel_loop3A_555], %parallel_loop3A_551 {strides = array<i32>} : memref<2x64x128xf32, #tpu.memory_space<vmem>>, vector<16xf32>,
        %parallel_loop3A_557 = arith.constant 0 : i32
        %parallel_loop3A_558 = arith.index_cast %parallel_loop3A_557 : i32 to index
        %parallel_loop3A_559 = arith.index_cast %parallel_loop3A_514 : i32 to index
        %parallel_loop3A_560 = arith.constant 48 : index
        %parallel_loop3A_561 = tpu.vector_load %arg16[%parallel_loop3A_558, %parallel_loop3A_559, %parallel_loop3A_560] {strides = array<i32>} : memref<2x64x128xf32, #tpu.memory_space<vmem>>, vector<16xf32>,
        %parallel_loop3A_562 = vector.broadcast %parallel_loop3A_520 : f32 to vector<16xf32>
        %parallel_loop3A_563 = arith.mulf %parallel_loop3A_561, %parallel_loop3A_562 : vector<16xf32>
        %parallel_loop3A_564 = arith.constant 0 : i32
        %parallel_loop3A_565 = arith.index_cast %parallel_loop3A_564 : i32 to index
        %parallel_loop3A_566 = arith.index_cast %parallel_loop3A_514 : i32 to index
        %parallel_loop3A_567 = arith.constant 48 : index
        %parallel_loop3A_568 = tpu.vector_load %arg16[%parallel_loop3A_565, %parallel_loop3A_566, %parallel_loop3A_567] {strides = array<i32>} : memref<2x64x128xf32, #tpu.memory_space<vmem>>, vector<16xf32>,
        tpu.vector_store %arg16[%parallel_loop3A_565, %parallel_loop3A_566, %parallel_loop3A_567], %parallel_loop3A_563 {strides = array<i32>} : memref<2x64x128xf32, #tpu.memory_space<vmem>>, vector<16xf32>,
        %parallel_loop3A_569 = arith.constant 0 : i32
        %parallel_loop3A_570 = arith.index_cast %parallel_loop3A_569 : i32 to index
        %parallel_loop3A_571 = arith.index_cast %parallel_loop3A_514 : i32 to index
        %parallel_loop3A_572 = arith.constant 64 : index
        %parallel_loop3A_573 = tpu.vector_load %arg16[%parallel_loop3A_570, %parallel_loop3A_571, %parallel_loop3A_572] {strides = array<i32>} : memref<2x64x128xf32, #tpu.memory_space<vmem>>, vector<16xf32>,
        %parallel_loop3A_574 = vector.broadcast %parallel_loop3A_520 : f32 to vector<16xf32>
        %parallel_loop3A_575 = arith.mulf %parallel_loop3A_573, %parallel_loop3A_574 : vector<16xf32>
        %parallel_loop3A_576 = arith.constant 0 : i32
        %parallel_loop3A_577 = arith.index_cast %parallel_loop3A_576 : i32 to index
        %parallel_loop3A_578 = arith.index_cast %parallel_loop3A_514 : i32 to index
        %parallel_loop3A_579 = arith.constant 64 : index
        %parallel_loop3A_580 = tpu.vector_load %arg16[%parallel_loop3A_577, %parallel_loop3A_578, %parallel_loop3A_579] {strides = array<i32>} : memref<2x64x128xf32, #tpu.memory_space<vmem>>, vector<16xf32>,
        tpu.vector_store %arg16[%parallel_loop3A_577, %parallel_loop3A_578, %parallel_loop3A_579], %parallel_loop3A_575 {strides = array<i32>} : memref<2x64x128xf32, #tpu.memory_space<vmem>>, vector<16xf32>,
        %parallel_loop3A_581 = arith.constant 0 : i32
        %parallel_loop3A_582 = arith.index_cast %parallel_loop3A_581 : i32 to index
        %parallel_loop3A_583 = arith.index_cast %parallel_loop3A_514 : i32 to index
        %parallel_loop3A_584 = arith.constant 80 : index
        %parallel_loop3A_585 = tpu.vector_load %arg16[%parallel_loop3A_582, %parallel_loop3A_583, %parallel_loop3A_584] {strides = array<i32>} : memref<2x64x128xf32, #tpu.memory_space<vmem>>, vector<16xf32>,
        %parallel_loop3A_586 = vector.broadcast %parallel_loop3A_520 : f32 to vector<16xf32>
        %parallel_loop3A_587 = arith.mulf %parallel_loop3A_585, %parallel_loop3A_586 : vector<16xf32>
        %parallel_loop3A_588 = arith.constant 0 : i32
        %parallel_loop3A_589 = arith.index_cast %parallel_loop3A_588 : i32 to index
        %parallel_loop3A_590 = arith.index_cast %parallel_loop3A_514 : i32 to index
        %parallel_loop3A_591 = arith.constant 80 : index
        %parallel_loop3A_592 = tpu.vector_load %arg16[%parallel_loop3A_589, %parallel_loop3A_590, %parallel_loop3A_591] {strides = array<i32>} : memref<2x64x128xf32, #tpu.memory_space<vmem>>, vector<16xf32>,
        tpu.vector_store %arg16[%parallel_loop3A_589, %parallel_loop3A_590, %parallel_loop3A_591], %parallel_loop3A_587 {strides = array<i32>} : memref<2x64x128xf32, #tpu.memory_space<vmem>>, vector<16xf32>,
        %parallel_loop3A_593 = arith.constant 0 : i32
        %parallel_loop3A_594 = arith.index_cast %parallel_loop3A_593 : i32 to index
        %parallel_loop3A_595 = arith.index_cast %parallel_loop3A_514 : i32 to index
        %parallel_loop3A_596 = arith.constant 96 : index
        %parallel_loop3A_597 = tpu.vector_load %arg16[%parallel_loop3A_594, %parallel_loop3A_595, %parallel_loop3A_596] {strides = array<i32>} : memref<2x64x128xf32, #tpu.memory_space<vmem>>, vector<16xf32>,
        %parallel_loop3A_598 = vector.broadcast %parallel_loop3A_520 : f32 to vector<16xf32>
        %parallel_loop3A_599 = arith.mulf %parallel_loop3A_597, %parallel_loop3A_598 : vector<16xf32>
        %parallel_loop3A_600 = arith.constant 0 : i32
        %parallel_loop3A_601 = arith.index_cast %parallel_loop3A_600 : i32 to index
        %parallel_loop3A_602 = arith.index_cast %parallel_loop3A_514 : i32 to index
        %parallel_loop3A_603 = arith.constant 96 : index
        %parallel_loop3A_604 = tpu.vector_load %arg16[%parallel_loop3A_601, %parallel_loop3A_602, %parallel_loop3A_603] {strides = array<i32>} : memref<2x64x128xf32, #tpu.memory_space<vmem>>, vector<16xf32>,
        tpu.vector_store %arg16[%parallel_loop3A_601, %parallel_loop3A_602, %parallel_loop3A_603], %parallel_loop3A_599 {strides = array<i32>} : memref<2x64x128xf32, #tpu.memory_space<vmem>>, vector<16xf32>,
        %parallel_loop3A_605 = arith.constant 0 : i32
        %parallel_loop3A_606 = arith.index_cast %parallel_loop3A_605 : i32 to index
        %parallel_loop3A_607 = arith.index_cast %parallel_loop3A_514 : i32 to index
        %parallel_loop3A_608 = arith.constant 112 : index
        %parallel_loop3A_609 = tpu.vector_load %arg16[%parallel_loop3A_606, %parallel_loop3A_607, %parallel_loop3A_608] {strides = array<i32>} : memref<2x64x128xf32, #tpu.memory_space<vmem>>, vector<16xf32>,
        %parallel_loop3A_610 = vector.broadcast %parallel_loop3A_520 : f32 to vector<16xf32>
        %parallel_loop3A_611 = arith.mulf %parallel_loop3A_609, %parallel_loop3A_610 : vector<16xf32>
        %parallel_loop3A_612 = arith.constant 0 : i32
        %parallel_loop3A_613 = arith.index_cast %parallel_loop3A_612 : i32 to index
        %parallel_loop3A_614 = arith.index_cast %parallel_loop3A_514 : i32 to index
        %parallel_loop3A_615 = arith.constant 112 : index
        %parallel_loop3A_616 = tpu.vector_load %arg16[%parallel_loop3A_613, %parallel_loop3A_614, %parallel_loop3A_615] {strides = array<i32>} : memref<2x64x128xf32, #tpu.memory_space<vmem>>, vector<16xf32>,
        tpu.vector_store %arg16[%parallel_loop3A_613, %parallel_loop3A_614, %parallel_loop3A_615], %parallel_loop3A_611 {strides = array<i32>} : memref<2x64x128xf32, #tpu.memory_space<vmem>>, vector<16xf32>,
        %parallel_loop3A_617 = arith.constant 3 : i32
        %parallel_loop3A_618 = arith.addi %parallel_loop3A_304, %parallel_loop3A_617 : i32
        %parallel_loop3A_619 = arith.constant 0 : i32
        %parallel_loop3A_620 = arith.index_cast %parallel_loop3A_619 : i32 to index
        %parallel_loop3A_621 = arith.index_cast %parallel_loop3A_618 : i32 to index
        %parallel_loop3A_622 = tpu.vector_load %arg14[%parallel_loop3A_620, %parallel_loop3A_621] {strides = array<i32>} : memref<2x80xf32, #tpu.memory_space<vmem>>, vector<16xf32>,
        %parallel_loop3A_623 = vector.extract_strided_slice %parallel_loop3A_622 {offsets = [0], sizes = [1], strides = [1]} : vector<16xf32> to vector<1xf32>
        %parallel_loop3A_624 = vector.extract %parallel_loop3A_623[0] : f32 from vector<1xf32>
        %parallel_loop3A_625 = arith.constant 0 : i32
        %parallel_loop3A_626 = arith.index_cast %parallel_loop3A_625 : i32 to index
        %parallel_loop3A_627 = arith.index_cast %parallel_loop3A_618 : i32 to index
        %parallel_loop3A_628 = arith.constant 0 : index
        %parallel_loop3A_629 = tpu.vector_load %arg16[%parallel_loop3A_626, %parallel_loop3A_627, %parallel_loop3A_628] {strides = array<i32>} : memref<2x64x128xf32, #tpu.memory_space<vmem>>, vector<16xf32>,
        %parallel_loop3A_630 = vector.broadcast %parallel_loop3A_624 : f32 to vector<16xf32>
        %parallel_loop3A_631 = arith.mulf %parallel_loop3A_629, %parallel_loop3A_630 : vector<16xf32>
        %parallel_loop3A_632 = arith.constant 0 : i32
        %parallel_loop3A_633 = arith.index_cast %parallel_loop3A_632 : i32 to index
        %parallel_loop3A_634 = arith.index_cast %parallel_loop3A_618 : i32 to index
        %parallel_loop3A_635 = arith.constant 0 : index
        %parallel_loop3A_636 = tpu.vector_load %arg16[%parallel_loop3A_633, %parallel_loop3A_634, %parallel_loop3A_635] {strides = array<i32>} : memref<2x64x128xf32, #tpu.memory_space<vmem>>, vector<16xf32>,
        tpu.vector_store %arg16[%parallel_loop3A_633, %parallel_loop3A_634, %parallel_loop3A_635], %parallel_loop3A_631 {strides = array<i32>} : memref<2x64x128xf32, #tpu.memory_space<vmem>>, vector<16xf32>,
        %parallel_loop3A_637 = arith.constant 0 : i32
        %parallel_loop3A_638 = arith.index_cast %parallel_loop3A_637 : i32 to index
        %parallel_loop3A_639 = arith.index_cast %parallel_loop3A_618 : i32 to index
        %parallel_loop3A_640 = arith.constant 16 : index
        %parallel_loop3A_641 = tpu.vector_load %arg16[%parallel_loop3A_638, %parallel_loop3A_639, %parallel_loop3A_640] {strides = array<i32>} : memref<2x64x128xf32, #tpu.memory_space<vmem>>, vector<16xf32>,
        %parallel_loop3A_642 = vector.broadcast %parallel_loop3A_624 : f32 to vector<16xf32>
        %parallel_loop3A_643 = arith.mulf %parallel_loop3A_641, %parallel_loop3A_642 : vector<16xf32>
        %parallel_loop3A_644 = arith.constant 0 : i32
        %parallel_loop3A_645 = arith.index_cast %parallel_loop3A_644 : i32 to index
        %parallel_loop3A_646 = arith.index_cast %parallel_loop3A_618 : i32 to index
        %parallel_loop3A_647 = arith.constant 16 : index
        %parallel_loop3A_648 = tpu.vector_load %arg16[%parallel_loop3A_645, %parallel_loop3A_646, %parallel_loop3A_647] {strides = array<i32>} : memref<2x64x128xf32, #tpu.memory_space<vmem>>, vector<16xf32>,
        tpu.vector_store %arg16[%parallel_loop3A_645, %parallel_loop3A_646, %parallel_loop3A_647], %parallel_loop3A_643 {strides = array<i32>} : memref<2x64x128xf32, #tpu.memory_space<vmem>>, vector<16xf32>,
        %parallel_loop3A_649 = arith.constant 0 : i32
        %parallel_loop3A_650 = arith.index_cast %parallel_loop3A_649 : i32 to index
        %parallel_loop3A_651 = arith.index_cast %parallel_loop3A_618 : i32 to index
        %parallel_loop3A_652 = arith.constant 32 : index
        %parallel_loop3A_653 = tpu.vector_load %arg16[%parallel_loop3A_650, %parallel_loop3A_651, %parallel_loop3A_652] {strides = array<i32>} : memref<2x64x128xf32, #tpu.memory_space<vmem>>, vector<16xf32>,
        %parallel_loop3A_654 = vector.broadcast %parallel_loop3A_624 : f32 to vector<16xf32>
        %parallel_loop3A_655 = arith.mulf %parallel_loop3A_653, %parallel_loop3A_654 : vector<16xf32>
        %parallel_loop3A_656 = arith.constant 0 : i32
        %parallel_loop3A_657 = arith.index_cast %parallel_loop3A_656 : i32 to index
        %parallel_loop3A_658 = arith.index_cast %parallel_loop3A_618 : i32 to index
        %parallel_loop3A_659 = arith.constant 32 : index
        %parallel_loop3A_660 = tpu.vector_load %arg16[%parallel_loop3A_657, %parallel_loop3A_658, %parallel_loop3A_659] {strides = array<i32>} : memref<2x64x128xf32, #tpu.memory_space<vmem>>, vector<16xf32>,
        tpu.vector_store %arg16[%parallel_loop3A_657, %parallel_loop3A_658, %parallel_loop3A_659], %parallel_loop3A_655 {strides = array<i32>} : memref<2x64x128xf32, #tpu.memory_space<vmem>>, vector<16xf32>,
        %parallel_loop3A_661 = arith.constant 0 : i32
        %parallel_loop3A_662 = arith.index_cast %parallel_loop3A_661 : i32 to index
        %parallel_loop3A_663 = arith.index_cast %parallel_loop3A_618 : i32 to index
        %parallel_loop3A_664 = arith.constant 48 : index
        %parallel_loop3A_665 = tpu.vector_load %arg16[%parallel_loop3A_662, %parallel_loop3A_663, %parallel_loop3A_664] {strides = array<i32>} : memref<2x64x128xf32, #tpu.memory_space<vmem>>, vector<16xf32>,
        %parallel_loop3A_666 = vector.broadcast %parallel_loop3A_624 : f32 to vector<16xf32>
        %parallel_loop3A_667 = arith.mulf %parallel_loop3A_665, %parallel_loop3A_666 : vector<16xf32>
        %parallel_loop3A_668 = arith.constant 0 : i32
        %parallel_loop3A_669 = arith.index_cast %parallel_loop3A_668 : i32 to index
        %parallel_loop3A_670 = arith.index_cast %parallel_loop3A_618 : i32 to index
        %parallel_loop3A_671 = arith.constant 48 : index
        %parallel_loop3A_672 = tpu.vector_load %arg16[%parallel_loop3A_669, %parallel_loop3A_670, %parallel_loop3A_671] {strides = array<i32>} : memref<2x64x128xf32, #tpu.memory_space<vmem>>, vector<16xf32>,
        tpu.vector_store %arg16[%parallel_loop3A_669, %parallel_loop3A_670, %parallel_loop3A_671], %parallel_loop3A_667 {strides = array<i32>} : memref<2x64x128xf32, #tpu.memory_space<vmem>>, vector<16xf32>,
        %parallel_loop3A_673 = arith.constant 0 : i32
        %parallel_loop3A_674 = arith.index_cast %parallel_loop3A_673 : i32 to index
        %parallel_loop3A_675 = arith.index_cast %parallel_loop3A_618 : i32 to index
        %parallel_loop3A_676 = arith.constant 64 : index
        %parallel_loop3A_677 = tpu.vector_load %arg16[%parallel_loop3A_674, %parallel_loop3A_675, %parallel_loop3A_676] {strides = array<i32>} : memref<2x64x128xf32, #tpu.memory_space<vmem>>, vector<16xf32>,
        %parallel_loop3A_678 = vector.broadcast %parallel_loop3A_624 : f32 to vector<16xf32>
        %parallel_loop3A_679 = arith.mulf %parallel_loop3A_677, %parallel_loop3A_678 : vector<16xf32>
        %parallel_loop3A_680 = arith.constant 0 : i32
        %parallel_loop3A_681 = arith.index_cast %parallel_loop3A_680 : i32 to index
        %parallel_loop3A_682 = arith.index_cast %parallel_loop3A_618 : i32 to index
        %parallel_loop3A_683 = arith.constant 64 : index
        %parallel_loop3A_684 = tpu.vector_load %arg16[%parallel_loop3A_681, %parallel_loop3A_682, %parallel_loop3A_683] {strides = array<i32>} : memref<2x64x128xf32, #tpu.memory_space<vmem>>, vector<16xf32>,
        tpu.vector_store %arg16[%parallel_loop3A_681, %parallel_loop3A_682, %parallel_loop3A_683], %parallel_loop3A_679 {strides = array<i32>} : memref<2x64x128xf32, #tpu.memory_space<vmem>>, vector<16xf32>,
        %parallel_loop3A_685 = arith.constant 0 : i32
        %parallel_loop3A_686 = arith.index_cast %parallel_loop3A_685 : i32 to index
        %parallel_loop3A_687 = arith.index_cast %parallel_loop3A_618 : i32 to index
        %parallel_loop3A_688 = arith.constant 80 : index
        %parallel_loop3A_689 = tpu.vector_load %arg16[%parallel_loop3A_686, %parallel_loop3A_687, %parallel_loop3A_688] {strides = array<i32>} : memref<2x64x128xf32, #tpu.memory_space<vmem>>, vector<16xf32>,
        %parallel_loop3A_690 = vector.broadcast %parallel_loop3A_624 : f32 to vector<16xf32>
        %parallel_loop3A_691 = arith.mulf %parallel_loop3A_689, %parallel_loop3A_690 : vector<16xf32>
        %parallel_loop3A_692 = arith.constant 0 : i32
        %parallel_loop3A_693 = arith.index_cast %parallel_loop3A_692 : i32 to index
        %parallel_loop3A_694 = arith.index_cast %parallel_loop3A_618 : i32 to index
        %parallel_loop3A_695 = arith.constant 80 : index
        %parallel_loop3A_696 = tpu.vector_load %arg16[%parallel_loop3A_693, %parallel_loop3A_694, %parallel_loop3A_695] {strides = array<i32>} : memref<2x64x128xf32, #tpu.memory_space<vmem>>, vector<16xf32>,
        tpu.vector_store %arg16[%parallel_loop3A_693, %parallel_loop3A_694, %parallel_loop3A_695], %parallel_loop3A_691 {strides = array<i32>} : memref<2x64x128xf32, #tpu.memory_space<vmem>>, vector<16xf32>,
        %parallel_loop3A_697 = arith.constant 0 : i32
        %parallel_loop3A_698 = arith.index_cast %parallel_loop3A_697 : i32 to index
        %parallel_loop3A_699 = arith.index_cast %parallel_loop3A_618 : i32 to index
        %parallel_loop3A_700 = arith.constant 96 : index
        %parallel_loop3A_701 = tpu.vector_load %arg16[%parallel_loop3A_698, %parallel_loop3A_699, %parallel_loop3A_700] {strides = array<i32>} : memref<2x64x128xf32, #tpu.memory_space<vmem>>, vector<16xf32>,
        %parallel_loop3A_702 = vector.broadcast %parallel_loop3A_624 : f32 to vector<16xf32>
        %parallel_loop3A_703 = arith.mulf %parallel_loop3A_701, %parallel_loop3A_702 : vector<16xf32>
        %parallel_loop3A_704 = arith.constant 0 : i32
        %parallel_loop3A_705 = arith.index_cast %parallel_loop3A_704 : i32 to index
        %parallel_loop3A_706 = arith.index_cast %parallel_loop3A_618 : i32 to index
        %parallel_loop3A_707 = arith.constant 96 : index
        %parallel_loop3A_708 = tpu.vector_load %arg16[%parallel_loop3A_705, %parallel_loop3A_706, %parallel_loop3A_707] {strides = array<i32>} : memref<2x64x128xf32, #tpu.memory_space<vmem>>, vector<16xf32>,
        tpu.vector_store %arg16[%parallel_loop3A_705, %parallel_loop3A_706, %parallel_loop3A_707], %parallel_loop3A_703 {strides = array<i32>} : memref<2x64x128xf32, #tpu.memory_space<vmem>>, vector<16xf32>,
        %parallel_loop3A_709 = arith.constant 0 : i32
        %parallel_loop3A_710 = arith.index_cast %parallel_loop3A_709 : i32 to index
        %parallel_loop3A_711 = arith.index_cast %parallel_loop3A_618 : i32 to index
        %parallel_loop3A_712 = arith.constant 112 : index
        %parallel_loop3A_713 = tpu.vector_load %arg16[%parallel_loop3A_710, %parallel_loop3A_711, %parallel_loop3A_712] {strides = array<i32>} : memref<2x64x128xf32, #tpu.memory_space<vmem>>, vector<16xf32>,
        %parallel_loop3A_714 = vector.broadcast %parallel_loop3A_624 : f32 to vector<16xf32>
        %parallel_loop3A_715 = arith.mulf %parallel_loop3A_713, %parallel_loop3A_714 : vector<16xf32>
        %parallel_loop3A_716 = arith.constant 0 : i32
        %parallel_loop3A_717 = arith.index_cast %parallel_loop3A_716 : i32 to index
        %parallel_loop3A_718 = arith.index_cast %parallel_loop3A_618 : i32 to index
        %parallel_loop3A_719 = arith.constant 112 : index
        %parallel_loop3A_720 = tpu.vector_load %arg16[%parallel_loop3A_717, %parallel_loop3A_718, %parallel_loop3A_719] {strides = array<i32>} : memref<2x64x128xf32, #tpu.memory_space<vmem>>, vector<16xf32>,
        tpu.vector_store %arg16[%parallel_loop3A_717, %parallel_loop3A_718, %parallel_loop3A_719], %parallel_loop3A_715 {strides = array<i32>} : memref<2x64x128xf32, #tpu.memory_space<vmem>>, vector<16xf32>,
      } {sc.loop_unroll_factor = 1 : i64, sc.parallel_access}
      %parallel_loop3A_245 = arith.constant 0 : i32
      %parallel_loop3A_246 = arith.constant 4 : i32
      %parallel_loop3A_247 = arith.constant 1 : i32
      scf.for %parallel_loop3A_304 = %parallel_loop3A_245 to %parallel_loop3A_246 step %parallel_loop3A_247  : i32 {
        %parallel_loop3A_305 = arith.constant 16 : i32
        %parallel_loop3A_306 = arith.muli %parallel_loop3A_304, %parallel_loop3A_305 : i32
        %parallel_loop3A_307 = arith.constant 0 : i32
        %parallel_loop3A_308 = arith.index_cast %parallel_loop3A_307 : i32 to index
        %parallel_loop3A_309 = arith.index_cast %parallel_loop3A_306 : i32 to index
        %parallel_loop3A_310 = tpu.vector_load %arg11[%parallel_loop3A_308, %parallel_loop3A_309] {strides = array<i32>} : memref<2x64xi32, #tpu.memory_space<vmem>>, vector<16xi32>,
        %parallel_loop3A_311 = arith.constant 16 : i32
        %parallel_loop3A_312 = arith.muli %parallel_loop3A_304, %parallel_loop3A_311 : i32
        %parallel_loop3A_313 = arith.constant 0 : i32
        %parallel_loop3A_314 = arith.index_cast %parallel_loop3A_313 : i32 to index
        %parallel_loop3A_315 = arith.index_cast %parallel_loop3A_312 : i32 to index
        %parallel_loop3A_316 = tpu.vector_load %arg12[%parallel_loop3A_314, %parallel_loop3A_315] {strides = array<i32>} : memref<2x64xi32, #tpu.memory_space<vmem>>, vector<16xi32>,
        tpu.vector_store %arg12[%parallel_loop3A_314, %parallel_loop3A_315], %parallel_loop3A_310 {strides = array<i32>} : memref<2x64xi32, #tpu.memory_space<vmem>>, vector<16xi32>,
      } {sc.loop_unroll_factor = 1 : i64, sc.parallel_access}
      %dma_start3A_248 = arith.constant 0 : i32
      %dma_start3A_249 = arith.constant 0 : i32
      %dma_start3A_250 = arith.constant 0 : i32
      %dma_start3A_251 = arith.constant 0 : i32
      %dma_start3A_252 = tpu.memref_slice %arg16[%dma_start3A_248, %dma_start3A_250, %dma_start3A_251] : memref<2x64x128xf32, #tpu.memory_space<vmem>> -> memref<1x64x128xf32, #tpu.memory_space<vmem>>
      %dma_start3A_253 = tpu.memref_squeeze %dma_start3A_252 : memref<1x64x128xf32, #tpu.memory_space<vmem>> -> memref<64x128xf32, #tpu.memory_space<vmem>>
      %dma_start3A_254 = arith.constant 0 : i32
      %dma_start3A_255 = tpu.memref_slice %arg12[%dma_start3A_249, %dma_start3A_254] : memref<2x64xi32, #tpu.memory_space<vmem>> -> memref<1x64xi32, #tpu.memory_space<vmem>>
      %dma_start3A_256 = tpu.memref_squeeze %dma_start3A_255 : memref<1x64xi32, #tpu.memory_space<vmem>> -> memref<64xi32, #tpu.memory_space<vmem>>
      %dma_start3A_257 = arith.constant 0 : i32
      %dma_start3A_258 = arith.constant 0 : i32
      %dma_start3A_259 = tpu.memref_slice %arg17[%dma_start3A_257, %dma_start3A_258] : memref<10240x128xf32, #tpu.memory_space<vmem_shared>> -> memref<10240x128xf32, #tpu.memory_space<vmem_shared>>
      tpu.enqueue_indirect_dma source(%dma_start3A_253 : memref<64x128xf32, #tpu.memory_space<vmem>>) target(%dma_start3A_259 : memref<10240x128xf32, #tpu.memory_space<vmem_shared>>) offsets(%dma_start3A_256 : memref<64xi32, #tpu.memory_space<vmem>>) semaphore(%arg22 : memref<!tpu.dma_semaphore, #tpu.memory_space<semaphore_mem>>) {add = true}
      %add3A_260 = arith.constant 2 : i32
      %add3A_261 = arith.addi %mul3A_229, %add3A_260 : i32
      %lt3A_262 = arith.constant 314 : i32
      %lt3A_263 = arith.cmpi slt, %add3A_261, %lt3A_262 : i32
      %convert_element_type3A_264 = arith.extui %lt3A_263 : i1 to i32
      %cond3A_265 = arith.constant 0 : i32
      %cond3A_266 = arith.cmpi ne, %convert_element_type3A_264, %cond3A_265 : i32
      scf.if %cond3A_266 {
        %add3A_304 = arith.constant 2 : i32
        %add3A_305 = arith.addi %mul3A_229, %add3A_304 : i32
        %dma_wait3A_306 = arith.constant 0 : i32
        %dma_wait3A_307 = arith.constant 0 : i32
        %dma_wait3A_308 = tpu.memref_slice %arg10[%dma_wait3A_306, %dma_wait3A_307] : memref<2x64xi32, #tpu.memory_space<vmem>> -> memref<1x64xi32, #tpu.memory_space<vmem>>
        %dma_wait3A_309 = tpu.memref_squeeze %dma_wait3A_308 : memref<1x64xi32, #tpu.memory_space<vmem>> -> memref<64xi32, #tpu.memory_space<vmem>>
        %dma_wait3A_310 = arith.constant 0 : i32
        %dma_wait3A_311 = tpu.memref_slice %arg5[%arg1, %add3A_305, %dma_wait3A_310] : memref<16x314x64xi32, #tpu.memory_space<hbm>> -> memref<1x1x64xi32, #tpu.memory_space<hbm>>
        %dma_wait3A_312 = tpu.memref_squeeze %dma_wait3A_311 : memref<1x1x64xi32, #tpu.memory_space<hbm>> -> memref<64xi32, #tpu.memory_space<hbm>>
        %dma_wait3A_313 = arith.constant 0 : i32
        %dma_wait3A_314 = tpu.memref_slice %arg10[%dma_wait3A_306, %dma_wait3A_313] : memref<2x64xi32, #tpu.memory_space<vmem>> -> memref<1x64xi32, #tpu.memory_space<vmem>>
        %dma_wait3A_315 = tpu.memref_squeeze %dma_wait3A_314 : memref<1x64xi32, #tpu.memory_space<vmem>> -> memref<64xi32, #tpu.memory_space<vmem>>
        %dma_wait3A_316 = arith.constant 0 : i32
        %dma_wait3A_317 = tpu.memref_slice %arg5[%arg1, %add3A_305, %dma_wait3A_316] : memref<16x314x64xi32, #tpu.memory_space<hbm>> -> memref<1x1x64xi32, #tpu.memory_space<hbm>>
        %dma_wait3A_318 = tpu.memref_squeeze %dma_wait3A_317 : memref<1x1x64xi32, #tpu.memory_space<hbm>> -> memref<64xi32, #tpu.memory_space<hbm>>
        tpu.wait_dma2 semaphore(%arg20 : memref<!tpu.dma_semaphore, #tpu.memory_space<semaphore_mem>>) src(%dma_wait3A_318 : memref<64xi32, #tpu.memory_space<hbm>>) dst(%dma_wait3A_315 : memref<64xi32, #tpu.memory_space<vmem>>)
        %parallel_loop3A_319 = arith.constant 0 : i32
        %parallel_loop3A_320 = arith.constant 4 : i32
        %parallel_loop3A_321 = arith.constant 1 : i32
        scf.for %parallel_loop3A_353 = %parallel_loop3A_319 to %parallel_loop3A_320 step %parallel_loop3A_321  : i32 {
          %parallel_loop3A_354 = arith.constant 16 : i32
          %parallel_loop3A_355 = arith.muli %parallel_loop3A_353, %parallel_loop3A_354 : i32
          %parallel_loop3A_356 = arith.constant 0 : i32
          %parallel_loop3A_357 = arith.index_cast %parallel_loop3A_356 : i32 to index
          %parallel_loop3A_358 = arith.index_cast %parallel_loop3A_355 : i32 to index
          %parallel_loop3A_359 = tpu.vector_load %arg10[%parallel_loop3A_357, %parallel_loop3A_358] {strides = array<i32>} : memref<2x64xi32, #tpu.memory_space<vmem>>, vector<16xi32>,
          %parallel_loop3A_360 = arith.constant 14 : i32
          %parallel_loop3A_361 = vector.broadcast %parallel_loop3A_360 : i32 to vector<16xi32>
          %parallel_loop3A_362 = arith.shrui %parallel_loop3A_359, %parallel_loop3A_361 : vector<16xi32>
          %parallel_loop3A_363 = arith.constant 16383 : i32
          %parallel_loop3A_364 = vector.broadcast %parallel_loop3A_363 : i32 to vector<16xi32>
          %parallel_loop3A_365 = arith.andi %parallel_loop3A_362, %parallel_loop3A_364 : vector<16xi32>
          %parallel_loop3A_366 = arith.constant 16383 : i32
          %parallel_loop3A_367 = vector.broadcast %parallel_loop3A_366 : i32 to vector<16xi32>
          %parallel_loop3A_368 = arith.andi %parallel_loop3A_359, %parallel_loop3A_367 : vector<16xi32>
          %parallel_loop3A_369 = arith.constant 16 : i32
          %parallel_loop3A_370 = arith.muli %parallel_loop3A_353, %parallel_loop3A_369 : i32
          %parallel_loop3A_371 = arith.constant 0 : i32
          %parallel_loop3A_372 = arith.index_cast %parallel_loop3A_371 : i32 to index
          %parallel_loop3A_373 = arith.index_cast %parallel_loop3A_370 : i32 to index
          %parallel_loop3A_374 = tpu.vector_load %arg11[%parallel_loop3A_372, %parallel_loop3A_373] {strides = array<i32>} : memref<2x64xi32, #tpu.memory_space<vmem>>, vector<16xi32>,
          tpu.vector_store %arg11[%parallel_loop3A_372, %parallel_loop3A_373], %parallel_loop3A_368 {strides = array<i32>} : memref<2x64xi32, #tpu.memory_space<vmem>>, vector<16xi32>,
          %parallel_loop3A_375 = vector.broadcast %mul3A_76 : i32 to vector<16xi32>
          %parallel_loop3A_376 = arith.addi %parallel_loop3A_365, %parallel_loop3A_375 : vector<16xi32>
          %parallel_loop3A_377 = arith.constant 16 : i32
          %parallel_loop3A_378 = arith.muli %parallel_loop3A_353, %parallel_loop3A_377 : i32
          %parallel_loop3A_379 = arith.constant 0 : i32
          %parallel_loop3A_380 = arith.index_cast %parallel_loop3A_379 : i32 to index
          %parallel_loop3A_381 = arith.index_cast %parallel_loop3A_378 : i32 to index
          %parallel_loop3A_382 = tpu.vector_load %arg13[%parallel_loop3A_380, %parallel_loop3A_381] {strides = array<i32>} : memref<2x64xi32, #tpu.memory_space<vmem>>, vector<16xi32>,
          tpu.vector_store %arg13[%parallel_loop3A_380, %parallel_loop3A_381], %parallel_loop3A_376 {strides = array<i32>} : memref<2x64xi32, #tpu.memory_space<vmem>>, vector<16xi32>,
          %parallel_loop3A_383 = tpu.vector_load_idx %arg8[%parallel_loop3A_365] : memref<10240xf32, #tpu.memory_space<vmem>>[vector<16xi32>], vector<16xf32>,
          %parallel_loop3A_384 = tpu.vector_load_idx %arg9[%parallel_loop3A_368] : memref<10240xf32, #tpu.memory_space<vmem>>[vector<16xi32>], vector<16xf32>,
          %parallel_loop3A_385 = arith.addf %parallel_loop3A_383, %parallel_loop3A_384 : vector<16xf32>
          %parallel_loop3A_386 = arith.constant 2.000000e-01 : f32
          %parallel_loop3A_387 = vector.broadcast %parallel_loop3A_386 : f32 to vector<16xf32>
          %parallel_loop3A_388 = arith.mulf %parallel_loop3A_387, %parallel_loop3A_385 : vector<16xf32>
          %parallel_loop3A_389 = arith.maximumf %parallel_loop3A_385, %parallel_loop3A_388 : vector<16xf32>
          %parallel_loop3A_390 = math.exp %parallel_loop3A_389 : vector<16xf32>
          %parallel_loop3A_391 = arith.constant 16 : i32
          %parallel_loop3A_392 = arith.muli %parallel_loop3A_353, %parallel_loop3A_391 : i32
          %parallel_loop3A_393 = arith.constant 0 : i32
          %parallel_loop3A_394 = arith.index_cast %parallel_loop3A_393 : i32 to index
          %parallel_loop3A_395 = arith.index_cast %parallel_loop3A_392 : i32 to index
          %parallel_loop3A_396 = tpu.vector_load %arg14[%parallel_loop3A_394, %parallel_loop3A_395] {strides = array<i32>} : memref<2x80xf32, #tpu.memory_space<vmem>>, vector<16xf32>,
          tpu.vector_store %arg14[%parallel_loop3A_394, %parallel_loop3A_395], %parallel_loop3A_390 {strides = array<i32>} : memref<2x80xf32, #tpu.memory_space<vmem>>, vector<16xf32>,
          tpu.vector_store_idx %arg15[%parallel_loop3A_368], %parallel_loop3A_390 {add = true} : memref<10240xf32, #tpu.memory_space<vmem>>[vector<16xi32>], vector<16xf32>,
        } {sc.loop_unroll_factor = 1 : i64, sc.parallel_access}
        %add3A_322 = arith.constant 4 : i32
        %add3A_323 = arith.addi %mul3A_229, %add3A_322 : i32
        %lt3A_324 = arith.constant 314 : i32
        %lt3A_325 = arith.cmpi slt, %add3A_323, %lt3A_324 : i32
        %convert_element_type3A_326 = arith.extui %lt3A_325 : i1 to i32
        %cond3A_327 = arith.constant 0 : i32
        %cond3A_328 = arith.cmpi ne, %convert_element_type3A_326, %cond3A_327 : i32
        scf.if %cond3A_328 {
          %add3A_353 = arith.constant 4 : i32
          %add3A_354 = arith.addi %mul3A_229, %add3A_353 : i32
          %dma_start3A_355 = arith.constant 0 : i32
          %dma_start3A_356 = arith.constant 0 : i32
          %dma_start3A_357 = tpu.memref_slice %arg10[%dma_start3A_355, %dma_start3A_356] : memref<2x64xi32, #tpu.memory_space<vmem>> -> memref<1x64xi32, #tpu.memory_space<vmem>>
          %dma_start3A_358 = tpu.memref_squeeze %dma_start3A_357 : memref<1x64xi32, #tpu.memory_space<vmem>> -> memref<64xi32, #tpu.memory_space<vmem>>
          %dma_start3A_359 = arith.constant 0 : i32
          %dma_start3A_360 = tpu.memref_slice %arg5[%arg1, %add3A_354, %dma_start3A_359] : memref<16x314x64xi32, #tpu.memory_space<hbm>> -> memref<1x1x64xi32, #tpu.memory_space<hbm>>
          %dma_start3A_361 = tpu.memref_squeeze %dma_start3A_360 : memref<1x1x64xi32, #tpu.memory_space<hbm>> -> memref<64xi32, #tpu.memory_space<hbm>>
          %dma_start3A_362 = arith.constant 0 : i32
          %dma_start3A_363 = tpu.memref_slice %arg10[%dma_start3A_355, %dma_start3A_362] : memref<2x64xi32, #tpu.memory_space<vmem>> -> memref<1x64xi32, #tpu.memory_space<vmem>>
          %dma_start3A_364 = tpu.memref_squeeze %dma_start3A_363 : memref<1x64xi32, #tpu.memory_space<vmem>> -> memref<64xi32, #tpu.memory_space<vmem>>
          %dma_start3A_365 = arith.constant 0 : i32
          %dma_start3A_366 = tpu.memref_slice %arg5[%arg1, %add3A_354, %dma_start3A_365] : memref<16x314x64xi32, #tpu.memory_space<hbm>> -> memref<1x1x64xi32, #tpu.memory_space<hbm>>
          %dma_start3A_367 = tpu.memref_squeeze %dma_start3A_366 : memref<1x1x64xi32, #tpu.memory_space<hbm>> -> memref<64xi32, #tpu.memory_space<hbm>>
          tpu.enqueue_dma source(%dma_start3A_367 : memref<64xi32, #tpu.memory_space<hbm>>) target(%dma_start3A_364 : memref<64xi32, #tpu.memory_space<vmem>>) target_semaphore(%arg20 : memref<!tpu.dma_semaphore, #tpu.memory_space<semaphore_mem>>)
        } else {
        }
        %dma_wait3A_329 = arith.constant 0 : i32
        %dma_wait3A_330 = arith.constant 0 : i32
        %dma_wait3A_331 = arith.constant 0 : i32
        %dma_wait3A_332 = arith.constant 0 : i32
        %dma_wait3A_333 = tpu.memref_slice %arg16[%dma_wait3A_329, %dma_wait3A_331, %dma_wait3A_332] : memref<2x64x128xf32, #tpu.memory_space<vmem>> -> memref<1x64x128xf32, #tpu.memory_space<vmem>>
        %dma_wait3A_334 = tpu.memref_squeeze %dma_wait3A_333 : memref<1x64x128xf32, #tpu.memory_space<vmem>> -> memref<64x128xf32, #tpu.memory_space<vmem>>
        %dma_wait3A_335 = arith.constant 0 : i32
        %dma_wait3A_336 = tpu.memref_slice %arg12[%dma_wait3A_330, %dma_wait3A_335] : memref<2x64xi32, #tpu.memory_space<vmem>> -> memref<1x64xi32, #tpu.memory_space<vmem>>
        %dma_wait3A_337 = tpu.memref_squeeze %dma_wait3A_336 : memref<1x64xi32, #tpu.memory_space<vmem>> -> memref<64xi32, #tpu.memory_space<vmem>>
        %dma_wait3A_338 = arith.constant 0 : i32
        %dma_wait3A_339 = arith.constant 0 : i32
        %dma_wait3A_340 = tpu.memref_slice %arg17[%dma_wait3A_338, %dma_wait3A_339] : memref<10240x128xf32, #tpu.memory_space<vmem_shared>> -> memref<10240x128xf32, #tpu.memory_space<vmem_shared>>
        tpu.wait_indirect_dma semaphore(%arg22 : memref<!tpu.dma_semaphore, #tpu.memory_space<semaphore_mem>>) src(%dma_wait3A_334 : memref<64x128xf32, #tpu.memory_space<vmem>>) dst(%dma_wait3A_340 : memref<10240x128xf32, #tpu.memory_space<vmem_shared>>)
        %dma_start3A_341 = arith.constant 0 : i32
        %dma_start3A_342 = arith.constant 0 : i32
        %dma_start3A_343 = arith.constant 0 : i32
        %dma_start3A_344 = arith.constant 0 : i32
        %dma_start3A_345 = tpu.memref_slice %arg16[%dma_start3A_342, %dma_start3A_343, %dma_start3A_344] : memref<2x64x128xf32, #tpu.memory_space<vmem>> -> memref<1x64x128xf32, #tpu.memory_space<vmem>>
        %dma_start3A_346 = tpu.memref_squeeze %dma_start3A_345 : memref<1x64x128xf32, #tpu.memory_space<vmem>> -> memref<64x128xf32, #tpu.memory_space<vmem>>
        %dma_start3A_347 = arith.constant 0 : i32
        %dma_start3A_348 = tpu.memref_slice %arg13[%dma_start3A_341, %dma_start3A_347] : memref<2x64xi32, #tpu.memory_space<vmem>> -> memref<1x64xi32, #tpu.memory_space<vmem>>
        %dma_start3A_349 = tpu.memref_squeeze %dma_start3A_348 : memref<1x64xi32, #tpu.memory_space<vmem>> -> memref<64xi32, #tpu.memory_space<vmem>>
        %dma_start3A_350 = arith.constant 0 : i32
        %dma_start3A_351 = arith.constant 0 : i32
        %dma_start3A_352 = tpu.memref_slice %arg2[%dma_start3A_350, %dma_start3A_351] : memref<20480x128xf32, #tpu.memory_space<hbm>> -> memref<20480x128xf32, #tpu.memory_space<hbm>>
        tpu.enqueue_indirect_dma source(%dma_start3A_352 : memref<20480x128xf32, #tpu.memory_space<hbm>>) target(%dma_start3A_346 : memref<64x128xf32, #tpu.memory_space<vmem>>) offsets(%dma_start3A_349 : memref<64xi32, #tpu.memory_space<vmem>>) semaphore(%arg18 : memref<!tpu.dma_semaphore, #tpu.memory_space<semaphore_mem>>)
      } else {
      }
      %dma_wait3A_267 = arith.constant 1 : i32
      %dma_wait3A_268 = arith.constant 1 : i32
      %dma_wait3A_269 = arith.constant 0 : i32
      %dma_wait3A_270 = arith.constant 0 : i32
      %dma_wait3A_271 = tpu.memref_slice %arg16[%dma_wait3A_268, %dma_wait3A_269, %dma_wait3A_270] : memref<2x64x128xf32, #tpu.memory_space<vmem>> -> memref<1x64x128xf32, #tpu.memory_space<vmem>>
      %dma_wait3A_272 = tpu.memref_squeeze %dma_wait3A_271 : memref<1x64x128xf32, #tpu.memory_space<vmem>> -> memref<64x128xf32, #tpu.memory_space<vmem>>
      %dma_wait3A_273 = arith.constant 0 : i32
      %dma_wait3A_274 = tpu.memref_slice %arg13[%dma_wait3A_267, %dma_wait3A_273] : memref<2x64xi32, #tpu.memory_space<vmem>> -> memref<1x64xi32, #tpu.memory_space<vmem>>
      %dma_wait3A_275 = tpu.memref_squeeze %dma_wait3A_274 : memref<1x64xi32, #tpu.memory_space<vmem>> -> memref<64xi32, #tpu.memory_space<vmem>>
      %dma_wait3A_276 = arith.constant 0 : i32
      %dma_wait3A_277 = arith.constant 0 : i32
      %dma_wait3A_278 = tpu.memref_slice %arg2[%dma_wait3A_276, %dma_wait3A_277] : memref<20480x128xf32, #tpu.memory_space<hbm>> -> memref<20480x128xf32, #tpu.memory_space<hbm>>
      tpu.wait_indirect_dma semaphore(%arg19 : memref<!tpu.dma_semaphore, #tpu.memory_space<semaphore_mem>>) src(%dma_wait3A_278 : memref<20480x128xf32, #tpu.memory_space<hbm>>) dst(%dma_wait3A_272 : memref<64x128xf32, #tpu.memory_space<vmem>>)
      %parallel_loop3A_279 = arith.constant 0 : i32
      %parallel_loop3A_280 = arith.constant 64 : i32
      %parallel_loop3A_281 = arith.constant 4 : i32
      scf.for %parallel_loop3A_304 = %parallel_loop3A_279 to %parallel_loop3A_280 step %parallel_loop3A_281  : i32 {
        %parallel_loop3A_305 = arith.constant 0 : i32
        %parallel_loop3A_306 = arith.addi %parallel_loop3A_304, %parallel_loop3A_305 : i32
        %parallel_loop3A_307 = arith.constant 1 : i32
        %parallel_loop3A_308 = arith.index_cast %parallel_loop3A_307 : i32 to index
        %parallel_loop3A_309 = arith.index_cast %parallel_loop3A_306 : i32 to index
        %parallel_loop3A_310 = tpu.vector_load %arg14[%parallel_loop3A_308, %parallel_loop3A_309] {strides = array<i32>} : memref<2x80xf32, #tpu.memory_space<vmem>>, vector<16xf32>,
        %parallel_loop3A_311 = vector.extract_strided_slice %parallel_loop3A_310 {offsets = [0], sizes = [1], strides = [1]} : vector<16xf32> to vector<1xf32>
        %parallel_loop3A_312 = vector.extract %parallel_loop3A_311[0] : f32 from vector<1xf32>
        %parallel_loop3A_313 = arith.constant 1 : i32
        %parallel_loop3A_314 = arith.index_cast %parallel_loop3A_313 : i32 to index
        %parallel_loop3A_315 = arith.index_cast %parallel_loop3A_306 : i32 to index
        %parallel_loop3A_316 = arith.constant 0 : index
        %parallel_loop3A_317 = tpu.vector_load %arg16[%parallel_loop3A_314, %parallel_loop3A_315, %parallel_loop3A_316] {strides = array<i32>} : memref<2x64x128xf32, #tpu.memory_space<vmem>>, vector<16xf32>,
        %parallel_loop3A_318 = vector.broadcast %parallel_loop3A_312 : f32 to vector<16xf32>
        %parallel_loop3A_319 = arith.mulf %parallel_loop3A_317, %parallel_loop3A_318 : vector<16xf32>
        %parallel_loop3A_320 = arith.constant 1 : i32
        %parallel_loop3A_321 = arith.index_cast %parallel_loop3A_320 : i32 to index
        %parallel_loop3A_322 = arith.index_cast %parallel_loop3A_306 : i32 to index
        %parallel_loop3A_323 = arith.constant 0 : index
        %parallel_loop3A_324 = tpu.vector_load %arg16[%parallel_loop3A_321, %parallel_loop3A_322, %parallel_loop3A_323] {strides = array<i32>} : memref<2x64x128xf32, #tpu.memory_space<vmem>>, vector<16xf32>,
        tpu.vector_store %arg16[%parallel_loop3A_321, %parallel_loop3A_322, %parallel_loop3A_323], %parallel_loop3A_319 {strides = array<i32>} : memref<2x64x128xf32, #tpu.memory_space<vmem>>, vector<16xf32>,
        %parallel_loop3A_325 = arith.constant 1 : i32
        %parallel_loop3A_326 = arith.index_cast %parallel_loop3A_325 : i32 to index
        %parallel_loop3A_327 = arith.index_cast %parallel_loop3A_306 : i32 to index
        %parallel_loop3A_328 = arith.constant 16 : index
        %parallel_loop3A_329 = tpu.vector_load %arg16[%parallel_loop3A_326, %parallel_loop3A_327, %parallel_loop3A_328] {strides = array<i32>} : memref<2x64x128xf32, #tpu.memory_space<vmem>>, vector<16xf32>,
        %parallel_loop3A_330 = vector.broadcast %parallel_loop3A_312 : f32 to vector<16xf32>
        %parallel_loop3A_331 = arith.mulf %parallel_loop3A_329, %parallel_loop3A_330 : vector<16xf32>
        %parallel_loop3A_332 = arith.constant 1 : i32
        %parallel_loop3A_333 = arith.index_cast %parallel_loop3A_332 : i32 to index
        %parallel_loop3A_334 = arith.index_cast %parallel_loop3A_306 : i32 to index
        %parallel_loop3A_335 = arith.constant 16 : index
        %parallel_loop3A_336 = tpu.vector_load %arg16[%parallel_loop3A_333, %parallel_loop3A_334, %parallel_loop3A_335] {strides = array<i32>} : memref<2x64x128xf32, #tpu.memory_space<vmem>>, vector<16xf32>,
        tpu.vector_store %arg16[%parallel_loop3A_333, %parallel_loop3A_334, %parallel_loop3A_335], %parallel_loop3A_331 {strides = array<i32>} : memref<2x64x128xf32, #tpu.memory_space<vmem>>, vector<16xf32>,
        %parallel_loop3A_337 = arith.constant 1 : i32
        %parallel_loop3A_338 = arith.index_cast %parallel_loop3A_337 : i32 to index
        %parallel_loop3A_339 = arith.index_cast %parallel_loop3A_306 : i32 to index
        %parallel_loop3A_340 = arith.constant 32 : index
        %parallel_loop3A_341 = tpu.vector_load %arg16[%parallel_loop3A_338, %parallel_loop3A_339, %parallel_loop3A_340] {strides = array<i32>} : memref<2x64x128xf32, #tpu.memory_space<vmem>>, vector<16xf32>,
        %parallel_loop3A_342 = vector.broadcast %parallel_loop3A_312 : f32 to vector<16xf32>
        %parallel_loop3A_343 = arith.mulf %parallel_loop3A_341, %parallel_loop3A_342 : vector<16xf32>
        %parallel_loop3A_344 = arith.constant 1 : i32
        %parallel_loop3A_345 = arith.index_cast %parallel_loop3A_344 : i32 to index
        %parallel_loop3A_346 = arith.index_cast %parallel_loop3A_306 : i32 to index
        %parallel_loop3A_347 = arith.constant 32 : index
        %parallel_loop3A_348 = tpu.vector_load %arg16[%parallel_loop3A_345, %parallel_loop3A_346, %parallel_loop3A_347] {strides = array<i32>} : memref<2x64x128xf32, #tpu.memory_space<vmem>>, vector<16xf32>,
        tpu.vector_store %arg16[%parallel_loop3A_345, %parallel_loop3A_346, %parallel_loop3A_347], %parallel_loop3A_343 {strides = array<i32>} : memref<2x64x128xf32, #tpu.memory_space<vmem>>, vector<16xf32>,
        %parallel_loop3A_349 = arith.constant 1 : i32
        %parallel_loop3A_350 = arith.index_cast %parallel_loop3A_349 : i32 to index
        %parallel_loop3A_351 = arith.index_cast %parallel_loop3A_306 : i32 to index
        %parallel_loop3A_352 = arith.constant 48 : index
        %parallel_loop3A_353 = tpu.vector_load %arg16[%parallel_loop3A_350, %parallel_loop3A_351, %parallel_loop3A_352] {strides = array<i32>} : memref<2x64x128xf32, #tpu.memory_space<vmem>>, vector<16xf32>,
        %parallel_loop3A_354 = vector.broadcast %parallel_loop3A_312 : f32 to vector<16xf32>
        %parallel_loop3A_355 = arith.mulf %parallel_loop3A_353, %parallel_loop3A_354 : vector<16xf32>
        %parallel_loop3A_356 = arith.constant 1 : i32
        %parallel_loop3A_357 = arith.index_cast %parallel_loop3A_356 : i32 to index
        %parallel_loop3A_358 = arith.index_cast %parallel_loop3A_306 : i32 to index
        %parallel_loop3A_359 = arith.constant 48 : index
        %parallel_loop3A_360 = tpu.vector_load %arg16[%parallel_loop3A_357, %parallel_loop3A_358, %parallel_loop3A_359] {strides = array<i32>} : memref<2x64x128xf32, #tpu.memory_space<vmem>>, vector<16xf32>,
        tpu.vector_store %arg16[%parallel_loop3A_357, %parallel_loop3A_358, %parallel_loop3A_359], %parallel_loop3A_355 {strides = array<i32>} : memref<2x64x128xf32, #tpu.memory_space<vmem>>, vector<16xf32>,
        %parallel_loop3A_361 = arith.constant 1 : i32
        %parallel_loop3A_362 = arith.index_cast %parallel_loop3A_361 : i32 to index
        %parallel_loop3A_363 = arith.index_cast %parallel_loop3A_306 : i32 to index
        %parallel_loop3A_364 = arith.constant 64 : index
        %parallel_loop3A_365 = tpu.vector_load %arg16[%parallel_loop3A_362, %parallel_loop3A_363, %parallel_loop3A_364] {strides = array<i32>} : memref<2x64x128xf32, #tpu.memory_space<vmem>>, vector<16xf32>,
        %parallel_loop3A_366 = vector.broadcast %parallel_loop3A_312 : f32 to vector<16xf32>
        %parallel_loop3A_367 = arith.mulf %parallel_loop3A_365, %parallel_loop3A_366 : vector<16xf32>
        %parallel_loop3A_368 = arith.constant 1 : i32
        %parallel_loop3A_369 = arith.index_cast %parallel_loop3A_368 : i32 to index
        %parallel_loop3A_370 = arith.index_cast %parallel_loop3A_306 : i32 to index
        %parallel_loop3A_371 = arith.constant 64 : index
        %parallel_loop3A_372 = tpu.vector_load %arg16[%parallel_loop3A_369, %parallel_loop3A_370, %parallel_loop3A_371] {strides = array<i32>} : memref<2x64x128xf32, #tpu.memory_space<vmem>>, vector<16xf32>,
        tpu.vector_store %arg16[%parallel_loop3A_369, %parallel_loop3A_370, %parallel_loop3A_371], %parallel_loop3A_367 {strides = array<i32>} : memref<2x64x128xf32, #tpu.memory_space<vmem>>, vector<16xf32>,
        %parallel_loop3A_373 = arith.constant 1 : i32
        %parallel_loop3A_374 = arith.index_cast %parallel_loop3A_373 : i32 to index
        %parallel_loop3A_375 = arith.index_cast %parallel_loop3A_306 : i32 to index
        %parallel_loop3A_376 = arith.constant 80 : index
        %parallel_loop3A_377 = tpu.vector_load %arg16[%parallel_loop3A_374, %parallel_loop3A_375, %parallel_loop3A_376] {strides = array<i32>} : memref<2x64x128xf32, #tpu.memory_space<vmem>>, vector<16xf32>,
        %parallel_loop3A_378 = vector.broadcast %parallel_loop3A_312 : f32 to vector<16xf32>
        %parallel_loop3A_379 = arith.mulf %parallel_loop3A_377, %parallel_loop3A_378 : vector<16xf32>
        %parallel_loop3A_380 = arith.constant 1 : i32
        %parallel_loop3A_381 = arith.index_cast %parallel_loop3A_380 : i32 to index
        %parallel_loop3A_382 = arith.index_cast %parallel_loop3A_306 : i32 to index
        %parallel_loop3A_383 = arith.constant 80 : index
        %parallel_loop3A_384 = tpu.vector_load %arg16[%parallel_loop3A_381, %parallel_loop3A_382, %parallel_loop3A_383] {strides = array<i32>} : memref<2x64x128xf32, #tpu.memory_space<vmem>>, vector<16xf32>,
        tpu.vector_store %arg16[%parallel_loop3A_381, %parallel_loop3A_382, %parallel_loop3A_383], %parallel_loop3A_379 {strides = array<i32>} : memref<2x64x128xf32, #tpu.memory_space<vmem>>, vector<16xf32>,
        %parallel_loop3A_385 = arith.constant 1 : i32
        %parallel_loop3A_386 = arith.index_cast %parallel_loop3A_385 : i32 to index
        %parallel_loop3A_387 = arith.index_cast %parallel_loop3A_306 : i32 to index
        %parallel_loop3A_388 = arith.constant 96 : index
        %parallel_loop3A_389 = tpu.vector_load %arg16[%parallel_loop3A_386, %parallel_loop3A_387, %parallel_loop3A_388] {strides = array<i32>} : memref<2x64x128xf32, #tpu.memory_space<vmem>>, vector<16xf32>,
        %parallel_loop3A_390 = vector.broadcast %parallel_loop3A_312 : f32 to vector<16xf32>
        %parallel_loop3A_391 = arith.mulf %parallel_loop3A_389, %parallel_loop3A_390 : vector<16xf32>
        %parallel_loop3A_392 = arith.constant 1 : i32
        %parallel_loop3A_393 = arith.index_cast %parallel_loop3A_392 : i32 to index
        %parallel_loop3A_394 = arith.index_cast %parallel_loop3A_306 : i32 to index
        %parallel_loop3A_395 = arith.constant 96 : index
        %parallel_loop3A_396 = tpu.vector_load %arg16[%parallel_loop3A_393, %parallel_loop3A_394, %parallel_loop3A_395] {strides = array<i32>} : memref<2x64x128xf32, #tpu.memory_space<vmem>>, vector<16xf32>,
        tpu.vector_store %arg16[%parallel_loop3A_393, %parallel_loop3A_394, %parallel_loop3A_395], %parallel_loop3A_391 {strides = array<i32>} : memref<2x64x128xf32, #tpu.memory_space<vmem>>, vector<16xf32>,
        %parallel_loop3A_397 = arith.constant 1 : i32
        %parallel_loop3A_398 = arith.index_cast %parallel_loop3A_397 : i32 to index
        %parallel_loop3A_399 = arith.index_cast %parallel_loop3A_306 : i32 to index
        %parallel_loop3A_400 = arith.constant 112 : index
        %parallel_loop3A_401 = tpu.vector_load %arg16[%parallel_loop3A_398, %parallel_loop3A_399, %parallel_loop3A_400] {strides = array<i32>} : memref<2x64x128xf32, #tpu.memory_space<vmem>>, vector<16xf32>,
        %parallel_loop3A_402 = vector.broadcast %parallel_loop3A_312 : f32 to vector<16xf32>
        %parallel_loop3A_403 = arith.mulf %parallel_loop3A_401, %parallel_loop3A_402 : vector<16xf32>
        %parallel_loop3A_404 = arith.constant 1 : i32
        %parallel_loop3A_405 = arith.index_cast %parallel_loop3A_404 : i32 to index
        %parallel_loop3A_406 = arith.index_cast %parallel_loop3A_306 : i32 to index
        %parallel_loop3A_407 = arith.constant 112 : index
        %parallel_loop3A_408 = tpu.vector_load %arg16[%parallel_loop3A_405, %parallel_loop3A_406, %parallel_loop3A_407] {strides = array<i32>} : memref<2x64x128xf32, #tpu.memory_space<vmem>>, vector<16xf32>,
        tpu.vector_store %arg16[%parallel_loop3A_405, %parallel_loop3A_406, %parallel_loop3A_407], %parallel_loop3A_403 {strides = array<i32>} : memref<2x64x128xf32, #tpu.memory_space<vmem>>, vector<16xf32>,
        %parallel_loop3A_409 = arith.constant 1 : i32
        %parallel_loop3A_410 = arith.addi %parallel_loop3A_304, %parallel_loop3A_409 : i32
        %parallel_loop3A_411 = arith.constant 1 : i32
        %parallel_loop3A_412 = arith.index_cast %parallel_loop3A_411 : i32 to index
        %parallel_loop3A_413 = arith.index_cast %parallel_loop3A_410 : i32 to index
        %parallel_loop3A_414 = tpu.vector_load %arg14[%parallel_loop3A_412, %parallel_loop3A_413] {strides = array<i32>} : memref<2x80xf32, #tpu.memory_space<vmem>>, vector<16xf32>,
        %parallel_loop3A_415 = vector.extract_strided_slice %parallel_loop3A_414 {offsets = [0], sizes = [1], strides = [1]} : vector<16xf32> to vector<1xf32>
        %parallel_loop3A_416 = vector.extract %parallel_loop3A_415[0] : f32 from vector<1xf32>
        %parallel_loop3A_417 = arith.constant 1 : i32
        %parallel_loop3A_418 = arith.index_cast %parallel_loop3A_417 : i32 to index
        %parallel_loop3A_419 = arith.index_cast %parallel_loop3A_410 : i32 to index
        %parallel_loop3A_420 = arith.constant 0 : index
        %parallel_loop3A_421 = tpu.vector_load %arg16[%parallel_loop3A_418, %parallel_loop3A_419, %parallel_loop3A_420] {strides = array<i32>} : memref<2x64x128xf32, #tpu.memory_space<vmem>>, vector<16xf32>,
        %parallel_loop3A_422 = vector.broadcast %parallel_loop3A_416 : f32 to vector<16xf32>
        %parallel_loop3A_423 = arith.mulf %parallel_loop3A_421, %parallel_loop3A_422 : vector<16xf32>
        %parallel_loop3A_424 = arith.constant 1 : i32
        %parallel_loop3A_425 = arith.index_cast %parallel_loop3A_424 : i32 to index
        %parallel_loop3A_426 = arith.index_cast %parallel_loop3A_410 : i32 to index
        %parallel_loop3A_427 = arith.constant 0 : index
        %parallel_loop3A_428 = tpu.vector_load %arg16[%parallel_loop3A_425, %parallel_loop3A_426, %parallel_loop3A_427] {strides = array<i32>} : memref<2x64x128xf32, #tpu.memory_space<vmem>>, vector<16xf32>,
        tpu.vector_store %arg16[%parallel_loop3A_425, %parallel_loop3A_426, %parallel_loop3A_427], %parallel_loop3A_423 {strides = array<i32>} : memref<2x64x128xf32, #tpu.memory_space<vmem>>, vector<16xf32>,
        %parallel_loop3A_429 = arith.constant 1 : i32
        %parallel_loop3A_430 = arith.index_cast %parallel_loop3A_429 : i32 to index
        %parallel_loop3A_431 = arith.index_cast %parallel_loop3A_410 : i32 to index
        %parallel_loop3A_432 = arith.constant 16 : index
        %parallel_loop3A_433 = tpu.vector_load %arg16[%parallel_loop3A_430, %parallel_loop3A_431, %parallel_loop3A_432] {strides = array<i32>} : memref<2x64x128xf32, #tpu.memory_space<vmem>>, vector<16xf32>,
        %parallel_loop3A_434 = vector.broadcast %parallel_loop3A_416 : f32 to vector<16xf32>
        %parallel_loop3A_435 = arith.mulf %parallel_loop3A_433, %parallel_loop3A_434 : vector<16xf32>
        %parallel_loop3A_436 = arith.constant 1 : i32
        %parallel_loop3A_437 = arith.index_cast %parallel_loop3A_436 : i32 to index
        %parallel_loop3A_438 = arith.index_cast %parallel_loop3A_410 : i32 to index
        %parallel_loop3A_439 = arith.constant 16 : index
        %parallel_loop3A_440 = tpu.vector_load %arg16[%parallel_loop3A_437, %parallel_loop3A_438, %parallel_loop3A_439] {strides = array<i32>} : memref<2x64x128xf32, #tpu.memory_space<vmem>>, vector<16xf32>,
        tpu.vector_store %arg16[%parallel_loop3A_437, %parallel_loop3A_438, %parallel_loop3A_439], %parallel_loop3A_435 {strides = array<i32>} : memref<2x64x128xf32, #tpu.memory_space<vmem>>, vector<16xf32>,
        %parallel_loop3A_441 = arith.constant 1 : i32
        %parallel_loop3A_442 = arith.index_cast %parallel_loop3A_441 : i32 to index
        %parallel_loop3A_443 = arith.index_cast %parallel_loop3A_410 : i32 to index
        %parallel_loop3A_444 = arith.constant 32 : index
        %parallel_loop3A_445 = tpu.vector_load %arg16[%parallel_loop3A_442, %parallel_loop3A_443, %parallel_loop3A_444] {strides = array<i32>} : memref<2x64x128xf32, #tpu.memory_space<vmem>>, vector<16xf32>,
        %parallel_loop3A_446 = vector.broadcast %parallel_loop3A_416 : f32 to vector<16xf32>
        %parallel_loop3A_447 = arith.mulf %parallel_loop3A_445, %parallel_loop3A_446 : vector<16xf32>
        %parallel_loop3A_448 = arith.constant 1 : i32
        %parallel_loop3A_449 = arith.index_cast %parallel_loop3A_448 : i32 to index
        %parallel_loop3A_450 = arith.index_cast %parallel_loop3A_410 : i32 to index
        %parallel_loop3A_451 = arith.constant 32 : index
        %parallel_loop3A_452 = tpu.vector_load %arg16[%parallel_loop3A_449, %parallel_loop3A_450, %parallel_loop3A_451] {strides = array<i32>} : memref<2x64x128xf32, #tpu.memory_space<vmem>>, vector<16xf32>,
        tpu.vector_store %arg16[%parallel_loop3A_449, %parallel_loop3A_450, %parallel_loop3A_451], %parallel_loop3A_447 {strides = array<i32>} : memref<2x64x128xf32, #tpu.memory_space<vmem>>, vector<16xf32>,
        %parallel_loop3A_453 = arith.constant 1 : i32
        %parallel_loop3A_454 = arith.index_cast %parallel_loop3A_453 : i32 to index
        %parallel_loop3A_455 = arith.index_cast %parallel_loop3A_410 : i32 to index
        %parallel_loop3A_456 = arith.constant 48 : index
        %parallel_loop3A_457 = tpu.vector_load %arg16[%parallel_loop3A_454, %parallel_loop3A_455, %parallel_loop3A_456] {strides = array<i32>} : memref<2x64x128xf32, #tpu.memory_space<vmem>>, vector<16xf32>,
        %parallel_loop3A_458 = vector.broadcast %parallel_loop3A_416 : f32 to vector<16xf32>
        %parallel_loop3A_459 = arith.mulf %parallel_loop3A_457, %parallel_loop3A_458 : vector<16xf32>
        %parallel_loop3A_460 = arith.constant 1 : i32
        %parallel_loop3A_461 = arith.index_cast %parallel_loop3A_460 : i32 to index
        %parallel_loop3A_462 = arith.index_cast %parallel_loop3A_410 : i32 to index
        %parallel_loop3A_463 = arith.constant 48 : index
        %parallel_loop3A_464 = tpu.vector_load %arg16[%parallel_loop3A_461, %parallel_loop3A_462, %parallel_loop3A_463] {strides = array<i32>} : memref<2x64x128xf32, #tpu.memory_space<vmem>>, vector<16xf32>,
        tpu.vector_store %arg16[%parallel_loop3A_461, %parallel_loop3A_462, %parallel_loop3A_463], %parallel_loop3A_459 {strides = array<i32>} : memref<2x64x128xf32, #tpu.memory_space<vmem>>, vector<16xf32>,
        %parallel_loop3A_465 = arith.constant 1 : i32
        %parallel_loop3A_466 = arith.index_cast %parallel_loop3A_465 : i32 to index
        %parallel_loop3A_467 = arith.index_cast %parallel_loop3A_410 : i32 to index
        %parallel_loop3A_468 = arith.constant 64 : index
        %parallel_loop3A_469 = tpu.vector_load %arg16[%parallel_loop3A_466, %parallel_loop3A_467, %parallel_loop3A_468] {strides = array<i32>} : memref<2x64x128xf32, #tpu.memory_space<vmem>>, vector<16xf32>,
        %parallel_loop3A_470 = vector.broadcast %parallel_loop3A_416 : f32 to vector<16xf32>
        %parallel_loop3A_471 = arith.mulf %parallel_loop3A_469, %parallel_loop3A_470 : vector<16xf32>
        %parallel_loop3A_472 = arith.constant 1 : i32
        %parallel_loop3A_473 = arith.index_cast %parallel_loop3A_472 : i32 to index
        %parallel_loop3A_474 = arith.index_cast %parallel_loop3A_410 : i32 to index
        %parallel_loop3A_475 = arith.constant 64 : index
        %parallel_loop3A_476 = tpu.vector_load %arg16[%parallel_loop3A_473, %parallel_loop3A_474, %parallel_loop3A_475] {strides = array<i32>} : memref<2x64x128xf32, #tpu.memory_space<vmem>>, vector<16xf32>,
        tpu.vector_store %arg16[%parallel_loop3A_473, %parallel_loop3A_474, %parallel_loop3A_475], %parallel_loop3A_471 {strides = array<i32>} : memref<2x64x128xf32, #tpu.memory_space<vmem>>, vector<16xf32>,
        %parallel_loop3A_477 = arith.constant 1 : i32
        %parallel_loop3A_478 = arith.index_cast %parallel_loop3A_477 : i32 to index
        %parallel_loop3A_479 = arith.index_cast %parallel_loop3A_410 : i32 to index
        %parallel_loop3A_480 = arith.constant 80 : index
        %parallel_loop3A_481 = tpu.vector_load %arg16[%parallel_loop3A_478, %parallel_loop3A_479, %parallel_loop3A_480] {strides = array<i32>} : memref<2x64x128xf32, #tpu.memory_space<vmem>>, vector<16xf32>,
        %parallel_loop3A_482 = vector.broadcast %parallel_loop3A_416 : f32 to vector<16xf32>
        %parallel_loop3A_483 = arith.mulf %parallel_loop3A_481, %parallel_loop3A_482 : vector<16xf32>
        %parallel_loop3A_484 = arith.constant 1 : i32
        %parallel_loop3A_485 = arith.index_cast %parallel_loop3A_484 : i32 to index
        %parallel_loop3A_486 = arith.index_cast %parallel_loop3A_410 : i32 to index
        %parallel_loop3A_487 = arith.constant 80 : index
        %parallel_loop3A_488 = tpu.vector_load %arg16[%parallel_loop3A_485, %parallel_loop3A_486, %parallel_loop3A_487] {strides = array<i32>} : memref<2x64x128xf32, #tpu.memory_space<vmem>>, vector<16xf32>,
        tpu.vector_store %arg16[%parallel_loop3A_485, %parallel_loop3A_486, %parallel_loop3A_487], %parallel_loop3A_483 {strides = array<i32>} : memref<2x64x128xf32, #tpu.memory_space<vmem>>, vector<16xf32>,
        %parallel_loop3A_489 = arith.constant 1 : i32
        %parallel_loop3A_490 = arith.index_cast %parallel_loop3A_489 : i32 to index
        %parallel_loop3A_491 = arith.index_cast %parallel_loop3A_410 : i32 to index
        %parallel_loop3A_492 = arith.constant 96 : index
        %parallel_loop3A_493 = tpu.vector_load %arg16[%parallel_loop3A_490, %parallel_loop3A_491, %parallel_loop3A_492] {strides = array<i32>} : memref<2x64x128xf32, #tpu.memory_space<vmem>>, vector<16xf32>,
        %parallel_loop3A_494 = vector.broadcast %parallel_loop3A_416 : f32 to vector<16xf32>
        %parallel_loop3A_495 = arith.mulf %parallel_loop3A_493, %parallel_loop3A_494 : vector<16xf32>
        %parallel_loop3A_496 = arith.constant 1 : i32
        %parallel_loop3A_497 = arith.index_cast %parallel_loop3A_496 : i32 to index
        %parallel_loop3A_498 = arith.index_cast %parallel_loop3A_410 : i32 to index
        %parallel_loop3A_499 = arith.constant 96 : index
        %parallel_loop3A_500 = tpu.vector_load %arg16[%parallel_loop3A_497, %parallel_loop3A_498, %parallel_loop3A_499] {strides = array<i32>} : memref<2x64x128xf32, #tpu.memory_space<vmem>>, vector<16xf32>,
        tpu.vector_store %arg16[%parallel_loop3A_497, %parallel_loop3A_498, %parallel_loop3A_499], %parallel_loop3A_495 {strides = array<i32>} : memref<2x64x128xf32, #tpu.memory_space<vmem>>, vector<16xf32>,
        %parallel_loop3A_501 = arith.constant 1 : i32
        %parallel_loop3A_502 = arith.index_cast %parallel_loop3A_501 : i32 to index
        %parallel_loop3A_503 = arith.index_cast %parallel_loop3A_410 : i32 to index
        %parallel_loop3A_504 = arith.constant 112 : index
        %parallel_loop3A_505 = tpu.vector_load %arg16[%parallel_loop3A_502, %parallel_loop3A_503, %parallel_loop3A_504] {strides = array<i32>} : memref<2x64x128xf32, #tpu.memory_space<vmem>>, vector<16xf32>,
        %parallel_loop3A_506 = vector.broadcast %parallel_loop3A_416 : f32 to vector<16xf32>
        %parallel_loop3A_507 = arith.mulf %parallel_loop3A_505, %parallel_loop3A_506 : vector<16xf32>
        %parallel_loop3A_508 = arith.constant 1 : i32
        %parallel_loop3A_509 = arith.index_cast %parallel_loop3A_508 : i32 to index
        %parallel_loop3A_510 = arith.index_cast %parallel_loop3A_410 : i32 to index
        %parallel_loop3A_511 = arith.constant 112 : index
        %parallel_loop3A_512 = tpu.vector_load %arg16[%parallel_loop3A_509, %parallel_loop3A_510, %parallel_loop3A_511] {strides = array<i32>} : memref<2x64x128xf32, #tpu.memory_space<vmem>>, vector<16xf32>,
        tpu.vector_store %arg16[%parallel_loop3A_509, %parallel_loop3A_510, %parallel_loop3A_511], %parallel_loop3A_507 {strides = array<i32>} : memref<2x64x128xf32, #tpu.memory_space<vmem>>, vector<16xf32>,
        %parallel_loop3A_513 = arith.constant 2 : i32
        %parallel_loop3A_514 = arith.addi %parallel_loop3A_304, %parallel_loop3A_513 : i32
        %parallel_loop3A_515 = arith.constant 1 : i32
        %parallel_loop3A_516 = arith.index_cast %parallel_loop3A_515 : i32 to index
        %parallel_loop3A_517 = arith.index_cast %parallel_loop3A_514 : i32 to index
        %parallel_loop3A_518 = tpu.vector_load %arg14[%parallel_loop3A_516, %parallel_loop3A_517] {strides = array<i32>} : memref<2x80xf32, #tpu.memory_space<vmem>>, vector<16xf32>,
        %parallel_loop3A_519 = vector.extract_strided_slice %parallel_loop3A_518 {offsets = [0], sizes = [1], strides = [1]} : vector<16xf32> to vector<1xf32>
        %parallel_loop3A_520 = vector.extract %parallel_loop3A_519[0] : f32 from vector<1xf32>
        %parallel_loop3A_521 = arith.constant 1 : i32
        %parallel_loop3A_522 = arith.index_cast %parallel_loop3A_521 : i32 to index
        %parallel_loop3A_523 = arith.index_cast %parallel_loop3A_514 : i32 to index
        %parallel_loop3A_524 = arith.constant 0 : index
        %parallel_loop3A_525 = tpu.vector_load %arg16[%parallel_loop3A_522, %parallel_loop3A_523, %parallel_loop3A_524] {strides = array<i32>} : memref<2x64x128xf32, #tpu.memory_space<vmem>>, vector<16xf32>,
        %parallel_loop3A_526 = vector.broadcast %parallel_loop3A_520 : f32 to vector<16xf32>
        %parallel_loop3A_527 = arith.mulf %parallel_loop3A_525, %parallel_loop3A_526 : vector<16xf32>
        %parallel_loop3A_528 = arith.constant 1 : i32
        %parallel_loop3A_529 = arith.index_cast %parallel_loop3A_528 : i32 to index
        %parallel_loop3A_530 = arith.index_cast %parallel_loop3A_514 : i32 to index
        %parallel_loop3A_531 = arith.constant 0 : index
        %parallel_loop3A_532 = tpu.vector_load %arg16[%parallel_loop3A_529, %parallel_loop3A_530, %parallel_loop3A_531] {strides = array<i32>} : memref<2x64x128xf32, #tpu.memory_space<vmem>>, vector<16xf32>,
        tpu.vector_store %arg16[%parallel_loop3A_529, %parallel_loop3A_530, %parallel_loop3A_531], %parallel_loop3A_527 {strides = array<i32>} : memref<2x64x128xf32, #tpu.memory_space<vmem>>, vector<16xf32>,
        %parallel_loop3A_533 = arith.constant 1 : i32
        %parallel_loop3A_534 = arith.index_cast %parallel_loop3A_533 : i32 to index
        %parallel_loop3A_535 = arith.index_cast %parallel_loop3A_514 : i32 to index
        %parallel_loop3A_536 = arith.constant 16 : index
        %parallel_loop3A_537 = tpu.vector_load %arg16[%parallel_loop3A_534, %parallel_loop3A_535, %parallel_loop3A_536] {strides = array<i32>} : memref<2x64x128xf32, #tpu.memory_space<vmem>>, vector<16xf32>,
        %parallel_loop3A_538 = vector.broadcast %parallel_loop3A_520 : f32 to vector<16xf32>
        %parallel_loop3A_539 = arith.mulf %parallel_loop3A_537, %parallel_loop3A_538 : vector<16xf32>
        %parallel_loop3A_540 = arith.constant 1 : i32
        %parallel_loop3A_541 = arith.index_cast %parallel_loop3A_540 : i32 to index
        %parallel_loop3A_542 = arith.index_cast %parallel_loop3A_514 : i32 to index
        %parallel_loop3A_543 = arith.constant 16 : index
        %parallel_loop3A_544 = tpu.vector_load %arg16[%parallel_loop3A_541, %parallel_loop3A_542, %parallel_loop3A_543] {strides = array<i32>} : memref<2x64x128xf32, #tpu.memory_space<vmem>>, vector<16xf32>,
        tpu.vector_store %arg16[%parallel_loop3A_541, %parallel_loop3A_542, %parallel_loop3A_543], %parallel_loop3A_539 {strides = array<i32>} : memref<2x64x128xf32, #tpu.memory_space<vmem>>, vector<16xf32>,
        %parallel_loop3A_545 = arith.constant 1 : i32
        %parallel_loop3A_546 = arith.index_cast %parallel_loop3A_545 : i32 to index
        %parallel_loop3A_547 = arith.index_cast %parallel_loop3A_514 : i32 to index
        %parallel_loop3A_548 = arith.constant 32 : index
        %parallel_loop3A_549 = tpu.vector_load %arg16[%parallel_loop3A_546, %parallel_loop3A_547, %parallel_loop3A_548] {strides = array<i32>} : memref<2x64x128xf32, #tpu.memory_space<vmem>>, vector<16xf32>,
        %parallel_loop3A_550 = vector.broadcast %parallel_loop3A_520 : f32 to vector<16xf32>
        %parallel_loop3A_551 = arith.mulf %parallel_loop3A_549, %parallel_loop3A_550 : vector<16xf32>
        %parallel_loop3A_552 = arith.constant 1 : i32
        %parallel_loop3A_553 = arith.index_cast %parallel_loop3A_552 : i32 to index
        %parallel_loop3A_554 = arith.index_cast %parallel_loop3A_514 : i32 to index
        %parallel_loop3A_555 = arith.constant 32 : index
        %parallel_loop3A_556 = tpu.vector_load %arg16[%parallel_loop3A_553, %parallel_loop3A_554, %parallel_loop3A_555] {strides = array<i32>} : memref<2x64x128xf32, #tpu.memory_space<vmem>>, vector<16xf32>,
        tpu.vector_store %arg16[%parallel_loop3A_553, %parallel_loop3A_554, %parallel_loop3A_555], %parallel_loop3A_551 {strides = array<i32>} : memref<2x64x128xf32, #tpu.memory_space<vmem>>, vector<16xf32>,
        %parallel_loop3A_557 = arith.constant 1 : i32
        %parallel_loop3A_558 = arith.index_cast %parallel_loop3A_557 : i32 to index
        %parallel_loop3A_559 = arith.index_cast %parallel_loop3A_514 : i32 to index
        %parallel_loop3A_560 = arith.constant 48 : index
        %parallel_loop3A_561 = tpu.vector_load %arg16[%parallel_loop3A_558, %parallel_loop3A_559, %parallel_loop3A_560] {strides = array<i32>} : memref<2x64x128xf32, #tpu.memory_space<vmem>>, vector<16xf32>,
        %parallel_loop3A_562 = vector.broadcast %parallel_loop3A_520 : f32 to vector<16xf32>
        %parallel_loop3A_563 = arith.mulf %parallel_loop3A_561, %parallel_loop3A_562 : vector<16xf32>
        %parallel_loop3A_564 = arith.constant 1 : i32
        %parallel_loop3A_565 = arith.index_cast %parallel_loop3A_564 : i32 to index
        %parallel_loop3A_566 = arith.index_cast %parallel_loop3A_514 : i32 to index
        %parallel_loop3A_567 = arith.constant 48 : index
        %parallel_loop3A_568 = tpu.vector_load %arg16[%parallel_loop3A_565, %parallel_loop3A_566, %parallel_loop3A_567] {strides = array<i32>} : memref<2x64x128xf32, #tpu.memory_space<vmem>>, vector<16xf32>,
        tpu.vector_store %arg16[%parallel_loop3A_565, %parallel_loop3A_566, %parallel_loop3A_567], %parallel_loop3A_563 {strides = array<i32>} : memref<2x64x128xf32, #tpu.memory_space<vmem>>, vector<16xf32>,
        %parallel_loop3A_569 = arith.constant 1 : i32
        %parallel_loop3A_570 = arith.index_cast %parallel_loop3A_569 : i32 to index
        %parallel_loop3A_571 = arith.index_cast %parallel_loop3A_514 : i32 to index
        %parallel_loop3A_572 = arith.constant 64 : index
        %parallel_loop3A_573 = tpu.vector_load %arg16[%parallel_loop3A_570, %parallel_loop3A_571, %parallel_loop3A_572] {strides = array<i32>} : memref<2x64x128xf32, #tpu.memory_space<vmem>>, vector<16xf32>,
        %parallel_loop3A_574 = vector.broadcast %parallel_loop3A_520 : f32 to vector<16xf32>
        %parallel_loop3A_575 = arith.mulf %parallel_loop3A_573, %parallel_loop3A_574 : vector<16xf32>
        %parallel_loop3A_576 = arith.constant 1 : i32
        %parallel_loop3A_577 = arith.index_cast %parallel_loop3A_576 : i32 to index
        %parallel_loop3A_578 = arith.index_cast %parallel_loop3A_514 : i32 to index
        %parallel_loop3A_579 = arith.constant 64 : index
        %parallel_loop3A_580 = tpu.vector_load %arg16[%parallel_loop3A_577, %parallel_loop3A_578, %parallel_loop3A_579] {strides = array<i32>} : memref<2x64x128xf32, #tpu.memory_space<vmem>>, vector<16xf32>,
        tpu.vector_store %arg16[%parallel_loop3A_577, %parallel_loop3A_578, %parallel_loop3A_579], %parallel_loop3A_575 {strides = array<i32>} : memref<2x64x128xf32, #tpu.memory_space<vmem>>, vector<16xf32>,
        %parallel_loop3A_581 = arith.constant 1 : i32
        %parallel_loop3A_582 = arith.index_cast %parallel_loop3A_581 : i32 to index
        %parallel_loop3A_583 = arith.index_cast %parallel_loop3A_514 : i32 to index
        %parallel_loop3A_584 = arith.constant 80 : index
        %parallel_loop3A_585 = tpu.vector_load %arg16[%parallel_loop3A_582, %parallel_loop3A_583, %parallel_loop3A_584] {strides = array<i32>} : memref<2x64x128xf32, #tpu.memory_space<vmem>>, vector<16xf32>,
        %parallel_loop3A_586 = vector.broadcast %parallel_loop3A_520 : f32 to vector<16xf32>
        %parallel_loop3A_587 = arith.mulf %parallel_loop3A_585, %parallel_loop3A_586 : vector<16xf32>
        %parallel_loop3A_588 = arith.constant 1 : i32
        %parallel_loop3A_589 = arith.index_cast %parallel_loop3A_588 : i32 to index
        %parallel_loop3A_590 = arith.index_cast %parallel_loop3A_514 : i32 to index
        %parallel_loop3A_591 = arith.constant 80 : index
        %parallel_loop3A_592 = tpu.vector_load %arg16[%parallel_loop3A_589, %parallel_loop3A_590, %parallel_loop3A_591] {strides = array<i32>} : memref<2x64x128xf32, #tpu.memory_space<vmem>>, vector<16xf32>,
        tpu.vector_store %arg16[%parallel_loop3A_589, %parallel_loop3A_590, %parallel_loop3A_591], %parallel_loop3A_587 {strides = array<i32>} : memref<2x64x128xf32, #tpu.memory_space<vmem>>, vector<16xf32>,
        %parallel_loop3A_593 = arith.constant 1 : i32
        %parallel_loop3A_594 = arith.index_cast %parallel_loop3A_593 : i32 to index
        %parallel_loop3A_595 = arith.index_cast %parallel_loop3A_514 : i32 to index
        %parallel_loop3A_596 = arith.constant 96 : index
        %parallel_loop3A_597 = tpu.vector_load %arg16[%parallel_loop3A_594, %parallel_loop3A_595, %parallel_loop3A_596] {strides = array<i32>} : memref<2x64x128xf32, #tpu.memory_space<vmem>>, vector<16xf32>,
        %parallel_loop3A_598 = vector.broadcast %parallel_loop3A_520 : f32 to vector<16xf32>
        %parallel_loop3A_599 = arith.mulf %parallel_loop3A_597, %parallel_loop3A_598 : vector<16xf32>
        %parallel_loop3A_600 = arith.constant 1 : i32
        %parallel_loop3A_601 = arith.index_cast %parallel_loop3A_600 : i32 to index
        %parallel_loop3A_602 = arith.index_cast %parallel_loop3A_514 : i32 to index
        %parallel_loop3A_603 = arith.constant 96 : index
        %parallel_loop3A_604 = tpu.vector_load %arg16[%parallel_loop3A_601, %parallel_loop3A_602, %parallel_loop3A_603] {strides = array<i32>} : memref<2x64x128xf32, #tpu.memory_space<vmem>>, vector<16xf32>,
        tpu.vector_store %arg16[%parallel_loop3A_601, %parallel_loop3A_602, %parallel_loop3A_603], %parallel_loop3A_599 {strides = array<i32>} : memref<2x64x128xf32, #tpu.memory_space<vmem>>, vector<16xf32>,
        %parallel_loop3A_605 = arith.constant 1 : i32
        %parallel_loop3A_606 = arith.index_cast %parallel_loop3A_605 : i32 to index
        %parallel_loop3A_607 = arith.index_cast %parallel_loop3A_514 : i32 to index
        %parallel_loop3A_608 = arith.constant 112 : index
        %parallel_loop3A_609 = tpu.vector_load %arg16[%parallel_loop3A_606, %parallel_loop3A_607, %parallel_loop3A_608] {strides = array<i32>} : memref<2x64x128xf32, #tpu.memory_space<vmem>>, vector<16xf32>,
        %parallel_loop3A_610 = vector.broadcast %parallel_loop3A_520 : f32 to vector<16xf32>
        %parallel_loop3A_611 = arith.mulf %parallel_loop3A_609, %parallel_loop3A_610 : vector<16xf32>
        %parallel_loop3A_612 = arith.constant 1 : i32
        %parallel_loop3A_613 = arith.index_cast %parallel_loop3A_612 : i32 to index
        %parallel_loop3A_614 = arith.index_cast %parallel_loop3A_514 : i32 to index
        %parallel_loop3A_615 = arith.constant 112 : index
        %parallel_loop3A_616 = tpu.vector_load %arg16[%parallel_loop3A_613, %parallel_loop3A_614, %parallel_loop3A_615] {strides = array<i32>} : memref<2x64x128xf32, #tpu.memory_space<vmem>>, vector<16xf32>,
        tpu.vector_store %arg16[%parallel_loop3A_613, %parallel_loop3A_614, %parallel_loop3A_615], %parallel_loop3A_611 {strides = array<i32>} : memref<2x64x128xf32, #tpu.memory_space<vmem>>, vector<16xf32>,
        %parallel_loop3A_617 = arith.constant 3 : i32
        %parallel_loop3A_618 = arith.addi %parallel_loop3A_304, %parallel_loop3A_617 : i32
        %parallel_loop3A_619 = arith.constant 1 : i32
        %parallel_loop3A_620 = arith.index_cast %parallel_loop3A_619 : i32 to index
        %parallel_loop3A_621 = arith.index_cast %parallel_loop3A_618 : i32 to index
        %parallel_loop3A_622 = tpu.vector_load %arg14[%parallel_loop3A_620, %parallel_loop3A_621] {strides = array<i32>} : memref<2x80xf32, #tpu.memory_space<vmem>>, vector<16xf32>,
        %parallel_loop3A_623 = vector.extract_strided_slice %parallel_loop3A_622 {offsets = [0], sizes = [1], strides = [1]} : vector<16xf32> to vector<1xf32>
        %parallel_loop3A_624 = vector.extract %parallel_loop3A_623[0] : f32 from vector<1xf32>
        %parallel_loop3A_625 = arith.constant 1 : i32
        %parallel_loop3A_626 = arith.index_cast %parallel_loop3A_625 : i32 to index
        %parallel_loop3A_627 = arith.index_cast %parallel_loop3A_618 : i32 to index
        %parallel_loop3A_628 = arith.constant 0 : index
        %parallel_loop3A_629 = tpu.vector_load %arg16[%parallel_loop3A_626, %parallel_loop3A_627, %parallel_loop3A_628] {strides = array<i32>} : memref<2x64x128xf32, #tpu.memory_space<vmem>>, vector<16xf32>,
        %parallel_loop3A_630 = vector.broadcast %parallel_loop3A_624 : f32 to vector<16xf32>
        %parallel_loop3A_631 = arith.mulf %parallel_loop3A_629, %parallel_loop3A_630 : vector<16xf32>
        %parallel_loop3A_632 = arith.constant 1 : i32
        %parallel_loop3A_633 = arith.index_cast %parallel_loop3A_632 : i32 to index
        %parallel_loop3A_634 = arith.index_cast %parallel_loop3A_618 : i32 to index
        %parallel_loop3A_635 = arith.constant 0 : index
        %parallel_loop3A_636 = tpu.vector_load %arg16[%parallel_loop3A_633, %parallel_loop3A_634, %parallel_loop3A_635] {strides = array<i32>} : memref<2x64x128xf32, #tpu.memory_space<vmem>>, vector<16xf32>,
        tpu.vector_store %arg16[%parallel_loop3A_633, %parallel_loop3A_634, %parallel_loop3A_635], %parallel_loop3A_631 {strides = array<i32>} : memref<2x64x128xf32, #tpu.memory_space<vmem>>, vector<16xf32>,
        %parallel_loop3A_637 = arith.constant 1 : i32
        %parallel_loop3A_638 = arith.index_cast %parallel_loop3A_637 : i32 to index
        %parallel_loop3A_639 = arith.index_cast %parallel_loop3A_618 : i32 to index
        %parallel_loop3A_640 = arith.constant 16 : index
        %parallel_loop3A_641 = tpu.vector_load %arg16[%parallel_loop3A_638, %parallel_loop3A_639, %parallel_loop3A_640] {strides = array<i32>} : memref<2x64x128xf32, #tpu.memory_space<vmem>>, vector<16xf32>,
        %parallel_loop3A_642 = vector.broadcast %parallel_loop3A_624 : f32 to vector<16xf32>
        %parallel_loop3A_643 = arith.mulf %parallel_loop3A_641, %parallel_loop3A_642 : vector<16xf32>
        %parallel_loop3A_644 = arith.constant 1 : i32
        %parallel_loop3A_645 = arith.index_cast %parallel_loop3A_644 : i32 to index
        %parallel_loop3A_646 = arith.index_cast %parallel_loop3A_618 : i32 to index
        %parallel_loop3A_647 = arith.constant 16 : index
        %parallel_loop3A_648 = tpu.vector_load %arg16[%parallel_loop3A_645, %parallel_loop3A_646, %parallel_loop3A_647] {strides = array<i32>} : memref<2x64x128xf32, #tpu.memory_space<vmem>>, vector<16xf32>,
        tpu.vector_store %arg16[%parallel_loop3A_645, %parallel_loop3A_646, %parallel_loop3A_647], %parallel_loop3A_643 {strides = array<i32>} : memref<2x64x128xf32, #tpu.memory_space<vmem>>, vector<16xf32>,
        %parallel_loop3A_649 = arith.constant 1 : i32
        %parallel_loop3A_650 = arith.index_cast %parallel_loop3A_649 : i32 to index
        %parallel_loop3A_651 = arith.index_cast %parallel_loop3A_618 : i32 to index
        %parallel_loop3A_652 = arith.constant 32 : index
        %parallel_loop3A_653 = tpu.vector_load %arg16[%parallel_loop3A_650, %parallel_loop3A_651, %parallel_loop3A_652] {strides = array<i32>} : memref<2x64x128xf32, #tpu.memory_space<vmem>>, vector<16xf32>,
        %parallel_loop3A_654 = vector.broadcast %parallel_loop3A_624 : f32 to vector<16xf32>
        %parallel_loop3A_655 = arith.mulf %parallel_loop3A_653, %parallel_loop3A_654 : vector<16xf32>
        %parallel_loop3A_656 = arith.constant 1 : i32
        %parallel_loop3A_657 = arith.index_cast %parallel_loop3A_656 : i32 to index
        %parallel_loop3A_658 = arith.index_cast %parallel_loop3A_618 : i32 to index
        %parallel_loop3A_659 = arith.constant 32 : index
        %parallel_loop3A_660 = tpu.vector_load %arg16[%parallel_loop3A_657, %parallel_loop3A_658, %parallel_loop3A_659] {strides = array<i32>} : memref<2x64x128xf32, #tpu.memory_space<vmem>>, vector<16xf32>,
        tpu.vector_store %arg16[%parallel_loop3A_657, %parallel_loop3A_658, %parallel_loop3A_659], %parallel_loop3A_655 {strides = array<i32>} : memref<2x64x128xf32, #tpu.memory_space<vmem>>, vector<16xf32>,
        %parallel_loop3A_661 = arith.constant 1 : i32
        %parallel_loop3A_662 = arith.index_cast %parallel_loop3A_661 : i32 to index
        %parallel_loop3A_663 = arith.index_cast %parallel_loop3A_618 : i32 to index
        %parallel_loop3A_664 = arith.constant 48 : index
        %parallel_loop3A_665 = tpu.vector_load %arg16[%parallel_loop3A_662, %parallel_loop3A_663, %parallel_loop3A_664] {strides = array<i32>} : memref<2x64x128xf32, #tpu.memory_space<vmem>>, vector<16xf32>,
        %parallel_loop3A_666 = vector.broadcast %parallel_loop3A_624 : f32 to vector<16xf32>
        %parallel_loop3A_667 = arith.mulf %parallel_loop3A_665, %parallel_loop3A_666 : vector<16xf32>
        %parallel_loop3A_668 = arith.constant 1 : i32
        %parallel_loop3A_669 = arith.index_cast %parallel_loop3A_668 : i32 to index
        %parallel_loop3A_670 = arith.index_cast %parallel_loop3A_618 : i32 to index
        %parallel_loop3A_671 = arith.constant 48 : index
        %parallel_loop3A_672 = tpu.vector_load %arg16[%parallel_loop3A_669, %parallel_loop3A_670, %parallel_loop3A_671] {strides = array<i32>} : memref<2x64x128xf32, #tpu.memory_space<vmem>>, vector<16xf32>,
        tpu.vector_store %arg16[%parallel_loop3A_669, %parallel_loop3A_670, %parallel_loop3A_671], %parallel_loop3A_667 {strides = array<i32>} : memref<2x64x128xf32, #tpu.memory_space<vmem>>, vector<16xf32>,
        %parallel_loop3A_673 = arith.constant 1 : i32
        %parallel_loop3A_674 = arith.index_cast %parallel_loop3A_673 : i32 to index
        %parallel_loop3A_675 = arith.index_cast %parallel_loop3A_618 : i32 to index
        %parallel_loop3A_676 = arith.constant 64 : index
        %parallel_loop3A_677 = tpu.vector_load %arg16[%parallel_loop3A_674, %parallel_loop3A_675, %parallel_loop3A_676] {strides = array<i32>} : memref<2x64x128xf32, #tpu.memory_space<vmem>>, vector<16xf32>,
        %parallel_loop3A_678 = vector.broadcast %parallel_loop3A_624 : f32 to vector<16xf32>
        %parallel_loop3A_679 = arith.mulf %parallel_loop3A_677, %parallel_loop3A_678 : vector<16xf32>
        %parallel_loop3A_680 = arith.constant 1 : i32
        %parallel_loop3A_681 = arith.index_cast %parallel_loop3A_680 : i32 to index
        %parallel_loop3A_682 = arith.index_cast %parallel_loop3A_618 : i32 to index
        %parallel_loop3A_683 = arith.constant 64 : index
        %parallel_loop3A_684 = tpu.vector_load %arg16[%parallel_loop3A_681, %parallel_loop3A_682, %parallel_loop3A_683] {strides = array<i32>} : memref<2x64x128xf32, #tpu.memory_space<vmem>>, vector<16xf32>,
        tpu.vector_store %arg16[%parallel_loop3A_681, %parallel_loop3A_682, %parallel_loop3A_683], %parallel_loop3A_679 {strides = array<i32>} : memref<2x64x128xf32, #tpu.memory_space<vmem>>, vector<16xf32>,
        %parallel_loop3A_685 = arith.constant 1 : i32
        %parallel_loop3A_686 = arith.index_cast %parallel_loop3A_685 : i32 to index
        %parallel_loop3A_687 = arith.index_cast %parallel_loop3A_618 : i32 to index
        %parallel_loop3A_688 = arith.constant 80 : index
        %parallel_loop3A_689 = tpu.vector_load %arg16[%parallel_loop3A_686, %parallel_loop3A_687, %parallel_loop3A_688] {strides = array<i32>} : memref<2x64x128xf32, #tpu.memory_space<vmem>>, vector<16xf32>,
        %parallel_loop3A_690 = vector.broadcast %parallel_loop3A_624 : f32 to vector<16xf32>
        %parallel_loop3A_691 = arith.mulf %parallel_loop3A_689, %parallel_loop3A_690 : vector<16xf32>
        %parallel_loop3A_692 = arith.constant 1 : i32
        %parallel_loop3A_693 = arith.index_cast %parallel_loop3A_692 : i32 to index
        %parallel_loop3A_694 = arith.index_cast %parallel_loop3A_618 : i32 to index
        %parallel_loop3A_695 = arith.constant 80 : index
        %parallel_loop3A_696 = tpu.vector_load %arg16[%parallel_loop3A_693, %parallel_loop3A_694, %parallel_loop3A_695] {strides = array<i32>} : memref<2x64x128xf32, #tpu.memory_space<vmem>>, vector<16xf32>,
        tpu.vector_store %arg16[%parallel_loop3A_693, %parallel_loop3A_694, %parallel_loop3A_695], %parallel_loop3A_691 {strides = array<i32>} : memref<2x64x128xf32, #tpu.memory_space<vmem>>, vector<16xf32>,
        %parallel_loop3A_697 = arith.constant 1 : i32
        %parallel_loop3A_698 = arith.index_cast %parallel_loop3A_697 : i32 to index
        %parallel_loop3A_699 = arith.index_cast %parallel_loop3A_618 : i32 to index
        %parallel_loop3A_700 = arith.constant 96 : index
        %parallel_loop3A_701 = tpu.vector_load %arg16[%parallel_loop3A_698, %parallel_loop3A_699, %parallel_loop3A_700] {strides = array<i32>} : memref<2x64x128xf32, #tpu.memory_space<vmem>>, vector<16xf32>,
        %parallel_loop3A_702 = vector.broadcast %parallel_loop3A_624 : f32 to vector<16xf32>
        %parallel_loop3A_703 = arith.mulf %parallel_loop3A_701, %parallel_loop3A_702 : vector<16xf32>
        %parallel_loop3A_704 = arith.constant 1 : i32
        %parallel_loop3A_705 = arith.index_cast %parallel_loop3A_704 : i32 to index
        %parallel_loop3A_706 = arith.index_cast %parallel_loop3A_618 : i32 to index
        %parallel_loop3A_707 = arith.constant 96 : index
        %parallel_loop3A_708 = tpu.vector_load %arg16[%parallel_loop3A_705, %parallel_loop3A_706, %parallel_loop3A_707] {strides = array<i32>} : memref<2x64x128xf32, #tpu.memory_space<vmem>>, vector<16xf32>,
        tpu.vector_store %arg16[%parallel_loop3A_705, %parallel_loop3A_706, %parallel_loop3A_707], %parallel_loop3A_703 {strides = array<i32>} : memref<2x64x128xf32, #tpu.memory_space<vmem>>, vector<16xf32>,
        %parallel_loop3A_709 = arith.constant 1 : i32
        %parallel_loop3A_710 = arith.index_cast %parallel_loop3A_709 : i32 to index
        %parallel_loop3A_711 = arith.index_cast %parallel_loop3A_618 : i32 to index
        %parallel_loop3A_712 = arith.constant 112 : index
        %parallel_loop3A_713 = tpu.vector_load %arg16[%parallel_loop3A_710, %parallel_loop3A_711, %parallel_loop3A_712] {strides = array<i32>} : memref<2x64x128xf32, #tpu.memory_space<vmem>>, vector<16xf32>,
        %parallel_loop3A_714 = vector.broadcast %parallel_loop3A_624 : f32 to vector<16xf32>
        %parallel_loop3A_715 = arith.mulf %parallel_loop3A_713, %parallel_loop3A_714 : vector<16xf32>
        %parallel_loop3A_716 = arith.constant 1 : i32
        %parallel_loop3A_717 = arith.index_cast %parallel_loop3A_716 : i32 to index
        %parallel_loop3A_718 = arith.index_cast %parallel_loop3A_618 : i32 to index
        %parallel_loop3A_719 = arith.constant 112 : index
        %parallel_loop3A_720 = tpu.vector_load %arg16[%parallel_loop3A_717, %parallel_loop3A_718, %parallel_loop3A_719] {strides = array<i32>} : memref<2x64x128xf32, #tpu.memory_space<vmem>>, vector<16xf32>,
        tpu.vector_store %arg16[%parallel_loop3A_717, %parallel_loop3A_718, %parallel_loop3A_719], %parallel_loop3A_715 {strides = array<i32>} : memref<2x64x128xf32, #tpu.memory_space<vmem>>, vector<16xf32>,
      } {sc.loop_unroll_factor = 1 : i64, sc.parallel_access}
      %parallel_loop3A_282 = arith.constant 0 : i32
      %parallel_loop3A_283 = arith.constant 4 : i32
      %parallel_loop3A_284 = arith.constant 1 : i32
      scf.for %parallel_loop3A_304 = %parallel_loop3A_282 to %parallel_loop3A_283 step %parallel_loop3A_284  : i32 {
        %parallel_loop3A_305 = arith.constant 16 : i32
        %parallel_loop3A_306 = arith.muli %parallel_loop3A_304, %parallel_loop3A_305 : i32
        %parallel_loop3A_307 = arith.constant 1 : i32
        %parallel_loop3A_308 = arith.index_cast %parallel_loop3A_307 : i32 to index
        %parallel_loop3A_309 = arith.index_cast %parallel_loop3A_306 : i32 to index
        %parallel_loop3A_310 = tpu.vector_load %arg11[%parallel_loop3A_308, %parallel_loop3A_309] {strides = array<i32>} : memref<2x64xi32, #tpu.memory_space<vmem>>, vector<16xi32>,
        %parallel_loop3A_311 = arith.constant 16 : i32
        %parallel_loop3A_312 = arith.muli %parallel_loop3A_304, %parallel_loop3A_311 : i32
        %parallel_loop3A_313 = arith.constant 1 : i32
        %parallel_loop3A_314 = arith.index_cast %parallel_loop3A_313 : i32 to index
        %parallel_loop3A_315 = arith.index_cast %parallel_loop3A_312 : i32 to index
        %parallel_loop3A_316 = tpu.vector_load %arg12[%parallel_loop3A_314, %parallel_loop3A_315] {strides = array<i32>} : memref<2x64xi32, #tpu.memory_space<vmem>>, vector<16xi32>,
        tpu.vector_store %arg12[%parallel_loop3A_314, %parallel_loop3A_315], %parallel_loop3A_310 {strides = array<i32>} : memref<2x64xi32, #tpu.memory_space<vmem>>, vector<16xi32>,
      } {sc.loop_unroll_factor = 1 : i64, sc.parallel_access}
      %dma_start3A_285 = arith.constant 1 : i32
      %dma_start3A_286 = arith.constant 1 : i32
      %dma_start3A_287 = arith.constant 0 : i32
      %dma_start3A_288 = arith.constant 0 : i32
      %dma_start3A_289 = tpu.memref_slice %arg16[%dma_start3A_285, %dma_start3A_287, %dma_start3A_288] : memref<2x64x128xf32, #tpu.memory_space<vmem>> -> memref<1x64x128xf32, #tpu.memory_space<vmem>>
      %dma_start3A_290 = tpu.memref_squeeze %dma_start3A_289 : memref<1x64x128xf32, #tpu.memory_space<vmem>> -> memref<64x128xf32, #tpu.memory_space<vmem>>
      %dma_start3A_291 = arith.constant 0 : i32
      %dma_start3A_292 = tpu.memref_slice %arg12[%dma_start3A_286, %dma_start3A_291] : memref<2x64xi32, #tpu.memory_space<vmem>> -> memref<1x64xi32, #tpu.memory_space<vmem>>
      %dma_start3A_293 = tpu.memref_squeeze %dma_start3A_292 : memref<1x64xi32, #tpu.memory_space<vmem>> -> memref<64xi32, #tpu.memory_space<vmem>>
      %dma_start3A_294 = arith.constant 0 : i32
      %dma_start3A_295 = arith.constant 0 : i32
      %dma_start3A_296 = tpu.memref_slice %arg17[%dma_start3A_294, %dma_start3A_295] : memref<10240x128xf32, #tpu.memory_space<vmem_shared>> -> memref<10240x128xf32, #tpu.memory_space<vmem_shared>>
      tpu.enqueue_indirect_dma source(%dma_start3A_290 : memref<64x128xf32, #tpu.memory_space<vmem>>) target(%dma_start3A_296 : memref<10240x128xf32, #tpu.memory_space<vmem_shared>>) offsets(%dma_start3A_293 : memref<64xi32, #tpu.memory_space<vmem>>) semaphore(%arg23 : memref<!tpu.dma_semaphore, #tpu.memory_space<semaphore_mem>>) {add = true}
      %add3A_297 = arith.constant 3 : i32
      %add3A_298 = arith.addi %mul3A_229, %add3A_297 : i32
      %lt3A_299 = arith.constant 314 : i32
      %lt3A_300 = arith.cmpi slt, %add3A_298, %lt3A_299 : i32
      %convert_element_type3A_301 = arith.extui %lt3A_300 : i1 to i32
      %cond3A_302 = arith.constant 0 : i32
      %cond3A_303 = arith.cmpi ne, %convert_element_type3A_301, %cond3A_302 : i32
      scf.if %cond3A_303 {
        %add3A_304 = arith.constant 3 : i32
        %add3A_305 = arith.addi %mul3A_229, %add3A_304 : i32
        %dma_wait3A_306 = arith.constant 1 : i32
        %dma_wait3A_307 = arith.constant 0 : i32
        %dma_wait3A_308 = tpu.memref_slice %arg10[%dma_wait3A_306, %dma_wait3A_307] : memref<2x64xi32, #tpu.memory_space<vmem>> -> memref<1x64xi32, #tpu.memory_space<vmem>>
        %dma_wait3A_309 = tpu.memref_squeeze %dma_wait3A_308 : memref<1x64xi32, #tpu.memory_space<vmem>> -> memref<64xi32, #tpu.memory_space<vmem>>
        %dma_wait3A_310 = arith.constant 0 : i32
        %dma_wait3A_311 = tpu.memref_slice %arg5[%arg1, %add3A_305, %dma_wait3A_310] : memref<16x314x64xi32, #tpu.memory_space<hbm>> -> memref<1x1x64xi32, #tpu.memory_space<hbm>>
        %dma_wait3A_312 = tpu.memref_squeeze %dma_wait3A_311 : memref<1x1x64xi32, #tpu.memory_space<hbm>> -> memref<64xi32, #tpu.memory_space<hbm>>
        %dma_wait3A_313 = arith.constant 0 : i32
        %dma_wait3A_314 = tpu.memref_slice %arg10[%dma_wait3A_306, %dma_wait3A_313] : memref<2x64xi32, #tpu.memory_space<vmem>> -> memref<1x64xi32, #tpu.memory_space<vmem>>
        %dma_wait3A_315 = tpu.memref_squeeze %dma_wait3A_314 : memref<1x64xi32, #tpu.memory_space<vmem>> -> memref<64xi32, #tpu.memory_space<vmem>>
        %dma_wait3A_316 = arith.constant 0 : i32
        %dma_wait3A_317 = tpu.memref_slice %arg5[%arg1, %add3A_305, %dma_wait3A_316] : memref<16x314x64xi32, #tpu.memory_space<hbm>> -> memref<1x1x64xi32, #tpu.memory_space<hbm>>
        %dma_wait3A_318 = tpu.memref_squeeze %dma_wait3A_317 : memref<1x1x64xi32, #tpu.memory_space<hbm>> -> memref<64xi32, #tpu.memory_space<hbm>>
        tpu.wait_dma2 semaphore(%arg21 : memref<!tpu.dma_semaphore, #tpu.memory_space<semaphore_mem>>) src(%dma_wait3A_318 : memref<64xi32, #tpu.memory_space<hbm>>) dst(%dma_wait3A_315 : memref<64xi32, #tpu.memory_space<vmem>>)
        %parallel_loop3A_319 = arith.constant 0 : i32
        %parallel_loop3A_320 = arith.constant 4 : i32
        %parallel_loop3A_321 = arith.constant 1 : i32
        scf.for %parallel_loop3A_353 = %parallel_loop3A_319 to %parallel_loop3A_320 step %parallel_loop3A_321  : i32 {
          %parallel_loop3A_354 = arith.constant 16 : i32
          %parallel_loop3A_355 = arith.muli %parallel_loop3A_353, %parallel_loop3A_354 : i32
          %parallel_loop3A_356 = arith.constant 1 : i32
          %parallel_loop3A_357 = arith.index_cast %parallel_loop3A_356 : i32 to index
          %parallel_loop3A_358 = arith.index_cast %parallel_loop3A_355 : i32 to index
          %parallel_loop3A_359 = tpu.vector_load %arg10[%parallel_loop3A_357, %parallel_loop3A_358] {strides = array<i32>} : memref<2x64xi32, #tpu.memory_space<vmem>>, vector<16xi32>,
          %parallel_loop3A_360 = arith.constant 14 : i32
          %parallel_loop3A_361 = vector.broadcast %parallel_loop3A_360 : i32 to vector<16xi32>
          %parallel_loop3A_362 = arith.shrui %parallel_loop3A_359, %parallel_loop3A_361 : vector<16xi32>
          %parallel_loop3A_363 = arith.constant 16383 : i32
          %parallel_loop3A_364 = vector.broadcast %parallel_loop3A_363 : i32 to vector<16xi32>
          %parallel_loop3A_365 = arith.andi %parallel_loop3A_362, %parallel_loop3A_364 : vector<16xi32>
          %parallel_loop3A_366 = arith.constant 16383 : i32
          %parallel_loop3A_367 = vector.broadcast %parallel_loop3A_366 : i32 to vector<16xi32>
          %parallel_loop3A_368 = arith.andi %parallel_loop3A_359, %parallel_loop3A_367 : vector<16xi32>
          %parallel_loop3A_369 = arith.constant 16 : i32
          %parallel_loop3A_370 = arith.muli %parallel_loop3A_353, %parallel_loop3A_369 : i32
          %parallel_loop3A_371 = arith.constant 1 : i32
          %parallel_loop3A_372 = arith.index_cast %parallel_loop3A_371 : i32 to index
          %parallel_loop3A_373 = arith.index_cast %parallel_loop3A_370 : i32 to index
          %parallel_loop3A_374 = tpu.vector_load %arg11[%parallel_loop3A_372, %parallel_loop3A_373] {strides = array<i32>} : memref<2x64xi32, #tpu.memory_space<vmem>>, vector<16xi32>,
          tpu.vector_store %arg11[%parallel_loop3A_372, %parallel_loop3A_373], %parallel_loop3A_368 {strides = array<i32>} : memref<2x64xi32, #tpu.memory_space<vmem>>, vector<16xi32>,
          %parallel_loop3A_375 = vector.broadcast %mul3A_76 : i32 to vector<16xi32>
          %parallel_loop3A_376 = arith.addi %parallel_loop3A_365, %parallel_loop3A_375 : vector<16xi32>
          %parallel_loop3A_377 = arith.constant 16 : i32
          %parallel_loop3A_378 = arith.muli %parallel_loop3A_353, %parallel_loop3A_377 : i32
          %parallel_loop3A_379 = arith.constant 1 : i32
          %parallel_loop3A_380 = arith.index_cast %parallel_loop3A_379 : i32 to index
          %parallel_loop3A_381 = arith.index_cast %parallel_loop3A_378 : i32 to index
          %parallel_loop3A_382 = tpu.vector_load %arg13[%parallel_loop3A_380, %parallel_loop3A_381] {strides = array<i32>} : memref<2x64xi32, #tpu.memory_space<vmem>>, vector<16xi32>,
          tpu.vector_store %arg13[%parallel_loop3A_380, %parallel_loop3A_381], %parallel_loop3A_376 {strides = array<i32>} : memref<2x64xi32, #tpu.memory_space<vmem>>, vector<16xi32>,
          %parallel_loop3A_383 = tpu.vector_load_idx %arg8[%parallel_loop3A_365] : memref<10240xf32, #tpu.memory_space<vmem>>[vector<16xi32>], vector<16xf32>,
          %parallel_loop3A_384 = tpu.vector_load_idx %arg9[%parallel_loop3A_368] : memref<10240xf32, #tpu.memory_space<vmem>>[vector<16xi32>], vector<16xf32>,
          %parallel_loop3A_385 = arith.addf %parallel_loop3A_383, %parallel_loop3A_384 : vector<16xf32>
          %parallel_loop3A_386 = arith.constant 2.000000e-01 : f32
          %parallel_loop3A_387 = vector.broadcast %parallel_loop3A_386 : f32 to vector<16xf32>
          %parallel_loop3A_388 = arith.mulf %parallel_loop3A_387, %parallel_loop3A_385 : vector<16xf32>
          %parallel_loop3A_389 = arith.maximumf %parallel_loop3A_385, %parallel_loop3A_388 : vector<16xf32>
          %parallel_loop3A_390 = math.exp %parallel_loop3A_389 : vector<16xf32>
          %parallel_loop3A_391 = arith.constant 16 : i32
          %parallel_loop3A_392 = arith.muli %parallel_loop3A_353, %parallel_loop3A_391 : i32
          %parallel_loop3A_393 = arith.constant 1 : i32
          %parallel_loop3A_394 = arith.index_cast %parallel_loop3A_393 : i32 to index
          %parallel_loop3A_395 = arith.index_cast %parallel_loop3A_392 : i32 to index
          %parallel_loop3A_396 = tpu.vector_load %arg14[%parallel_loop3A_394, %parallel_loop3A_395] {strides = array<i32>} : memref<2x80xf32, #tpu.memory_space<vmem>>, vector<16xf32>,
          tpu.vector_store %arg14[%parallel_loop3A_394, %parallel_loop3A_395], %parallel_loop3A_390 {strides = array<i32>} : memref<2x80xf32, #tpu.memory_space<vmem>>, vector<16xf32>,
          tpu.vector_store_idx %arg15[%parallel_loop3A_368], %parallel_loop3A_390 {add = true} : memref<10240xf32, #tpu.memory_space<vmem>>[vector<16xi32>], vector<16xf32>,
        } {sc.loop_unroll_factor = 1 : i64, sc.parallel_access}
        %add3A_322 = arith.constant 5 : i32
        %add3A_323 = arith.addi %mul3A_229, %add3A_322 : i32
        %lt3A_324 = arith.constant 314 : i32
        %lt3A_325 = arith.cmpi slt, %add3A_323, %lt3A_324 : i32
        %convert_element_type3A_326 = arith.extui %lt3A_325 : i1 to i32
        %cond3A_327 = arith.constant 0 : i32
        %cond3A_328 = arith.cmpi ne, %convert_element_type3A_326, %cond3A_327 : i32
        scf.if %cond3A_328 {
          %add3A_353 = arith.constant 5 : i32
          %add3A_354 = arith.addi %mul3A_229, %add3A_353 : i32
          %dma_start3A_355 = arith.constant 1 : i32
          %dma_start3A_356 = arith.constant 0 : i32
          %dma_start3A_357 = tpu.memref_slice %arg10[%dma_start3A_355, %dma_start3A_356] : memref<2x64xi32, #tpu.memory_space<vmem>> -> memref<1x64xi32, #tpu.memory_space<vmem>>
          %dma_start3A_358 = tpu.memref_squeeze %dma_start3A_357 : memref<1x64xi32, #tpu.memory_space<vmem>> -> memref<64xi32, #tpu.memory_space<vmem>>
          %dma_start3A_359 = arith.constant 0 : i32
          %dma_start3A_360 = tpu.memref_slice %arg5[%arg1, %add3A_354, %dma_start3A_359] : memref<16x314x64xi32, #tpu.memory_space<hbm>> -> memref<1x1x64xi32, #tpu.memory_space<hbm>>
          %dma_start3A_361 = tpu.memref_squeeze %dma_start3A_360 : memref<1x1x64xi32, #tpu.memory_space<hbm>> -> memref<64xi32, #tpu.memory_space<hbm>>
          %dma_start3A_362 = arith.constant 0 : i32
          %dma_start3A_363 = tpu.memref_slice %arg10[%dma_start3A_355, %dma_start3A_362] : memref<2x64xi32, #tpu.memory_space<vmem>> -> memref<1x64xi32, #tpu.memory_space<vmem>>
          %dma_start3A_364 = tpu.memref_squeeze %dma_start3A_363 : memref<1x64xi32, #tpu.memory_space<vmem>> -> memref<64xi32, #tpu.memory_space<vmem>>
          %dma_start3A_365 = arith.constant 0 : i32
          %dma_start3A_366 = tpu.memref_slice %arg5[%arg1, %add3A_354, %dma_start3A_365] : memref<16x314x64xi32, #tpu.memory_space<hbm>> -> memref<1x1x64xi32, #tpu.memory_space<hbm>>
          %dma_start3A_367 = tpu.memref_squeeze %dma_start3A_366 : memref<1x1x64xi32, #tpu.memory_space<hbm>> -> memref<64xi32, #tpu.memory_space<hbm>>
          tpu.enqueue_dma source(%dma_start3A_367 : memref<64xi32, #tpu.memory_space<hbm>>) target(%dma_start3A_364 : memref<64xi32, #tpu.memory_space<vmem>>) target_semaphore(%arg21 : memref<!tpu.dma_semaphore, #tpu.memory_space<semaphore_mem>>)
        } else {
        }
        %dma_wait3A_329 = arith.constant 1 : i32
        %dma_wait3A_330 = arith.constant 1 : i32
        %dma_wait3A_331 = arith.constant 0 : i32
        %dma_wait3A_332 = arith.constant 0 : i32
        %dma_wait3A_333 = tpu.memref_slice %arg16[%dma_wait3A_329, %dma_wait3A_331, %dma_wait3A_332] : memref<2x64x128xf32, #tpu.memory_space<vmem>> -> memref<1x64x128xf32, #tpu.memory_space<vmem>>
        %dma_wait3A_334 = tpu.memref_squeeze %dma_wait3A_333 : memref<1x64x128xf32, #tpu.memory_space<vmem>> -> memref<64x128xf32, #tpu.memory_space<vmem>>
        %dma_wait3A_335 = arith.constant 0 : i32
        %dma_wait3A_336 = tpu.memref_slice %arg12[%dma_wait3A_330, %dma_wait3A_335] : memref<2x64xi32, #tpu.memory_space<vmem>> -> memref<1x64xi32, #tpu.memory_space<vmem>>
        %dma_wait3A_337 = tpu.memref_squeeze %dma_wait3A_336 : memref<1x64xi32, #tpu.memory_space<vmem>> -> memref<64xi32, #tpu.memory_space<vmem>>
        %dma_wait3A_338 = arith.constant 0 : i32
        %dma_wait3A_339 = arith.constant 0 : i32
        %dma_wait3A_340 = tpu.memref_slice %arg17[%dma_wait3A_338, %dma_wait3A_339] : memref<10240x128xf32, #tpu.memory_space<vmem_shared>> -> memref<10240x128xf32, #tpu.memory_space<vmem_shared>>
        tpu.wait_indirect_dma semaphore(%arg23 : memref<!tpu.dma_semaphore, #tpu.memory_space<semaphore_mem>>) src(%dma_wait3A_334 : memref<64x128xf32, #tpu.memory_space<vmem>>) dst(%dma_wait3A_340 : memref<10240x128xf32, #tpu.memory_space<vmem_shared>>)
        %dma_start3A_341 = arith.constant 1 : i32
        %dma_start3A_342 = arith.constant 1 : i32
        %dma_start3A_343 = arith.constant 0 : i32
        %dma_start3A_344 = arith.constant 0 : i32
        %dma_start3A_345 = tpu.memref_slice %arg16[%dma_start3A_342, %dma_start3A_343, %dma_start3A_344] : memref<2x64x128xf32, #tpu.memory_space<vmem>> -> memref<1x64x128xf32, #tpu.memory_space<vmem>>
        %dma_start3A_346 = tpu.memref_squeeze %dma_start3A_345 : memref<1x64x128xf32, #tpu.memory_space<vmem>> -> memref<64x128xf32, #tpu.memory_space<vmem>>
        %dma_start3A_347 = arith.constant 0 : i32
        %dma_start3A_348 = tpu.memref_slice %arg13[%dma_start3A_341, %dma_start3A_347] : memref<2x64xi32, #tpu.memory_space<vmem>> -> memref<1x64xi32, #tpu.memory_space<vmem>>
        %dma_start3A_349 = tpu.memref_squeeze %dma_start3A_348 : memref<1x64xi32, #tpu.memory_space<vmem>> -> memref<64xi32, #tpu.memory_space<vmem>>
        %dma_start3A_350 = arith.constant 0 : i32
        %dma_start3A_351 = arith.constant 0 : i32
        %dma_start3A_352 = tpu.memref_slice %arg2[%dma_start3A_350, %dma_start3A_351] : memref<20480x128xf32, #tpu.memory_space<hbm>> -> memref<20480x128xf32, #tpu.memory_space<hbm>>
        tpu.enqueue_indirect_dma source(%dma_start3A_352 : memref<20480x128xf32, #tpu.memory_space<hbm>>) target(%dma_start3A_346 : memref<64x128xf32, #tpu.memory_space<vmem>>) offsets(%dma_start3A_349 : memref<64xi32, #tpu.memory_space<vmem>>) semaphore(%arg19 : memref<!tpu.dma_semaphore, #tpu.memory_space<semaphore_mem>>)
      } else {
      }
    }
    %scan3A_192 = arith.constant 157 : i32
    %dma_wait3A_193 = arith.constant 0 : i32
    %dma_wait3A_194 = arith.constant 0 : i32
    %dma_wait3A_195 = arith.constant 0 : i32
    %dma_wait3A_196 = arith.constant 0 : i32
    %dma_wait3A_197 = tpu.memref_slice %arg16[%dma_wait3A_193, %dma_wait3A_195, %dma_wait3A_196] : memref<2x64x128xf32, #tpu.memory_space<vmem>> -> memref<1x64x128xf32, #tpu.memory_space<vmem>>
    %dma_wait3A_198 = tpu.memref_squeeze %dma_wait3A_197 : memref<1x64x128xf32, #tpu.memory_space<vmem>> -> memref<64x128xf32, #tpu.memory_space<vmem>>
    %dma_wait3A_199 = arith.constant 0 : i32
    %dma_wait3A_200 = tpu.memref_slice %arg12[%dma_wait3A_194, %dma_wait3A_199] : memref<2x64xi32, #tpu.memory_space<vmem>> -> memref<1x64xi32, #tpu.memory_space<vmem>>
    %dma_wait3A_201 = tpu.memref_squeeze %dma_wait3A_200 : memref<1x64xi32, #tpu.memory_space<vmem>> -> memref<64xi32, #tpu.memory_space<vmem>>
    %dma_wait3A_202 = arith.constant 0 : i32
    %dma_wait3A_203 = arith.constant 0 : i32
    %dma_wait3A_204 = tpu.memref_slice %arg17[%dma_wait3A_202, %dma_wait3A_203] : memref<10240x128xf32, #tpu.memory_space<vmem_shared>> -> memref<10240x128xf32, #tpu.memory_space<vmem_shared>>
    tpu.wait_indirect_dma semaphore(%arg22 : memref<!tpu.dma_semaphore, #tpu.memory_space<semaphore_mem>>) src(%dma_wait3A_198 : memref<64x128xf32, #tpu.memory_space<vmem>>) dst(%dma_wait3A_204 : memref<10240x128xf32, #tpu.memory_space<vmem_shared>>)
    %dma_wait3A_205 = arith.constant 1 : i32
    %dma_wait3A_206 = arith.constant 1 : i32
    %dma_wait3A_207 = arith.constant 0 : i32
    %dma_wait3A_208 = arith.constant 0 : i32
    %dma_wait3A_209 = tpu.memref_slice %arg16[%dma_wait3A_205, %dma_wait3A_207, %dma_wait3A_208] : memref<2x64x128xf32, #tpu.memory_space<vmem>> -> memref<1x64x128xf32, #tpu.memory_space<vmem>>
    %dma_wait3A_210 = tpu.memref_squeeze %dma_wait3A_209 : memref<1x64x128xf32, #tpu.memory_space<vmem>> -> memref<64x128xf32, #tpu.memory_space<vmem>>
    %dma_wait3A_211 = arith.constant 0 : i32
    %dma_wait3A_212 = tpu.memref_slice %arg12[%dma_wait3A_206, %dma_wait3A_211] : memref<2x64xi32, #tpu.memory_space<vmem>> -> memref<1x64xi32, #tpu.memory_space<vmem>>
    %dma_wait3A_213 = tpu.memref_squeeze %dma_wait3A_212 : memref<1x64xi32, #tpu.memory_space<vmem>> -> memref<64xi32, #tpu.memory_space<vmem>>
    %dma_wait3A_214 = arith.constant 0 : i32
    %dma_wait3A_215 = arith.constant 0 : i32
    %dma_wait3A_216 = tpu.memref_slice %arg17[%dma_wait3A_214, %dma_wait3A_215] : memref<10240x128xf32, #tpu.memory_space<vmem_shared>> -> memref<10240x128xf32, #tpu.memory_space<vmem_shared>>
    tpu.wait_indirect_dma semaphore(%arg23 : memref<!tpu.dma_semaphore, #tpu.memory_space<semaphore_mem>>) src(%dma_wait3A_210 : memref<64x128xf32, #tpu.memory_space<vmem>>) dst(%dma_wait3A_216 : memref<10240x128xf32, #tpu.memory_space<vmem_shared>>)
    %barrier3A_217 = arith.constant 0 : index
    tpu.barrier barrier_id(%barrier3A_217)
    %mul3A_218 = arith.constant 640 : i32
    %mul3A_219 = arith.muli %arg1, %mul3A_218 : i32
    %mul3A_220 = arith.constant 640 : i32
    %mul3A_221 = arith.muli %arg1, %mul3A_220 : i32
    %add3A_222 = arith.addi %mul3A_76, %mul3A_221 : i32
    "tpu.region"() ({
      %run_scoped3A = tpu.sem_alloc : memref<!tpu.dma_semaphore, #tpu.memory_space<semaphore_mem>>
      %dma_start3A_223 = arith.constant 0 : i32
      %dma_start3A_224 = tpu.memref_slice %arg6[%add3A_222, %dma_start3A_223] : memref<20480x128xf32, #tpu.memory_space<hbm>> -> memref<640x128xf32, #tpu.memory_space<hbm>>
      %dma_start3A_225 = arith.constant 0 : i32
      %dma_start3A_226 = tpu.memref_slice %arg17[%mul3A_219, %dma_start3A_225] : memref<10240x128xf32, #tpu.memory_space<vmem_shared>> -> memref<640x128xf32, #tpu.memory_space<vmem_shared>>
      tpu.enqueue_dma source(%dma_start3A_226 : memref<640x128xf32, #tpu.memory_space<vmem_shared>>) target(%dma_start3A_224 : memref<640x128xf32, #tpu.memory_space<hbm>>) target_semaphore(%run_scoped3A : memref<!tpu.dma_semaphore, #tpu.memory_space<semaphore_mem>>)
      %dma_wait3A_227 = arith.constant 0 : i32
      %dma_wait3A_228 = tpu.memref_slice %arg6[%add3A_222, %dma_wait3A_227] : memref<20480x128xf32, #tpu.memory_space<hbm>> -> memref<640x128xf32, #tpu.memory_space<hbm>>
      %dma_wait3A_229 = arith.constant 0 : i32
      %dma_wait3A_230 = tpu.memref_slice %arg17[%mul3A_219, %dma_wait3A_229] : memref<10240x128xf32, #tpu.memory_space<vmem_shared>> -> memref<640x128xf32, #tpu.memory_space<vmem_shared>>
      tpu.wait_dma2 semaphore(%run_scoped3A : memref<!tpu.dma_semaphore, #tpu.memory_space<semaphore_mem>>) src(%dma_wait3A_230 : memref<640x128xf32, #tpu.memory_space<vmem_shared>>) dst(%dma_wait3A_228 : memref<640x128xf32, #tpu.memory_space<hbm>>)
      tpu.yield
    }) : () -> ()
    "tpu.region"() ({
      %run_scoped3A = tpu.sem_alloc : memref<!tpu.dma_semaphore, #tpu.memory_space<semaphore_mem>>
      %dma_start3A_223 = arith.constant 0 : i32
      %dma_start3A_224 = tpu.memref_slice %arg7[%arg0, %arg1, %dma_start3A_223] : memref<2x16x10240xf32, #tpu.memory_space<hbm>> -> memref<1x1x10240xf32, #tpu.memory_space<hbm>>
      %dma_start3A_225 = tpu.memref_squeeze %dma_start3A_224 : memref<1x1x10240xf32, #tpu.memory_space<hbm>> -> memref<10240xf32, #tpu.memory_space<hbm>>
      %dma_start3A_226 = arith.constant 0 : i32
      %dma_start3A_227 = tpu.memref_slice %arg7[%arg0, %arg1, %dma_start3A_226] : memref<2x16x10240xf32, #tpu.memory_space<hbm>> -> memref<1x1x10240xf32, #tpu.memory_space<hbm>>
      %dma_start3A_228 = tpu.memref_squeeze %dma_start3A_227 : memref<1x1x10240xf32, #tpu.memory_space<hbm>> -> memref<10240xf32, #tpu.memory_space<hbm>>
      tpu.enqueue_dma source(%arg15 : memref<10240xf32, #tpu.memory_space<vmem>>) target(%dma_start3A_228 : memref<10240xf32, #tpu.memory_space<hbm>>) target_semaphore(%run_scoped3A : memref<!tpu.dma_semaphore, #tpu.memory_space<semaphore_mem>>)
      %dma_wait3A_229 = arith.constant 0 : i32
      %dma_wait3A_230 = tpu.memref_slice %arg7[%arg0, %arg1, %dma_wait3A_229] : memref<2x16x10240xf32, #tpu.memory_space<hbm>> -> memref<1x1x10240xf32, #tpu.memory_space<hbm>>
      %dma_wait3A_231 = tpu.memref_squeeze %dma_wait3A_230 : memref<1x1x10240xf32, #tpu.memory_space<hbm>> -> memref<10240xf32, #tpu.memory_space<hbm>>
      %dma_wait3A_232 = arith.constant 0 : i32
      %dma_wait3A_233 = tpu.memref_slice %arg7[%arg0, %arg1, %dma_wait3A_232] : memref<2x16x10240xf32, #tpu.memory_space<hbm>> -> memref<1x1x10240xf32, #tpu.memory_space<hbm>>
      %dma_wait3A_234 = tpu.memref_squeeze %dma_wait3A_233 : memref<1x1x10240xf32, #tpu.memory_space<hbm>> -> memref<10240xf32, #tpu.memory_space<hbm>>
      tpu.wait_dma2 semaphore(%run_scoped3A : memref<!tpu.dma_semaphore, #tpu.memory_space<semaphore_mem>>) src(%arg15 : memref<10240xf32, #tpu.memory_space<vmem>>) dst(%dma_wait3A_234 : memref<10240xf32, #tpu.memory_space<hbm>>)
      tpu.yield
    }) : () -> ()
    return
  }
}

module attributes {stable_mosaic.version = 14 : i64} {
  func.func @_lin_body(%arg0: i32, %arg1: memref<1280x256xf32, #tpu.memory_space<vmem>>, %arg2: memref<256x256xf32, #tpu.memory_space<vmem>>, %arg3: memref<2x128xf32, #tpu.memory_space<vmem>>, %arg4: memref<2x128xf32, #tpu.memory_space<vmem>>, %arg5: memref<2x1280x128xf32, #tpu.memory_space<vmem>>, %arg6: memref<2x1280xf32, #tpu.memory_space<vmem>>, %arg7: memref<2x1280xf32, #tpu.memory_space<vmem>>) attributes {dimension_semantics = [#tpu.dimension_semantics<arbitrary>], iteration_bounds = array<i64: 8>, scalar_prefetch = 0 : i64, scratch_operands = 0 : i64, tpu.core_type = #tpu.core_type<tc>, window_params = [{transform_indices = @transform_0, window_bounds = array<i64: 1280, 256>}, {pipeline_mode = #tpu.pipeline_mode<synchronous>, transform_indices = @transform_1, window_bounds = array<i64: 256, 256>}, {pipeline_mode = #tpu.pipeline_mode<synchronous>, transform_indices = @transform_2, window_bounds = array<i64: 2, 128>}, {pipeline_mode = #tpu.pipeline_mode<synchronous>, transform_indices = @transform_3, window_bounds = array<i64: 2, 128>}, {transform_indices = @transform_4, window_bounds = array<i64: 2, 1280, 128>}, {transform_indices = @transform_5, window_bounds = array<i64: 2, 1280>}, {transform_indices = @transform_6, window_bounds = array<i64: 2, 1280>}]} {
    %get3A = arith.constant 0 : index
    %get3A_0 = arith.constant 0 : index
    %get3A_1 = vector.load %arg1[%get3A, %get3A_0] : memref<1280x256xf32, #tpu.memory_space<vmem>>, vector<1280x256xf32>
    %get3A_2 = arith.constant 0 : index
    %get3A_3 = arith.constant 0 : index
    %get3A_4 = vector.load %arg2[%get3A_2, %get3A_3] : memref<256x256xf32, #tpu.memory_space<vmem>>, vector<256x128xf32>
    %dot_general3A = arith.constant dense<0.000000e+00> : vector<1280x128xf32>
    %dot_general3A_5 = tpu.matmul %get3A_1, %get3A_4, %dot_general3A {dimension_numbers = #tpu.dot_dimension_numbers<[1], [0], [0], [1], [0, 0, 1, 1], [], []>, precision = #tpu.contract_precision<fp32>, transpose_lhs_hint = false} : vector<1280x256xf32>, vector<256x128xf32>, vector<1280x128xf32> -> vector<1280x128xf32>
    %swap3A = arith.constant 0 : index
    %swap3A_6 = arith.constant 0 : index
    %swap3A_7 = arith.constant 0 : index
    %swap3A_8 = vector.load %arg5[%swap3A, %swap3A_6, %swap3A_7] : memref<2x1280x128xf32, #tpu.memory_space<vmem>>, vector<1x1280x128xf32>
    %swap3A_9 = vector.shape_cast %swap3A_8 : vector<1x1280x128xf32> to vector<1280x128xf32>
    %swap3A_10 = vector.shape_cast %dot_general3A_5 : vector<1280x128xf32> to vector<1x1280x128xf32>
    tpu.vector_store %arg5[%swap3A, %swap3A_6, %swap3A_7], %swap3A_10 {strides = array<i32>} : memref<2x1280x128xf32, #tpu.memory_space<vmem>>, vector<1x1280x128xf32>,
    %get3A_11 = arith.constant 0 : index
    %get3A_12 = arith.constant 0 : index
    %get3A_13 = vector.load %arg3[%get3A_11, %get3A_12] : memref<2x128xf32, #tpu.memory_space<vmem>>, vector<1x128xf32>
    %get3A_14 = vector.shape_cast %get3A_13 : vector<1x128xf32> to vector<128xf32>
    %broadcast_in_dim3A = vector.shape_cast %get3A_14 : vector<128xf32> to vector<1x128xf32>
    %mul3A = vector.broadcast %broadcast_in_dim3A : vector<1x128xf32> to vector<1280x128xf32>
    %mul3A_15 = arith.mulf %dot_general3A_5, %mul3A : vector<1280x128xf32>
    %reduce_sum3A = arith.constant dense<0.000000e+00> : vector<1280xf32>
    %reduce_sum3A_16 = vector.multi_reduction <add>, %mul3A_15, %reduce_sum3A [1] : vector<1280x128xf32> to vector<1280xf32>
    %swap3A_17 = arith.constant 0 : index
    %swap3A_18 = arith.constant 0 : index
    %swap3A_19 = vector.load %arg6[%swap3A_17, %swap3A_18] : memref<2x1280xf32, #tpu.memory_space<vmem>>, vector<1x1280xf32>
    %swap3A_20 = vector.shape_cast %swap3A_19 : vector<1x1280xf32> to vector<1280xf32>
    %swap3A_21 = vector.shape_cast %reduce_sum3A_16 : vector<1280xf32> to vector<1x1280xf32>
    tpu.vector_store %arg6[%swap3A_17, %swap3A_18], %swap3A_21 {strides = array<i32>} : memref<2x1280xf32, #tpu.memory_space<vmem>>, vector<1x1280xf32>,
    %get3A_22 = arith.constant 0 : index
    %get3A_23 = arith.constant 0 : index
    %get3A_24 = vector.load %arg4[%get3A_22, %get3A_23] : memref<2x128xf32, #tpu.memory_space<vmem>>, vector<1x128xf32>
    %get3A_25 = vector.shape_cast %get3A_24 : vector<1x128xf32> to vector<128xf32>
    %broadcast_in_dim3A_26 = vector.shape_cast %get3A_25 : vector<128xf32> to vector<1x128xf32>
    %mul3A_27 = vector.broadcast %broadcast_in_dim3A_26 : vector<1x128xf32> to vector<1280x128xf32>
    %mul3A_28 = arith.mulf %dot_general3A_5, %mul3A_27 : vector<1280x128xf32>
    %reduce_sum3A_29 = arith.constant dense<0.000000e+00> : vector<1280xf32>
    %reduce_sum3A_30 = vector.multi_reduction <add>, %mul3A_28, %reduce_sum3A_29 [1] : vector<1280x128xf32> to vector<1280xf32>
    %swap3A_31 = arith.constant 0 : index
    %swap3A_32 = arith.constant 0 : index
    %swap3A_33 = vector.load %arg7[%swap3A_31, %swap3A_32] : memref<2x1280xf32, #tpu.memory_space<vmem>>, vector<1x1280xf32>
    %swap3A_34 = vector.shape_cast %swap3A_33 : vector<1x1280xf32> to vector<1280xf32>
    %swap3A_35 = vector.shape_cast %reduce_sum3A_30 : vector<1280xf32> to vector<1x1280xf32>
    tpu.vector_store %arg7[%swap3A_31, %swap3A_32], %swap3A_35 {strides = array<i32>} : memref<2x1280xf32, #tpu.memory_space<vmem>>, vector<1x1280xf32>,
    %get3A_36 = arith.constant 0 : index
    %get3A_37 = arith.constant 128 : index
    %get3A_38 = vector.load %arg2[%get3A_36, %get3A_37] : memref<256x256xf32, #tpu.memory_space<vmem>>, vector<256x128xf32>
    %dot_general3A_39 = arith.constant dense<0.000000e+00> : vector<1280x128xf32>
    %dot_general3A_40 = tpu.matmul %get3A_1, %get3A_38, %dot_general3A_39 {dimension_numbers = #tpu.dot_dimension_numbers<[1], [0], [0], [1], [0, 0, 1, 1], [], []>, precision = #tpu.contract_precision<fp32>, transpose_lhs_hint = false} : vector<1280x256xf32>, vector<256x128xf32>, vector<1280x128xf32> -> vector<1280x128xf32>
    %swap3A_41 = arith.constant 1 : index
    %swap3A_42 = arith.constant 0 : index
    %swap3A_43 = arith.constant 0 : index
    %swap3A_44 = vector.load %arg5[%swap3A_41, %swap3A_42, %swap3A_43] : memref<2x1280x128xf32, #tpu.memory_space<vmem>>, vector<1x1280x128xf32>
    %swap3A_45 = vector.shape_cast %swap3A_44 : vector<1x1280x128xf32> to vector<1280x128xf32>
    %swap3A_46 = vector.shape_cast %dot_general3A_40 : vector<1280x128xf32> to vector<1x1280x128xf32>
    tpu.vector_store %arg5[%swap3A_41, %swap3A_42, %swap3A_43], %swap3A_46 {strides = array<i32>} : memref<2x1280x128xf32, #tpu.memory_space<vmem>>, vector<1x1280x128xf32>,
    %get3A_47 = arith.constant 1 : index
    %get3A_48 = arith.constant 0 : index
    %get3A_49 = vector.load %arg3[%get3A_47, %get3A_48] : memref<2x128xf32, #tpu.memory_space<vmem>>, vector<1x128xf32>
    %get3A_50 = vector.shape_cast %get3A_49 : vector<1x128xf32> to vector<128xf32>
    %broadcast_in_dim3A_51 = vector.shape_cast %get3A_50 : vector<128xf32> to vector<1x128xf32>
    %mul3A_52 = vector.broadcast %broadcast_in_dim3A_51 : vector<1x128xf32> to vector<1280x128xf32>
    %mul3A_53 = arith.mulf %dot_general3A_40, %mul3A_52 : vector<1280x128xf32>
    %reduce_sum3A_54 = arith.constant dense<0.000000e+00> : vector<1280xf32>
    %reduce_sum3A_55 = vector.multi_reduction <add>, %mul3A_53, %reduce_sum3A_54 [1] : vector<1280x128xf32> to vector<1280xf32>
    %swap3A_56 = arith.constant 1 : index
    %swap3A_57 = arith.constant 0 : index
    %swap3A_58 = vector.load %arg6[%swap3A_56, %swap3A_57] : memref<2x1280xf32, #tpu.memory_space<vmem>>, vector<1x1280xf32>
    %swap3A_59 = vector.shape_cast %swap3A_58 : vector<1x1280xf32> to vector<1280xf32>
    %swap3A_60 = vector.shape_cast %reduce_sum3A_55 : vector<1280xf32> to vector<1x1280xf32>
    tpu.vector_store %arg6[%swap3A_56, %swap3A_57], %swap3A_60 {strides = array<i32>} : memref<2x1280xf32, #tpu.memory_space<vmem>>, vector<1x1280xf32>,
    %get3A_61 = arith.constant 1 : index
    %get3A_62 = arith.constant 0 : index
    %get3A_63 = vector.load %arg4[%get3A_61, %get3A_62] : memref<2x128xf32, #tpu.memory_space<vmem>>, vector<1x128xf32>
    %get3A_64 = vector.shape_cast %get3A_63 : vector<1x128xf32> to vector<128xf32>
    %broadcast_in_dim3A_65 = vector.shape_cast %get3A_64 : vector<128xf32> to vector<1x128xf32>
    %mul3A_66 = vector.broadcast %broadcast_in_dim3A_65 : vector<1x128xf32> to vector<1280x128xf32>
    %mul3A_67 = arith.mulf %dot_general3A_40, %mul3A_66 : vector<1280x128xf32>
    %reduce_sum3A_68 = arith.constant dense<0.000000e+00> : vector<1280xf32>
    %reduce_sum3A_69 = vector.multi_reduction <add>, %mul3A_67, %reduce_sum3A_68 [1] : vector<1280x128xf32> to vector<1280xf32>
    %swap3A_70 = arith.constant 1 : index
    %swap3A_71 = arith.constant 0 : index
    %swap3A_72 = vector.load %arg7[%swap3A_70, %swap3A_71] : memref<2x1280xf32, #tpu.memory_space<vmem>>, vector<1x1280xf32>
    %swap3A_73 = vector.shape_cast %swap3A_72 : vector<1x1280xf32> to vector<1280xf32>
    %swap3A_74 = vector.shape_cast %reduce_sum3A_69 : vector<1280xf32> to vector<1x1280xf32>
    tpu.vector_store %arg7[%swap3A_70, %swap3A_71], %swap3A_74 {strides = array<i32>} : memref<2x1280xf32, #tpu.memory_space<vmem>>, vector<1x1280xf32>,
    return
  }
  func.func @transform_0(%arg0: i32) -> (i32, i32) {
    %c0_i32 = arith.constant 0 : i32
    %c0_i32_0 = arith.constant 0 : i32
    return %arg0, %c0_i32 : i32, i32
  }
  func.func @transform_1(%arg0: i32) -> (i32, i32) {
    %c0_i32 = arith.constant 0 : i32
    %c0_i32_0 = arith.constant 0 : i32
    %c0_i32_1 = arith.constant 0 : i32
    return %c0_i32, %c0_i32_0 : i32, i32
  }
  func.func @transform_2(%arg0: i32) -> (i32, i32) {
    %c0_i32 = arith.constant 0 : i32
    %c0_i32_0 = arith.constant 0 : i32
    %c0_i32_1 = arith.constant 0 : i32
    return %c0_i32, %c0_i32_0 : i32, i32
  }
  func.func @transform_3(%arg0: i32) -> (i32, i32) {
    %c0_i32 = arith.constant 0 : i32
    %c0_i32_0 = arith.constant 0 : i32
    %c0_i32_1 = arith.constant 0 : i32
    return %c0_i32, %c0_i32_0 : i32, i32
  }
  func.func @transform_4(%arg0: i32) -> (i32, i32, i32) {
    %c0_i32 = arith.constant 0 : i32
    %c0_i32_0 = arith.constant 0 : i32
    %c0_i32_1 = arith.constant 0 : i32
    return %c0_i32, %arg0, %c0_i32_0 : i32, i32, i32
  }
  func.func @transform_5(%arg0: i32) -> (i32, i32) {
    %c0_i32 = arith.constant 0 : i32
    %c0_i32_0 = arith.constant 0 : i32
    return %c0_i32, %arg0 : i32, i32
  }
  func.func @transform_6(%arg0: i32) -> (i32, i32) {
    %c0_i32 = arith.constant 0 : i32
    %c0_i32_0 = arith.constant 0 : i32
    return %c0_i32, %arg0 : i32, i32
  }
}

module attributes {stable_mosaic.version = 14 : i64} {
  func.func @_fin_body(%arg0: i32, %arg1: memref<2x1280x128xf32, #tpu.memory_space<vmem>>, %arg2: memref<2x16x1280xf32, #tpu.memory_space<vmem>>, %arg3: memref<2x1280x128xf32, #tpu.memory_space<vmem>>, %arg4: memref<2x1280xf32, #tpu.memory_space<vmem>>, %arg5: memref<2x1280xf32, #tpu.memory_space<vmem>>, %arg6: memref<256xf32, #tpu.memory_space<vmem>>, %arg7: memref<1280x256xf32, #tpu.memory_space<vmem>>) attributes {dimension_semantics = [#tpu.dimension_semantics<arbitrary>], iteration_bounds = array<i64: 8>, scalar_prefetch = 0 : i64, scratch_operands = 0 : i64, tpu.core_type = #tpu.core_type<tc>, window_params = [{transform_indices = @transform_0, window_bounds = array<i64: 2, 1280, 128>}, {transform_indices = @transform_1, window_bounds = array<i64: 2, 16, 1280>}, {transform_indices = @transform_2, window_bounds = array<i64: 2, 1280, 128>}, {transform_indices = @transform_3, window_bounds = array<i64: 2, 1280>}, {transform_indices = @transform_4, window_bounds = array<i64: 2, 1280>}, {pipeline_mode = #tpu.pipeline_mode<synchronous>, transform_indices = @transform_5, window_bounds = array<i64: 256>}, {transform_indices = @transform_6, window_bounds = array<i64: 1280, 256>}]} {
    %get3A = arith.constant 0 : index
    %get3A_0 = arith.constant 0 : index
    %get3A_1 = vector.load %arg4[%get3A, %get3A_0] : memref<2x1280xf32, #tpu.memory_space<vmem>>, vector<1x1280xf32>
    %get3A_2 = vector.shape_cast %get3A_1 : vector<1x1280xf32> to vector<1280xf32>
    %get3A_3 = arith.constant 0 : index
    %get3A_4 = arith.constant 0 : index
    %get3A_5 = vector.load %arg5[%get3A_3, %get3A_4] : memref<2x1280xf32, #tpu.memory_space<vmem>>, vector<1x1280xf32>
    %get3A_6 = vector.shape_cast %get3A_5 : vector<1x1280xf32> to vector<1280xf32>
    %add3A = arith.addf %get3A_2, %get3A_6 : vector<1280xf32>
    %mul3A = arith.constant 2.000000e-01 : f32
    %mul3A_7 = vector.broadcast %mul3A : f32 to vector<1280xf32>
    %mul3A_8 = arith.mulf %mul3A_7, %add3A : vector<1280xf32>
    %max3A = arith.maximumf %add3A, %mul3A_8 : vector<1280xf32>
    %exp3A = math.exp %max3A : vector<1280xf32>
    %get3A_9 = arith.constant 0 : index
    %get3A_10 = arith.constant 0 : index
    %get3A_11 = arith.constant 0 : index
    %get3A_12 = vector.load %arg3[%get3A_9, %get3A_10, %get3A_11] : memref<2x1280x128xf32, #tpu.memory_space<vmem>>, vector<1x1280x128xf32>
    %get3A_13 = vector.shape_cast %get3A_12 : vector<1x1280x128xf32> to vector<1280x128xf32>
    %get3A_14 = arith.constant 0 : index
    %get3A_15 = arith.constant 0 : index
    %get3A_16 = arith.constant 0 : index
    %get3A_17 = vector.load %arg1[%get3A_14, %get3A_15, %get3A_16] : memref<2x1280x128xf32, #tpu.memory_space<vmem>>, vector<1x1280x128xf32>
    %get3A_18 = vector.shape_cast %get3A_17 : vector<1x1280x128xf32> to vector<1280x128xf32>
    %get3A_19 = arith.constant 0 : index
    %get3A_20 = arith.constant 0 : index
    %get3A_21 = arith.constant 0 : index
    %get3A_22 = vector.load %arg2[%get3A_19, %get3A_20, %get3A_21] : memref<2x16x1280xf32, #tpu.memory_space<vmem>>, vector<1x16x1280xf32>
    %get3A_23 = vector.shape_cast %get3A_22 : vector<1x16x1280xf32> to vector<16x1280xf32>
    %reduce_sum3A = arith.constant dense<0.000000e+00> : vector<1280xf32>
    %reduce_sum3A_24 = vector.multi_reduction <add>, %get3A_23, %reduce_sum3A [0] : vector<16x1280xf32> to vector<1280xf32>
    %broadcast_in_dim3A = vector.shape_cast %exp3A : vector<1280xf32> to vector<1280x1xf32>
    %mul3A_25 = vector.broadcast %broadcast_in_dim3A : vector<1280x1xf32> to vector<1280x128xf32>
    %mul3A_26 = arith.mulf %mul3A_25, %get3A_13 : vector<1280x128xf32>
    %add3A_27 = arith.addf %get3A_18, %mul3A_26 : vector<1280x128xf32>
    %add3A_28 = arith.addf %reduce_sum3A_24, %exp3A : vector<1280xf32>
    %add3A_29 = arith.constant 1.000000e-16 : f32
    %add3A_30 = vector.broadcast %add3A_29 : f32 to vector<1280xf32>
    %add3A_31 = arith.addf %add3A_28, %add3A_30 : vector<1280xf32>
    %broadcast_in_dim3A_32 = vector.shape_cast %add3A_31 : vector<1280xf32> to vector<1280x1xf32>
    %div3A = vector.broadcast %broadcast_in_dim3A_32 : vector<1280x1xf32> to vector<1280x128xf32>
    %div3A_33 = arith.divf %add3A_27, %div3A : vector<1280x128xf32>
    %get3A_34 = arith.constant 0 : index
    %get3A_35 = vector.load %arg6[%get3A_34] : memref<256xf32, #tpu.memory_space<vmem>>, vector<128xf32>
    %broadcast_in_dim3A_36 = vector.shape_cast %get3A_35 : vector<128xf32> to vector<1x128xf32>
    %add3A_37 = vector.broadcast %broadcast_in_dim3A_36 : vector<1x128xf32> to vector<1280x128xf32>
    %add3A_38 = arith.addf %div3A_33, %add3A_37 : vector<1280x128xf32>
    %gt3A = arith.constant 0.000000e+00 : f32
    %gt3A_39 = vector.broadcast %gt3A : f32 to vector<1280x128xf32>
    %gt3A_40 = arith.cmpf ogt, %add3A_38, %gt3A_39 : vector<1280x128xf32>
    %exp3A_41 = math.exp %add3A_38 : vector<1280x128xf32>
    %sub3A = arith.constant 1.000000e+00 : f32
    %sub3A_42 = vector.broadcast %sub3A : f32 to vector<1280x128xf32>
    %sub3A_43 = arith.subf %exp3A_41, %sub3A_42 : vector<1280x128xf32>
    %select_n3A = arith.select %gt3A_40, %add3A_38, %sub3A_43 : vector<1280x128xi1>, vector<1280x128xf32>
    %swap3A = arith.constant 0 : index
    %swap3A_44 = arith.constant 0 : index
    %swap3A_45 = vector.load %arg7[%swap3A, %swap3A_44] : memref<1280x256xf32, #tpu.memory_space<vmem>>, vector<1280x128xf32>
    tpu.vector_store %arg7[%swap3A, %swap3A_44], %select_n3A {strides = array<i32>} : memref<1280x256xf32, #tpu.memory_space<vmem>>, vector<1280x128xf32>,
    %get3A_46 = arith.constant 1 : index
    %get3A_47 = arith.constant 0 : index
    %get3A_48 = vector.load %arg4[%get3A_46, %get3A_47] : memref<2x1280xf32, #tpu.memory_space<vmem>>, vector<1x1280xf32>
    %get3A_49 = vector.shape_cast %get3A_48 : vector<1x1280xf32> to vector<1280xf32>
    %get3A_50 = arith.constant 1 : index
    %get3A_51 = arith.constant 0 : index
    %get3A_52 = vector.load %arg5[%get3A_50, %get3A_51] : memref<2x1280xf32, #tpu.memory_space<vmem>>, vector<1x1280xf32>
    %get3A_53 = vector.shape_cast %get3A_52 : vector<1x1280xf32> to vector<1280xf32>
    %add3A_54 = arith.addf %get3A_49, %get3A_53 : vector<1280xf32>
    %mul3A_55 = arith.constant 2.000000e-01 : f32
    %mul3A_56 = vector.broadcast %mul3A_55 : f32 to vector<1280xf32>
    %mul3A_57 = arith.mulf %mul3A_56, %add3A_54 : vector<1280xf32>
    %max3A_58 = arith.maximumf %add3A_54, %mul3A_57 : vector<1280xf32>
    %exp3A_59 = math.exp %max3A_58 : vector<1280xf32>
    %get3A_60 = arith.constant 1 : index
    %get3A_61 = arith.constant 0 : index
    %get3A_62 = arith.constant 0 : index
    %get3A_63 = vector.load %arg3[%get3A_60, %get3A_61, %get3A_62] : memref<2x1280x128xf32, #tpu.memory_space<vmem>>, vector<1x1280x128xf32>
    %get3A_64 = vector.shape_cast %get3A_63 : vector<1x1280x128xf32> to vector<1280x128xf32>
    %get3A_65 = arith.constant 1 : index
    %get3A_66 = arith.constant 0 : index
    %get3A_67 = arith.constant 0 : index
    %get3A_68 = vector.load %arg1[%get3A_65, %get3A_66, %get3A_67] : memref<2x1280x128xf32, #tpu.memory_space<vmem>>, vector<1x1280x128xf32>
    %get3A_69 = vector.shape_cast %get3A_68 : vector<1x1280x128xf32> to vector<1280x128xf32>
    %get3A_70 = arith.constant 1 : index
    %get3A_71 = arith.constant 0 : index
    %get3A_72 = arith.constant 0 : index
    %get3A_73 = vector.load %arg2[%get3A_70, %get3A_71, %get3A_72] : memref<2x16x1280xf32, #tpu.memory_space<vmem>>, vector<1x16x1280xf32>
    %get3A_74 = vector.shape_cast %get3A_73 : vector<1x16x1280xf32> to vector<16x1280xf32>
    %reduce_sum3A_75 = arith.constant dense<0.000000e+00> : vector<1280xf32>
    %reduce_sum3A_76 = vector.multi_reduction <add>, %get3A_74, %reduce_sum3A_75 [0] : vector<16x1280xf32> to vector<1280xf32>
    %broadcast_in_dim3A_77 = vector.shape_cast %exp3A_59 : vector<1280xf32> to vector<1280x1xf32>
    %mul3A_78 = vector.broadcast %broadcast_in_dim3A_77 : vector<1280x1xf32> to vector<1280x128xf32>
    %mul3A_79 = arith.mulf %mul3A_78, %get3A_64 : vector<1280x128xf32>
    %add3A_80 = arith.addf %get3A_69, %mul3A_79 : vector<1280x128xf32>
    %add3A_81 = arith.addf %reduce_sum3A_76, %exp3A_59 : vector<1280xf32>
    %add3A_82 = arith.constant 1.000000e-16 : f32
    %add3A_83 = vector.broadcast %add3A_82 : f32 to vector<1280xf32>
    %add3A_84 = arith.addf %add3A_81, %add3A_83 : vector<1280xf32>
    %broadcast_in_dim3A_85 = vector.shape_cast %add3A_84 : vector<1280xf32> to vector<1280x1xf32>
    %div3A_86 = vector.broadcast %broadcast_in_dim3A_85 : vector<1280x1xf32> to vector<1280x128xf32>
    %div3A_87 = arith.divf %add3A_80, %div3A_86 : vector<1280x128xf32>
    %get3A_88 = arith.constant 128 : index
    %get3A_89 = vector.load %arg6[%get3A_88] : memref<256xf32, #tpu.memory_space<vmem>>, vector<128xf32>
    %broadcast_in_dim3A_90 = vector.shape_cast %get3A_89 : vector<128xf32> to vector<1x128xf32>
    %add3A_91 = vector.broadcast %broadcast_in_dim3A_90 : vector<1x128xf32> to vector<1280x128xf32>
    %add3A_92 = arith.addf %div3A_87, %add3A_91 : vector<1280x128xf32>
    %gt3A_93 = arith.constant 0.000000e+00 : f32
    %gt3A_94 = vector.broadcast %gt3A_93 : f32 to vector<1280x128xf32>
    %gt3A_95 = arith.cmpf ogt, %add3A_92, %gt3A_94 : vector<1280x128xf32>
    %exp3A_96 = math.exp %add3A_92 : vector<1280x128xf32>
    %sub3A_97 = arith.constant 1.000000e+00 : f32
    %sub3A_98 = vector.broadcast %sub3A_97 : f32 to vector<1280x128xf32>
    %sub3A_99 = arith.subf %exp3A_96, %sub3A_98 : vector<1280x128xf32>
    %select_n3A_100 = arith.select %gt3A_95, %add3A_92, %sub3A_99 : vector<1280x128xi1>, vector<1280x128xf32>
    %swap3A_101 = arith.constant 0 : index
    %swap3A_102 = arith.constant 128 : index
    %swap3A_103 = vector.load %arg7[%swap3A_101, %swap3A_102] : memref<1280x256xf32, #tpu.memory_space<vmem>>, vector<1280x128xf32>
    tpu.vector_store %arg7[%swap3A_101, %swap3A_102], %select_n3A_100 {strides = array<i32>} : memref<1280x256xf32, #tpu.memory_space<vmem>>, vector<1280x128xf32>,
    return
  }
  func.func @transform_0(%arg0: i32) -> (i32, i32, i32) {
    %c0_i32 = arith.constant 0 : i32
    %c0_i32_0 = arith.constant 0 : i32
    %c0_i32_1 = arith.constant 0 : i32
    return %c0_i32, %arg0, %c0_i32_0 : i32, i32, i32
  }
  func.func @transform_1(%arg0: i32) -> (i32, i32, i32) {
    %c0_i32 = arith.constant 0 : i32
    %c0_i32_0 = arith.constant 0 : i32
    %c0_i32_1 = arith.constant 0 : i32
    return %c0_i32, %c0_i32_0, %arg0 : i32, i32, i32
  }
  func.func @transform_2(%arg0: i32) -> (i32, i32, i32) {
    %c0_i32 = arith.constant 0 : i32
    %c0_i32_0 = arith.constant 0 : i32
    %c0_i32_1 = arith.constant 0 : i32
    return %c0_i32, %arg0, %c0_i32_0 : i32, i32, i32
  }
  func.func @transform_3(%arg0: i32) -> (i32, i32) {
    %c0_i32 = arith.constant 0 : i32
    %c0_i32_0 = arith.constant 0 : i32
    return %c0_i32, %arg0 : i32, i32
  }
  func.func @transform_4(%arg0: i32) -> (i32, i32) {
    %c0_i32 = arith.constant 0 : i32
    %c0_i32_0 = arith.constant 0 : i32
    return %c0_i32, %arg0 : i32, i32
  }
  func.func @transform_5(%arg0: i32) -> i32 {
    %c0_i32 = arith.constant 0 : i32
    %c0_i32_0 = arith.constant 0 : i32
    return %c0_i32 : i32
  }
  func.func @transform_6(%arg0: i32) -> (i32, i32) {
    %c0_i32 = arith.constant 0 : i32
    %c0_i32_0 = arith.constant 0 : i32
    return %arg0, %c0_i32 : i32, i32
  }
}

</mosaic_0001>

<sc_bundles>
// kernel: closed_call.12.cloned.1.call-start
scs
__scs_entry_jumppad:
0x0: {  	(pc) =	sbr.rel $0x88, $3  }
0x1: {  	(tag) =	ssettag $0x0;
	lr =	simm.s32 $0x1  }
0x2: {  	[smem:$0x3F97] =	sst lr;
	_ =	strace $0xD0000000  }
0x3: {  	_ = 	snop  }
0x4: {  	_ = 	snop  }
0x5: {  	_ = 	snop  }
0x6: {  	_ = 	snop  }
0x7: {  	_ = 	snop  }
__scs_overlays_trampoline_lowered:
0x8: {  	[smem:$0x3FA6] =	sst s0  }
0x9: {  	[smem:$0x3FA7] =	sst s1  }
0xa: {  	[smem:$0x3FA8] =	sst s2  }
0xb: {  	[smem:$0x3FA9] =	sst s3  }
0xc: {  	[smem:$0x3FAA] =	sst s4  }
0xd: {  	[smem:$0x3FAB] =	sst s5  }
0xe: {  	[smem:$0x3FAC] =	sst s6  }
0xf: {  	[smem:$0x3FAD] =	sst s7  }
0x10: {  	[smem:$0x3FAE] =	sst s8  }
0x11: {  	[smem:$0x3FAF] =	sst s9;
	s0 =	simm.s32 @!p0 $0x0  }
0x12: {  	s1 =	sld [smem:$0x3F95];
	s0 =	simm.s32 @p0 $0x1  }
0x13: {  	[smem:$0x3FB0] =	sst s0;
	s0 =	simm.s32 @!p1 $0x0  }
0x14: {  	s2 =	sld [smem:$0x3F94];
	s0 =	simm.s32 @p1 $0x1  }
0x15: {  	[smem:$0x3FB1] =	sst s0;
	s0 =	simm.s32 @!p2 $0x0  }
0x16: {  	s3 =	sld [smem:$0x3FDB];
	s0 =	simm.s32 @p2 $0x1  }
0x17: {  	s4 =	simm.s32 $0x1BF5;
	[smem:$0x3FB3] =	sst s0  }
0x18: {  	s0 =	sld [smem:$0x3F96];
	_ =	swait.ge [sflag:s4], $0x0  }
0x19: {  	s7 =	sld [smem:$0x3F97]  }
0x1a: {  	s8 =	sadd.s32 $0xFFFFE003, lr  }
0x1b: {  	s9 =	sadd.s32 $0xFFFFFEF7, lr;
	s5 =	simm.s32 $0xFFFFFFFF;
	p2 =	slt.u32 s8, $0xFFFFF086  }
0x1c: {  	p1 =	slt.u32 s9, $0xF7A;
	s5 =	simm.s32 @!p2 $0x0  }
0x1d: {  	s5 =	simm.s32 @p1 $0x1;
	p0 =	seq.s32 s7, s2  }
0x1e: {  	s7 =	smul.u32 @!p0 $0xF7A, s2;
	p2 =	seq.s32 @!p0 s5, $0x0  }
0x1f: {  	s9 =	smul.u32 $0xF7A, s1;
	s8 =	simm.s32 @!p0 $0x1BF5;
	p2 =	por !p2, p0  }
0x20: {  	[sflag:s8] =	ssyncset.s32 @!p0 $0xFFFFF086;
	s6 =	sadd.s32 @!p0 s3, s7;
	s7 =	simm.s32 @!p0 $0x108  }
0x21: {  	s3 =	sadd.s32 s3, s9;
	s6 =	sadd.s32 @!p0 $0x88, s6;
	s7 =	simm.s32 @p2 $0x1082  }
0x22: {  	[simem:s7], [sflag:s8] =	dma.local @!p0 [hbm:s6], $0xF7A  }
0x23: {  	s9 =	sor.u32 $0xD0000000, s2;
	s6 =	simm.s32 $0x108;
	_ =	swait.ge @!p0 [sflag:s8], $0x0  }
0x24: {  	s3 =	sadd.s32 $0x88, s3;
	s6 =	simm.s32 @!p1 $0x1082;
	[sflag:s4] =	ssyncset.s32 $0xFFFFF086  }
0x25: {  	[simem:s6], [sflag:s4] =	dma.local [hbm:s3], $0xF7A  }
0x26: {  	[smem:$0x3F97] =	sst s1;
	(tag) =	ssettag s2;
	_ =	strace s9  }
0x27: {  	s1 =	sld [smem:$0x3FA7]  }
0x28: {  	s2 =	sld [smem:$0x3FA8]  }
0x29: {  	s4 =	sld [smem:$0x3FAA]  }
0x2a: {  	p0 =	seq.s32 s5, $0x0;
	s5 =	sld [smem:$0x3FAB]  }
0x2b: {  	s6 =	sld [smem:$0x3FAC]  }
0x2c: {  	s7 =	sld [smem:$0x3FAD]  }
0x2d: {  	s3 =	simm.s32 $0x108;
	s8 =	sld [smem:$0x3FAE]  }
0x2e: {  	s3 =	simm.s32 @!p0 $0x1082;
	s9 =	sld [smem:$0x3FAF]  }
0x2f: {  	lr =	sadd.s32 s0, s3;
	s0 =	sld [smem:$0x3FA6]  }
0x30: {  	s3 =	sld [smem:$0x3FA9]  }
0x31: {  	[smem:$0x3FB2] =	sst s10  }
0x32: {  	s10 =	sld [smem:$0x3FB0];
	_ =	sdelay $0x3  }
0x33: {  	p0 =	seq.s32 s10, $0x1;
	s10 =	sld [smem:$0x3FB2];
	_ =	sdelay $0x3  }
0x34: {  	[smem:$0x3FB2] =	sst s10  }
0x35: {  	s10 =	sld [smem:$0x3FB1];
	_ =	sdelay $0x3  }
0x36: {  	p1 =	seq.s32 s10, $0x1;
	s10 =	sld [smem:$0x3FB2];
	_ =	sdelay $0x3  }
0x37: {  	[smem:$0x3FB2] =	sst s10  }
0x38: {  	s10 =	sld [smem:$0x3FB3]  }
0x39: {  	_ = 	snop;
	(pc) =	sbr.ind lr, $3  }
0x3a: {  	_ = 	snop  }
0x3b: {  	_ = 	snop  }
0x3c: {  	p2 =	seq.s32 s10, $0x1;
	s10 =	sld [smem:$0x3FB2]  }
0x3d: {  	_ =	shalt  }
0x3e: {  	_ =	shalt  }
0x3f: {  	_ =	shalt  }
0x40: {  	_ =	shalt  }
0x41: {  	_ =	shalt  }
0x42: {  	_ =	shalt  }
0x43: {  	_ =	shalt  }
0x44: {  	_ =	shalt  }
0x45: {  	_ =	shalt  }
0x46: {  	_ =	shalt  }
0x47: {  	_ =	shalt  }
0x48: {  	_ =	shalt  }
0x49: {  	_ =	shalt  }
0x4a: {  	_ =	shalt  }
0x4b: {  	_ =	shalt  }
0x4c: {  	_ =	shalt  }
0x4d: {  	_ =	shalt  }
0x4e: {  	_ =	shalt  }
0x4f: {  	_ =	shalt  }
0x50: {  	_ =	shalt  }
0x51: {  	_ =	shalt  }
0x52: {  	_ =	shalt  }
0x53: {  	_ =	shalt  }
0x54: {  	_ =	shalt  }
0x55: {  	_ =	shalt  }
0x56: {  	_ =	shalt  }
0x57: {  	_ =	shalt  }
0x58: {  	_ =	shalt  }
0x59: {  	_ =	shalt  }
0x5a: {  	_ =	shalt  }
0x5b: {  	_ =	shalt  }
0x5c: {  	_ =	shalt  }
0x5d: {  	_ =	shalt  }
0x5e: {  	_ =	shalt  }
0x5f: {  	_ =	shalt  }
0x60: {  	_ =	shalt  }
0x61: {  	_ =	shalt  }
0x62: {  	_ =	shalt  }
0x63: {  	_ =	shalt  }
0x64: {  	_ =	shalt  }
0x65: {  	_ =	shalt  }
0x66: {  	_ =	shalt  }
0x67: {  	_ =	shalt  }
0x68: {  	_ =	shalt  }
0x69: {  	_ =	shalt  }
0x6a: {  	_ =	shalt  }
0x6b: {  	_ =	shalt  }
0x6c: {  	_ =	shalt  }
0x6d: {  	_ =	shalt  }
0x6e: {  	_ =	shalt  }
0x6f: {  	_ =	shalt  }
0x70: {  	_ =	shalt  }
0x71: {  	_ =	shalt  }
0x72: {  	_ =	shalt  }
0x73: {  	_ =	shalt  }
0x74: {  	_ =	shalt  }
0x75: {  	_ =	shalt  }
0x76: {  	_ =	shalt  }
0x77: {  	_ =	shalt  }
0x78: {  	_ =	shalt  }
0x79: {  	_ =	shalt  }
0x7a: {  	_ =	shalt  }
0x7b: {  	_ =	shalt  }
0x7c: {  	_ =	shalt  }
0x7d: {  	_ =	shalt  }
0x7e: {  	_ =	shalt  }
0x7f: {  	_ =	shalt  }
0x80: {  	_ =	shalt  }
0x81: {  	_ =	shalt  }
0x82: {  	_ =	shalt  }
0x83: {  	_ =	shalt  }
0x84: {  	_ =	shalt  }
0x85: {  	_ =	shalt  }
0x86: {  	_ =	shalt  }
0x87: {  	_ =	shalt  }
.Lfunc_end0:
.L_simem_size_0:
called_computation_lowered:
.L_overlay_start_0:
0x88: {  	s2 =	sld [smem:$0x3FD9]  }
0x89: {  	s3 =	sld [smem:$0x3FFE];
	_ =	sdelay $0x1  }
0x8a: {  	s1 =	srdreg.scid  }
0x8b: {  	s0 =	sand.u32 $0x1, s1  }
0x8c: {  	s17 =	sshll.u32 s0, $0xA;
	s2 =	sadd.s32 s3, s2  }
0x8d: {  	s2 =	sadd.s32 s2, s17  }
0x8e: {  	[smem:$0x3FBE] =	sst s2  }
0x8f: {  	_ = 	snop  }
0x90: {  	s2 =	sld [smem:$0x3FD0];
	(tm) =	ssettm $0x1  }
0x91: {  	s18 =	sld [smem:$0x3FFB];
	_ =	sdelay $0x3  }
0x92: {  	_ =	strace s18  }
0x93: {  	s3 =	sld [smem:$0x3FFC];
	_ =	sdelay $0x3  }
0x94: {  	_ =	strace s3  }
0x95: {  	s3 =	sld [smem:$0x3FFD];
	_ =	sdelay $0x3  }
0x96: {  	_ =	strace s3  }
0x97: {  	_ =	strace $0x8FFFFFFF  }
0x98: {  	s19 =	sld [smem:$0x3FDB];
	_ =	sdelay $0x1  }
0x99: {  	s4 =	simm.s32 $_scs_section_size  }
0x9a: {  	s5 =	simm.s32 $_size__tile_overlayer_lowered;
	s6 =	simm.s32 $_tile_overlayer_lowered  }
0x9b: {  	s22 =	simm.s32 $0x1BFF;
	s21 =	sshll.u32 s6, $0x1;
	s3 =	sadd.s32 s4, s19  }
0x9c: {  	s7 =	simm.s32 $0x0;
	s20 =	sshll.u32 s5, $0x1;
	s5 =	sadd.s32 s21, s3  }
0x9d: {  	[timem:s7], [sflag:s22] =	dma.local [hbm:s5], s20  }
0x9e: {  	_ =	swait.ge [sflag:s22], s20  }
0x9f: {  	s4 =	ssub.s32 $0x0, s20;
	[sflag:s22] =	ssyncset.done $0x0  }
0xa0: {  	[sflag:s22] =	ssyncadd.s32 s4;
	_ =	sdelay $0x1  }
0xa1: {  	s23 =	simm.s32 $0x1B8B  }
0xa2: {  	_ =	swait.ge [sflag:s23], $0x1  }
0xa3: {  	[sflag:s23] =	ssyncset.done $0x0  }
0xa4: {  	s25 =	simm.s32 $0x1B8E;
	s24 =	sld [smem:$0x3FFE];
	[sflag:s23] =	ssyncadd.s32 $0xFFFFFFFF  }
0xa5: {  	s26 =	simm.s32 $execute0_lowered;
	[smem:$0x3FD2] =	sst s25  }
0xa6: {  	s5 =	sshll.u32 s26, $0x1;
	_ =	strace $0x80000046;
	[dreg:$0x1] =	wrdreg $0xFFFFFFFF  }
0xa7: {  	s28 =	simm.s32 $_size_execute0_lowered;
	s3 =	sadd.s32 s3, s5;
	[dreg:$0x0] =	wrdreg $0x0  }
0xa8: {  	s5 =	sshll.u32 s28, $0x1;
	[dreg:$0x2] =	wrdreg s3  }
0xa9: {  	[dreg:$0x3] =	wrdreg s5  }
0xaa: {  	[dreg:$0x4] =	wrdreg $0xC0  }
0xab: {  	_ =	task [dreg:s7], $0x5FFFF  }
0xac: {  	[dreg:$0x1] =	wrdreg $0xFFFFFFFF  }
0xad: {  	[dreg:$0x0] =	wrdreg $0x60  }
0xae: {  	[dreg:$0x2] =	wrdreg s24  }
0xaf: {  	[dreg:$0x3] =	wrdreg s2  }
0xb0: {  	[dreg:$0x4] =	wrdreg $0xBD000  }
0xb1: {  	[dreg:$0x5] =	wrdreg $0x9  }
0xb2: {  	_ =	task.clear_ibuf [dreg:s7], $0x6FFFF;
	_ =	strace $0x90000046  }
0xb3: {  	s29 =	simm.s32 $0x9;
	_ =	strace $0x80000048  }
0xb4: {  	_ =	swait.ge [sflag:s29], $0x1  }
0xb5: {  	[sflag:s29] =	ssyncadd.s32 $0xFFFFFFFF  }
0xb6: {  	_ =	strace $0x90000048  }
0xb7: {  	_ =	sfence  }
0xb8: {  	s30 =	sld [smem:$0x0];
	_ =	sdelay $0x2  }
0xb9: {  	s31 =	sshll.u32 s1, $0xD;
	s1 =	sshrl.u32 s1, $0x2  }
0xba: {  	s3 =	sand.u32 $0x4000, s31;
	s1 =	sadd.s32 s1, s30  }
0xbb: {  	s0 =	sor.u32 s3, s0;
	s1 =	sshll.u32 s1, $0x11  }
0xbc: {  	s0 =	sor.u32 s1, s0  }
0xbd: {  	s0 =	sadd.s32 $0x8F2B, s0  }
0xbe: {  	[sflag:s0] =	ssyncadd.remote.s32 $0x1  }
0xbf: {  	_ =	sfence.sel $0xFFFF  }
0xc0: {  	[dreg:$0x0] =	wrdreg $0xFFFFFFFF;
	(pc) =	sbr.abs _section_cstart, $3  }
0xc1: {  	[dreg:$0x1] =	wrdreg $0xFFFFFFFF  }
0xc2: {  	_ =	task.clear_ibuf [dreg:s7], $0x2FFFF;
	_ =	strace $0x9FFFFFFF  }
0xc3: {  	(tm) =	ssettm $0x7FFFFFFF  }
tec
execute0_lowered:
.L_overlay_start_1:
0x0: {  	(tag) =	ssettag $0x1  }
0x1: {  	s0 =	rddreg [dreg:$0x0]  }
0x2: {  	s2 =	rddreg [dreg:$0x1];
	s1 =	srdreg.scid  }
0x3: {  	s3 =	rddreg [dreg:$0x2];
	s12 =	stileid.u32;
	s4 =	simm.s32 $0x0  }
0x4: {  	s28 =	simm.s32 $0x80;
	s30 =	simm.s32 $0x7;
	s6 =	smul.u32 $0x280, s12  }
0x5: {  	s31 =	simm.s32 $0x2800;
	s1 =	sand.u32 $0x1, s1;
	s18 =	smul.u32 $0x50000, s12  }
0x6: {  	s29 =	simm.s32 $0x4;
	[smem:$0x7FF] =	sst s4;
	s7 =	smul.u32 $0x2800, s1  }
0x7: {  	s5 =	sshrl.u32 s12, $0x3;
	s11 =	sshll.u32 s12, $0x7;
	s8 =	smul.u32 $0x28000, s1  }
0x8: {  	s24 =	sshll.u32 s12, $0xD;
	_ =	strace $0x80000047;
	s9 =	smul.u32 $0x14000, s5  }
0x9: {  	s5 =	sadd.s32 $0x53000, s0;
	s10 =	sshll.u32 s1, $0x4;
	s22 =	sand.u32 $0x380, s11  }
0xa: {  	s1 =	ssub.s32 $0x2, s1;
	s26 =	sadd.s32 s24, s3;
	s11 =	simm.s32 $0x5300  }
0xb: {  	s10 =	sadd.s32 s10, s0;
	s13 =	sadd.s32 $0x40000, s26;
	[dreg:$0x5] =	wrdreg s26  }
0xc: {  	s23 =	sshrl.u32 s1, $0x1;
	s14 =	sadd.s32 $0x60000, s26;
	[dreg:$0x8] =	wrdreg s13  }
0xd: {  	s15 =	sadd.s32 $0x80000, s26;
	s16 =	sadd.s32 $0xA0000, s26;
	[dreg:$0x9] =	wrdreg s14  }
0xe: {  	s17 =	sadd.s32 $0xC0000, s26;
	s19 =	sadd.s32 $0x100000, s26;
	[dreg:$0xa] =	wrdreg s15  }
0xf: {  	s21 =	sadd.s32 $0x120000, s26;
	s6 =	sadd.s32 s6, s7;
	[dreg:$0xb] =	wrdreg s16  }
0x10: {  	s8 =	sadd.s32 s8, s9;
	s1 =	ssub.s32 s1, s23;
	[dreg:$0xc] =	wrdreg s17  }
0x11: {  	s25 =	sadd.s32 $0xA3000, s10;
	s9 =	sadd.s32 $0xA3A00, s10;
	[dreg:$0xe] =	wrdreg s19  }
0x12: {  	s10 =	sadd.s32 $0x20000, s26;
	s13 =	smul.u32 $0xA000, s12;
	[dreg:$0xf] =	wrdreg s21  }
0x13: {  	s12 =	simm.s32 $0x5380;
	s14 =	simm.s32 $0x9D00;
	s15 =	simm.s32 $0x1  }
0x14: {  	s16 =	simm.s32 $0x5280;
	s17 =	simm.s32 $0x5;
	[dreg:$0x4] =	wrdreg s25  }
0x15: {  	s6 =	sshll.u32 s6, $0x4;
	s8 =	sor.u32 s22, s8;
	[dreg:$0x6] =	wrdreg s9  }
0x16: {  	[dreg:$0x7] =	wrdreg s10;
	s9 =	sadd.s32 $0xE0000, s26;
	s23 =	smax.u32 s1, $0x1  }
0x17: {  	s10 =	simm.s32 $0x40;
	s1 =	simm.s32 $0x5200;
	s6 =	sadd.s32 s6, s0  }
0x18: {  	s8 =	sshrl.u32 s8, $0x3;
	[dreg:$0xd] =	wrdreg s9;
	s20 =	sshrl.u32 s13, $0x3  }
0x19: {  	[dreg:$0x14] =	wrdreg s23;
	s23 =	simm.s32 $0x5080;
	s0 =	sadd.s32 s8, s0  }
0x1a: {  	s9 =	sadd.s32 s2, s20;
	s8 =	sshrl.u32 s18, $0x2;
	s6 =	sadd.s32 $0xA4400, s6  }
0x1b: {  	s18 =	simm.s32 $0x6;
	s20 =	simm.s32 $0x0;
	[dreg:$0x12] =	wrdreg s6  }
0x1c: {  	s22 =	sadd.s32 $0x10, s9;
	s8 =	sadd.s32 s8, s3;
	[dreg:$0x10] =	wrdreg s9  }
.Ltmp0:
0x1d: {  	s0 =	sadd.s32 $0xF4400, s0;
	[dreg:$0x11] =	wrdreg s22;
	(pc) =	sbr.rel .LBB2_1-.Ltmp0, $4  }
0x1e: {  	s25 =	sadd.s32 $0x20, s9;
	s26 =	sadd.s32 $0x30, s9;
	[dreg:$0x13] =	wrdreg s0  }
0x1f: {  	s9 =	simm.s32 $0x5500;
	s6 =	simm.s32 $0x2;
	[dreg:$0x16] =	wrdreg s25  }
0x20: {  	s24 =	sshrl.u32 s8, $0x3;
	[dreg:$0x17] =	wrdreg s26;
	s0 =	simm.s32 $0x7D00  }
0x21: {  	v1 =	vimm.f32 $0.0e+00;
	v0 =	vmov s7;
	s22 =	simm.s32 $0x5000;
	s8 =	simm.s32 $0x3;
	[dreg:$0x15] =	wrdreg s24  }
.LBB2_26:
0x22: {  	_ =	swait.ge [sflag:s17], $0x2000  }
0x23: {  	[sflag:s17] =	ssyncset.done $0x0  }
0x24: {  	[sflag:s17] =	ssyncadd.s32 $0xFFFFE000  }
0x25: {  	_ =	swait.ge [sflag:s18], $0x2000  }
0x26: {  	[sflag:s18] =	ssyncset.done $0x0  }
0x27: {  	[sflag:s18] =	ssyncadd.s32 $0xFFFFE000  }
0x28: {  	s7 =	stileid.u32;
	[bflag:$0x0] =	sbarrier.arrive $0xFFFF  }
0x29: {  	s7 =	sshll.u32 s7, $0x6;
	s19 =	rddreg [dreg:$0x12]  }
0x2a: {  	s7 =	sor.u32 $0x1C07, s7;
	s21 =	rddreg [dreg:$0x15]  }
0x2b: {  	[hbm:s19], [sflag:s7] =	dma.local [spmem:s21], $0x2800  }
0x2c: {  	_ =	swait.ge [sflag:s30], $0x2800  }
0x2d: {  	[sflag:s30] =	ssyncset.done $0x0  }
0x2e: {  	s25 =	simm.s32 $0x400;
	s24 =	rddreg [dreg:$0x13];
	[sflag:s30] =	ssyncadd.s32 $0xFFFFD800  }
0x2f: {  	[hbm4b:s24+s28] =	stream.strided.scatter [tilespmem:s9], [sflag:$0x7], $0x2800, s25, s28, $0x38;
	[tilespmem:$0x1FD00] =	vst v63  }
0x30: {  	_ =	swait.ge [sflag:s30], $0x2800  }
0x31: {  	s20 =	sadd.s32 $0x1, s20;
	s26 =	rddreg [dreg:$0x14]  }
0x32: {  	p0 =	sne.s32 s20, s26  }
.Ltmp1:
0x33: {  	_ = 	snop;
	(pc) =	sbr.rel @!p0 .LBB2_27-.Ltmp1, $3  }
0x34: {  	_ =	sdelay $0x1  }
0x35: {  	[sflag:s30] =	ssyncset.done $0x0  }
0x36: {  	s22 =	simm.s32 $0x5000;
	s23 =	simm.s32 $0x5080;
	[sflag:s30] =	ssyncadd.s32 $0xFFFFD800  }
.LBB2_1:
0x37: {  	s7 =	rddreg [dreg:$0x4];
	s19 =	simm.s32 $0x100  }
0x38: {  	[tilespmem:s4], [sflag:$0x7] =	stream.strided.gather [hbm4b:s7+s28], $0x2800, s19, s28, $0x38;
	[tilespmem:$0x1FD00] =	vst v63  }
0x39: {  	_ =	swait.ge [sflag:s30], $0x2800  }
0x3a: {  	[sflag:s30] =	ssyncset.done $0x0  }
0x3b: {  	s26 =	rddreg [dreg:$0x6];
	[sflag:s30] =	ssyncadd.s32 $0xFFFFD800  }
0x3c: {  	[tilespmem:s31], [sflag:$0x7] =	stream.strided.gather [hbm4b:s26+s28], $0x2800, s19, s28, $0x38;
	[tilespmem:$0x1FD00] =	vst v63  }
0x3d: {  	_ =	swait.ge [sflag:s30], $0x2800  }
0x3e: {  	[sflag:s30] =	ssyncset.done $0x0  }
0x3f: {  	s7 =	simm.s32 $0x0;
	[sflag:s30] =	ssyncadd.s32 $0xFFFFD800  }
.LBB2_2:
0x40: {  	p0 =	sne.s32 s7, $0x9FC0  }
.Ltmp2:
0x41: {  	_ = 	snop;
	(pc) =	sbr.rel @p0 .LBB2_2-.Ltmp2, $3  }
0x42: {  	_ =	sdelay $0x1  }
0x43: {  	s19 =	sshra.s32 s7, $0x2  }
0x44: {  	s7 =	sadd.s32 $0x40, s7;
	[tilespmem:s19+$0x5500] =	vst v1  }
0x45: {  	s7 =	simm.s32 $0x0;
	s19 =	simm.s32 $0x200  }
.LBB2_4:
0x46: {  	p0 =	sne.s32 s19, $0x7E00;
	[tilespmem:s7+$0x7D70] =	vst v1  }
0x47: {  	[tilespmem:s7+$0x7D00] =	vst v1  }
0x48: {  	[tilespmem:s7+$0x7D10] =	vst v1  }
.Ltmp3:
0x49: {  	[tilespmem:s7+$0x7D20] =	vst v1;
	(pc) =	sbr.rel @p0 .LBB2_4-.Ltmp3, $4  }
0x4a: {  	[tilespmem:s7+$0x7D30] =	vst v1  }
0x4b: {  	[tilespmem:s7+$0x7D40] =	vst v1  }
0x4c: {  	[tilespmem:s7+$0x7D50] =	vst v1  }
0x4d: {  	[tilespmem:s7+$0x7D60] =	vst v1;
	s7 =	sshra.s32 s19, $0x2;
	s19 =	sadd.s32 $0x200, s19  }
0x4e: {  	[tilespmem:s7+$0x7D70] =	vst v1  }
0x4f: {  	[tilespmem:s7+$0x7D00] =	vst v1  }
0x50: {  	[tilespmem:s7+$0x7D10] =	vst v1  }
0x51: {  	[tilespmem:s7+$0x7D20] =	vst v1  }
0x52: {  	[tilespmem:s7+$0x7D30] =	vst v1  }
0x53: {  	[tilespmem:s7+$0x7D40] =	vst v1  }
0x54: {  	[tilespmem:s7+$0x7D50] =	vst v1  }
0x55: {  	[tilespmem:s7+$0x7D60] =	vst v1;
	s25 =	rddreg [dreg:$0x5]  }
0x56: {  	[spmem:s25] =	stream.linear.scatter [tilespmem:s0], [sflag:$0x7], $0x2000, $0x38;
	[tilespmem:$0x1FD00] =	vst v63  }
0x57: {  	_ =	swait.ge [sflag:s30], $0x2000  }
0x58: {  	[sflag:s30] =	ssyncset.done $0x0  }
0x59: {  	s26 =	rddreg [dreg:$0x7];
	[sflag:s30] =	ssyncadd.s32 $0xFFFFE000  }
0x5a: {  	[spmem:s26] =	stream.linear.scatter [tilespmem:s0], [sflag:$0x7], $0x2000, $0x38;
	[tilespmem:$0x1FD00] =	vst v63  }
0x5b: {  	_ =	swait.ge [sflag:s30], $0x2000  }
0x5c: {  	[sflag:s30] =	ssyncset.done $0x0  }
0x5d: {  	s19 =	rddreg [dreg:$0x8];
	[sflag:s30] =	ssyncadd.s32 $0xFFFFE000  }
0x5e: {  	[spmem:s19] =	stream.linear.scatter [tilespmem:s0], [sflag:$0x7], $0x2000, $0x38;
	[tilespmem:$0x1FD00] =	vst v63  }
0x5f: {  	_ =	swait.ge [sflag:s30], $0x2000  }
0x60: {  	[sflag:s30] =	ssyncset.done $0x0  }
0x61: {  	s21 =	rddreg [dreg:$0x9];
	[sflag:s30] =	ssyncadd.s32 $0xFFFFE000  }
0x62: {  	[spmem:s21] =	stream.linear.scatter [tilespmem:s0], [sflag:$0x7], $0x2000, $0x38;
	[tilespmem:$0x1FD00] =	vst v63  }
0x63: {  	_ =	swait.ge [sflag:s30], $0x2000  }
0x64: {  	[sflag:s30] =	ssyncset.done $0x0  }
0x65: {  	s24 =	rddreg [dreg:$0xa];
	[sflag:s30] =	ssyncadd.s32 $0xFFFFE000  }
0x66: {  	[spmem:s24] =	stream.linear.scatter [tilespmem:s0], [sflag:$0x7], $0x2000, $0x38;
	[tilespmem:$0x1FD00] =	vst v63  }
0x67: {  	_ =	swait.ge [sflag:s30], $0x2000  }
0x68: {  	[sflag:s30] =	ssyncset.done $0x0  }
0x69: {  	s25 =	rddreg [dreg:$0xb];
	[sflag:s30] =	ssyncadd.s32 $0xFFFFE000  }
0x6a: {  	[spmem:s25] =	stream.linear.scatter [tilespmem:s0], [sflag:$0x7], $0x2000, $0x38;
	[tilespmem:$0x1FD00] =	vst v63  }
0x6b: {  	_ =	swait.ge [sflag:s30], $0x2000  }
0x6c: {  	[sflag:s30] =	ssyncset.done $0x0  }
0x6d: {  	s26 =	rddreg [dreg:$0xc];
	[sflag:s30] =	ssyncadd.s32 $0xFFFFE000  }
0x6e: {  	[spmem:s26] =	stream.linear.scatter [tilespmem:s0], [sflag:$0x7], $0x2000, $0x38;
	[tilespmem:$0x1FD00] =	vst v63  }
0x6f: {  	_ =	swait.ge [sflag:s30], $0x2000  }
0x70: {  	[sflag:s30] =	ssyncset.done $0x0  }
0x71: {  	s19 =	rddreg [dreg:$0xd];
	[sflag:s30] =	ssyncadd.s32 $0xFFFFE000  }
0x72: {  	[spmem:s19] =	stream.linear.scatter [tilespmem:s0], [sflag:$0x7], $0x2000, $0x38;
	[tilespmem:$0x1FD00] =	vst v63  }
0x73: {  	_ =	swait.ge [sflag:s30], $0x2000  }
0x74: {  	[sflag:s30] =	ssyncset.done $0x0  }
0x75: {  	s21 =	rddreg [dreg:$0xe];
	[sflag:s30] =	ssyncadd.s32 $0xFFFFE000  }
0x76: {  	[spmem:s21] =	stream.linear.scatter [tilespmem:s0], [sflag:$0x7], $0x2000, $0x38;
	[tilespmem:$0x1FD00] =	vst v63  }
0x77: {  	_ =	swait.ge [sflag:s30], $0x2000  }
0x78: {  	[sflag:s30] =	ssyncset.done $0x0  }
0x79: {  	s24 =	rddreg [dreg:$0xf];
	[sflag:s30] =	ssyncadd.s32 $0xFFFFE000  }
0x7a: {  	[spmem:s24] =	stream.linear.scatter [tilespmem:s0], [sflag:$0x7], $0x2000, $0x38;
	[tilespmem:$0x1FD00] =	vst v63  }
0x7b: {  	_ =	swait.ge [sflag:s30], $0x2000  }
0x7c: {  	[sflag:s30] =	ssyncset.done $0x0  }
0x7d: {  	[sflag:s30] =	ssyncadd.s32 $0xFFFFE000  }
0x7e: {  	[bflag:$0x0] =	sbarrier.arrive $0xFFFF  }
0x7f: {  	s25 =	simm.s32 $0x0;
	s19 =	rddreg [dreg:$0x10]  }
0x80: {  	[tilespmem:s22], [sflag:$0x3] =	stream.linear.gather [hbm4b:s19+s25], $0x80, $0x38;
	[tilespmem:$0x1FD00] =	vst v63  }
0x81: {  	s26 =	rddreg [dreg:$0x11]  }
0x82: {  	[tilespmem:s23], [sflag:$0x4] =	stream.linear.gather [hbm4b:s26+s25], $0x80, $0x38;
	[tilespmem:$0x1FD00] =	vst v63  }
0x83: {  	_ =	swait.ge [sflag:s8], $0x80  }
0x84: {  	[sflag:s8] =	ssyncset.done $0x0  }
0x85: {  	s7 =	simm.s32 $0x0;
	[sflag:s8] =	ssyncadd.s32 $0xFFFFFF80  }
0x86: {  	v2 =	vld [tilespmem:s7+$0x5000];
	_ =	sdelay $0x4  }
0x87: {  	v3 =	vshrl.u32 v2, $0xE;
	v2 =	vand.u32 $0x3FFF, v2  }
0x88: {  	v3 =	vand.u32 $0x3FFF, v3;
	_ =	sdelay $0x1  }
0x89: {  	[tilespmem:s7+$0x5100] =	vst v2;
	v4 =	vadd.s32 v0, v3  }
0x8a: {  	[tilespmem:s7+$0x5300] =	vst v4  }
0x8b: {  	v4 =	vld.idx.msk [tilespmem:v2+s31+$0x0], $0xffff  }
0x8c: {  	v3 =	vld.idx.msk [tilespmem:v3+s4+$0x0], $0xffff;
	_ =	sdelay $0x4  }
0x8d: {  	s19 =	simm.s32 $0x10;
	v3 =	vadd.f32 v4, v3  }
0x8e: {  	s21 =	simm.s32 $0x80;
	v4 =	vld [tilespmem:s19+$0x5000]  }
.LBB2_6:
0x8f: {  	p0 =	sne.s32 s21, $0xC0;
	v5 =	vmul.f32 $2.000000030e-01, v3;
	_ =	sdelay $0x1  }
0x90: {  	v3 =	vmax.f32 v3, v5  }
0x91: {  	v3 =	vmul.f32 $1.442695020e+00, v3  }
0x92: {  	v5 =	vshrl.u32 v4, $0xE;
	v4 =	vand.u32 $0x3FFF, v4  }
0x93: {  	v5 =	vand.u32 $0x3FFF, v5;
	(erf) = vpow2.f32 v3;
	_ =	sdelay $0x1  }
0x94: {  	v3 =	vadd.s32 v0, v5;
	[tilespmem:s19+$0x5100] =	vst v4  }
0x95: {  	[tilespmem:s19+$0x5300] =	vst v3  }
0x96: {  	v3 =	vld.idx.msk [tilespmem:v4+s31+$0x0], $0xffff  }
0x97: {  	v5 =	vld.idx.msk [tilespmem:v5+s4+$0x0], $0xffff;
	_ =	sdelay $0x2  }
.Ltmp4:
0x98: {  	(pc) =	sbr.rel @p0 .LBB2_6-.Ltmp4, $4  }
0x99: {  	v6 =	vpop (erf)  }
0x9a: {  	[tilespmem:s7+$0x5400] =	vst v6;
	s7 =	smov.u32 s19  }
0x9b: {  	s19 =	sshra.s32 s21, $0x2;
	v3 =	vadd.f32 v3, v5;
	[tilespmem:v2+s9+$0x0] =	vst.idx.add.f32.msk $0xffff, v6;
	v2 =	vmov v4  }
0x9c: {  	s21 =	sadd.s32 $0x40, s21;
	v4 =	vld [tilespmem:s19+$0x5000]  }
0x9d: {  	_ =	sdelay $0x3  }
0x9e: {  	v5 =	vshrl.u32 v4, $0xE;
	v4 =	vand.u32 $0x3FFF, v4  }
0x9f: {  	v5 =	vand.u32 $0x3FFF, v5;
	_ =	sdelay $0x1  }
0xa0: {  	[tilespmem:s19+$0x5100] =	vst v4;
	v6 =	vadd.s32 v0, v5  }
0xa1: {  	[tilespmem:s19+$0x5300] =	vst v6  }
0xa2: {  	v6 =	vld.idx.msk [tilespmem:v4+s31+$0x0], $0xffff  }
0xa3: {  	v5 =	vld.idx.msk [tilespmem:v5+s4+$0x0], $0xffff;
	_ =	sdelay $0x4  }
0xa4: {  	v5 =	vadd.f32 v6, v5;
	v6 =	vmul.f32 $2.000000030e-01, v3;
	_ =	sdelay $0x1  }
0xa5: {  	v3 =	vmax.f32 v3, v6;
	v6 =	vmul.f32 $2.000000030e-01, v5  }
0xa6: {  	v3 =	vmul.f32 $1.442695020e+00, v3  }
0xa7: {  	v5 =	vmax.f32 v5, v6  }
0xa8: {  	(erf) = vpow2.f32 v3;
	v3 =	vmul.f32 $1.442695020e+00, v5;
	_ =	sdelay $0x1  }
0xa9: {  	(erf) = vpow2.f32 v3;
	_ =	sdelay $0x6  }
0xaa: {  	v3 =	vpop (erf)  }
0xab: {  	[tilespmem:s7+$0x5400] =	vst v3  }
0xac: {  	[tilespmem:v2+s9+$0x0] =	vst.idx.add.f32.msk $0xffff, v3;
	v2 =	vpop (erf)  }
0xad: {  	[tilespmem:s19+$0x5400] =	vst v2  }
0xae: {  	[tilespmem:v4+s9+$0x0] =	vst.idx.add.f32.msk $0xffff, v2  }
0xaf: {  	s26 =	simm.s32 $0x0;
	s19 =	rddreg [dreg:$0x16]  }
0xb0: {  	[tilespmem:s22], [sflag:$0x3] =	stream.linear.gather [hbm4b:s19+s26], $0x80, $0x38;
	[tilespmem:$0x1FD00] =	vst v63  }
0xb1: {  	_ = 	snop  }
0xb2: {  	[tilespmem:s0], [sflag:$0x1] =	stream.indirect.gather [hbm4b:s5+s10], $0x80, s11, s10, $0xb8;
	[tilespmem:$0x1FD00] =	vst v63  }
0xb3: {  	_ =	swait.ge [sflag:s29], $0x80  }
0xb4: {  	[sflag:s29] =	ssyncset.done $0x0  }
0xb5: {  	s7 =	simm.s32 $0x0;
	[sflag:s29] =	ssyncadd.s32 $0xFFFFFF80  }
0xb6: {  	v2 =	vld [tilespmem:s7+$0x5080];
	_ =	sdelay $0x4  }
0xb7: {  	v3 =	vshrl.u32 v2, $0xE;
	v2 =	vand.u32 $0x3FFF, v2  }
0xb8: {  	v3 =	vand.u32 $0x3FFF, v3;
	_ =	sdelay $0x1  }
0xb9: {  	[tilespmem:s7+$0x5180] =	vst v2;
	v4 =	vadd.s32 v0, v3  }
0xba: {  	[tilespmem:s7+$0x5380] =	vst v4  }
0xbb: {  	v4 =	vld.idx.msk [tilespmem:v2+s31+$0x0], $0xffff  }
0xbc: {  	v3 =	vld.idx.msk [tilespmem:v3+s4+$0x0], $0xffff;
	_ =	sdelay $0x4  }
0xbd: {  	s19 =	simm.s32 $0x10;
	v3 =	vadd.f32 v4, v3  }
0xbe: {  	s21 =	simm.s32 $0x80;
	v4 =	vld [tilespmem:s19+$0x5080]  }
.LBB2_8:
0xbf: {  	p0 =	sne.s32 s21, $0xC0;
	v5 =	vmul.f32 $2.000000030e-01, v3;
	_ =	sdelay $0x1  }
0xc0: {  	v3 =	vmax.f32 v3, v5  }
0xc1: {  	v3 =	vmul.f32 $1.442695020e+00, v3  }
0xc2: {  	v5 =	vshrl.u32 v4, $0xE;
	v4 =	vand.u32 $0x3FFF, v4  }
0xc3: {  	v5 =	vand.u32 $0x3FFF, v5;
	(erf) = vpow2.f32 v3;
	_ =	sdelay $0x1  }
0xc4: {  	v3 =	vadd.s32 v0, v5;
	[tilespmem:s19+$0x5180] =	vst v4  }
0xc5: {  	[tilespmem:s19+$0x5380] =	vst v3  }
0xc6: {  	v3 =	vld.idx.msk [tilespmem:v4+s31+$0x0], $0xffff  }
0xc7: {  	v5 =	vld.idx.msk [tilespmem:v5+s4+$0x0], $0xffff;
	_ =	sdelay $0x2  }
.Ltmp5:
0xc8: {  	(pc) =	sbr.rel @p0 .LBB2_8-.Ltmp5, $4  }
0xc9: {  	v6 =	vpop (erf)  }
0xca: {  	[tilespmem:s7+$0x5480] =	vst v6;
	s7 =	smov.u32 s19  }
0xcb: {  	s19 =	sshra.s32 s21, $0x2;
	v3 =	vadd.f32 v3, v5;
	[tilespmem:v2+s9+$0x0] =	vst.idx.add.f32.msk $0xffff, v6;
	v2 =	vmov v4  }
0xcc: {  	s21 =	sadd.s32 $0x40, s21;
	v4 =	vld [tilespmem:s19+$0x5080]  }
0xcd: {  	_ =	sdelay $0x3  }
0xce: {  	v5 =	vshrl.u32 v4, $0xE;
	v61 =	vand.u32 $0x3FFF, v4  }
0xcf: {  	v5 =	vand.u32 $0x3FFF, v5;
	_ =	sdelay $0x1  }
0xd0: {  	[tilespmem:s19+$0x5180] =	vst v61;
	v6 =	vadd.s32 v0, v5  }
0xd1: {  	[tilespmem:s19+$0x5380] =	vst v6  }
0xd2: {  	v6 =	vld.idx.msk [tilespmem:v61+s31+$0x0], $0xffff  }
0xd3: {  	v5 =	vld.idx.msk [tilespmem:v5+s4+$0x0], $0xffff;
	_ =	sdelay $0x4  }
0xd4: {  	v62 =	vmul.f32 $2.000000030e-01, v3;
	v5 =	vadd.f32 v6, v5;
	_ =	sdelay $0x1  }
0xd5: {  	v3 =	vmax.f32 v3, v62;
	v63 =	vmul.f32 $2.000000030e-01, v5  }
0xd6: {  	v3 =	vmul.f32 $1.442695020e+00, v3  }
0xd7: {  	v5 =	vmax.f32 v5, v63  }
0xd8: {  	(erf) = vpow2.f32 v3;
	v3 =	vmul.f32 $1.442695020e+00, v5;
	_ =	sdelay $0x1  }
0xd9: {  	(erf) = vpow2.f32 v3;
	_ =	sdelay $0x6  }
0xda: {  	v3 =	vpop (erf)  }
0xdb: {  	[tilespmem:s7+$0x5480] =	vst v3  }
0xdc: {  	[tilespmem:v2+s9+$0x0] =	vst.idx.add.f32.msk $0xffff, v3;
	v2 =	vpop (erf)  }
0xdd: {  	[tilespmem:s19+$0x5480] =	vst v2  }
0xde: {  	[tilespmem:v61+s9+$0x0] =	vst.idx.add.f32.msk $0xffff, v2  }
0xdf: {  	s21 =	simm.s32 $0x0;
	s7 =	rddreg [dreg:$0x17]  }
0xe0: {  	[tilespmem:s23], [sflag:$0x4] =	stream.linear.gather [hbm4b:s7+s21], $0x80, $0x38;
	[tilespmem:$0x1FD00] =	vst v63  }
0xe1: {  	_ = 	snop  }
0xe2: {  	[tilespmem:s14], [sflag:$0x2] =	stream.indirect.gather [hbm4b:s5+s10], $0x80, s12, s10, $0xb8;
	[tilespmem:$0x1FD00] =	vst v63  }
.LBB2_10:
0xe3: {  	_ =	swait.ge [sflag:s15], $0x2000  }
0xe4: {  	[sflag:s15] =	ssyncset.done $0x0  }
0xe5: {  	s22 =	simm.s32 $0x7E00;
	[sflag:s15] =	ssyncadd.s32 $0xFFFFE000  }
0xe6: {  	s7 =	simm.s32 $0x5402;
	v2 =	vld [tilespmem:s22+$0xFFFFFF00]  }
0xe7: {  	v3 =	vld.msk [tilespmem:s7+$0xFFFFFFFE ss:$0x0], $0xffff  }
0xe8: {  	v4 =	vld [tilespmem:s22+$0xFFFFFF10]  }
0xe9: {  	v5 =	vld [tilespmem:s22+$0xFFFFFF20]  }
0xea: {  	v6 =	vld [tilespmem:s22+$0xFFFFFF30];
	_ =	sdelay $0x1  }
0xeb: {  	v2 =	vmul.f32 v3, v2  }
0xec: {  	v4 =	vmul.f32 v4, v3  }
0xed: {  	[tilespmem:s22+$0xFFFFFF00] =	vst v2;
	v2 =	vmul.f32 v5, v3  }
0xee: {  	v7 =	vld [tilespmem:s22+$0x80];
	[tilespmem:s22+$0xFFFFFF10] =	vst v4;
	v4 =	vmul.f32 v6, v3  }
0xef: {  	[tilespmem:s22+$0xFFFFFF20] =	vst v2;
	v2 =	vld [tilespmem:s22+$0xFFFFFF40]  }
0xf0: {  	[tilespmem:s22+$0xFFFFFF30] =	vst v4;
	v4 =	vld [tilespmem:s22+$0xFFFFFF50]  }
0xf1: {  	v5 =	vld [tilespmem:s22+$0xFFFFFF60]  }
0xf2: {  	v6 =	vld [tilespmem:s22+$0xFFFFFF70]  }
0xf3: {  	v8 =	vld [tilespmem:s22+$0x90]  }
0xf4: {  	v9 =	vld [tilespmem:s22+$0xA0];
	v2 =	vmul.f32 v2, v3  }
0xf5: {  	v10 =	vld [tilespmem:s22+$0xB0];
	v4 =	vmul.f32 v4, v3  }
0xf6: {  	v11 =	vld [tilespmem:s22+$0xC0];
	[tilespmem:s22+$0xFFFFFF40] =	vst v2;
	v2 =	vmul.f32 v5, v3  }
0xf7: {  	v12 =	vld [tilespmem:s22+$0xFFFFFFC0];
	[tilespmem:s22+$0xFFFFFF50] =	vst v4;
	v3 =	vmul.f32 v6, v3  }
0xf8: {  	v13 =	vld [tilespmem:s22+$0xFFFFFFD0];
	[tilespmem:s22+$0xFFFFFF60] =	vst v2  }
0xf9: {  	[tilespmem:s22+$0xFFFFFF70] =	vst v3;
	v3 =	vld [tilespmem:s22+$0xFFFFFF80]  }
0xfa: {  	v2 =	vld.msk [tilespmem:s7+$0xFFFFFFFF ss:$0x0], $0xffff  }
0xfb: {  	v4 =	vld [tilespmem:s22+$0xFFFFFF90]  }
0xfc: {  	v5 =	vld [tilespmem:s22+$0xFFFFFFA0]  }
0xfd: {  	v6 =	vld [tilespmem:s22+$0xFFFFFFB0]  }
0xfe: {  	v14 =	vld [tilespmem:s22+$0xFFFFFFE0]  }
0xff: {  	v17 =	vld [tilespmem:s22+$0xD0];
	v3 =	vmul.f32 v2, v3  }
0x100: {  	v18 =	vld [tilespmem:s22+$0xE0];
	v4 =	vmul.f32 v4, v2  }
0x101: {  	v5 =	vmul.f32 v5, v2;
	[tilespmem:s22+$0xFFFFFF80] =	vst v3;
	v3 =	vld [tilespmem:s22+$0xFFFFFFF0]  }
0x102: {  	s24 =	simm.s32 $0x5406;
	v15 =	vld [tilespmem:s22+$0x20];
	[tilespmem:s22+$0xFFFFFF90] =	vst v4;
	v4 =	vmul.f32 v6, v2  }
0x103: {  	s23 =	simm.s32 $0x8000;
	[tilespmem:s22+$0xFFFFFFA0] =	vst v5;
	v5 =	vmul.f32 v12, v2;
	v12 =	vld.msk [tilespmem:s24+$0xFFFFFFFE ss:$0x0], $0xffff  }
0x104: {  	[tilespmem:s22+$0xFFFFFFB0] =	vst v4;
	v4 =	vmul.f32 v13, v2;
	v13 =	vld [tilespmem:s23+$0xFFFFFF10]  }
0x105: {  	v6 =	vld [tilespmem:s23+$0xFFFFFF00];
	[tilespmem:s22+$0xFFFFFFC0] =	vst v5;
	v5 =	vmul.f32 v14, v2  }
0x106: {  	[tilespmem:s22+$0xFFFFFFD0] =	vst v4;
	v4 =	vld [tilespmem:s23+$0xFFFFFF30];
	v2 =	vmul.f32 v3, v2  }
0x107: {  	[tilespmem:s22+$0xFFFFFFE0] =	vst v5;
	v3 =	vld [tilespmem:s23+$0xFFFFFF20]  }
0x108: {  	[tilespmem:s22+$0xFFFFFFF0] =	vst v2;
	v2 =	vld [tilespmem:s22+$0x0]  }
0x109: {  	v13 =	vmul.f32 v13, v12;
	v5 =	vld.msk [tilespmem:s7+$0x0 ss:$0x0], $0xffff  }
0x10a: {  	v14 =	vld [tilespmem:s22+$0x10]  }
0x10b: {  	v6 =	vmul.f32 v12, v6;
	[tilespmem:s23+$0xFFFFFF10] =	vst v13;
	v13 =	vld [tilespmem:s22+$0x50]  }
0x10c: {  	v16 =	vld [tilespmem:s22+$0x30];
	v4 =	vmul.f32 v4, v12  }
0x10d: {  	v20 =	vld [tilespmem:s23+$0xFFFFFFA0];
	[tilespmem:s23+$0xFFFFFF00] =	vst v6;
	v3 =	vmul.f32 v3, v12  }
0x10e: {  	v6 =	vld [tilespmem:s22+$0x40];
	[tilespmem:s23+$0xFFFFFF30] =	vst v4;
	v2 =	vmul.f32 v5, v2  }
0x10f: {  	[tilespmem:s23+$0xFFFFFF20] =	vst v3;
	v3 =	vld [tilespmem:s22+$0x60];
	v14 =	vmul.f32 v14, v5  }
0x110: {  	v4 =	vld [tilespmem:s22+$0x70];
	v13 =	vmul.f32 v13, v5;
	[tilespmem:s22+$0x0] =	vst v2  }
0x111: {  	v2 =	vmul.f32 v15, v5;
	v15 =	vld [tilespmem:s23+$0xFFFFFF40];
	[tilespmem:s22+$0x10] =	vst v14  }
0x112: {  	v14 =	vmul.f32 v16, v5;
	v16 =	vld [tilespmem:s23+$0xFFFFFF50];
	[tilespmem:s22+$0x50] =	vst v13  }
0x113: {  	[tilespmem:s22+$0x20] =	vst v2;
	v2 =	vmul.f32 v6, v5;
	v6 =	vld [tilespmem:s23+$0xFFFFFF60]  }
0x114: {  	[tilespmem:s22+$0x30] =	vst v14;
	v14 =	vld [tilespmem:s23+$0xFFFFFF70];
	v19 =	vmul.f32 v3, v5  }
0x115: {  	v21 =	vld [tilespmem:s23+$0xFFFFFFB0];
	v5 =	vmul.f32 v4, v5;
	[tilespmem:s22+$0x40] =	vst v2  }
0x116: {  	v22 =	vld [tilespmem:s23+$0xFFFFFFC0];
	[tilespmem:s22+$0x60] =	vst v19;
	v13 =	vmul.f32 v15, v12  }
0x117: {  	v3 =	vld [tilespmem:s23+$0x90];
	[tilespmem:s22+$0x70] =	vst v5;
	v15 =	vmul.f32 v16, v12  }
0x118: {  	v19 =	vld.msk [tilespmem:s7+$0x1 ss:$0x0], $0xffff;
	[tilespmem:s23+$0xFFFFFF40] =	vst v13;
	v5 =	vmul.f32 v6, v12  }
0x119: {  	v4 =	vld [tilespmem:s23+$0xA0];
	[tilespmem:s23+$0xFFFFFF50] =	vst v15;
	v6 =	vmul.f32 v14, v12  }
0x11a: {  	v13 =	vld [tilespmem:s22+$0xF0];
	[tilespmem:s23+$0xFFFFFF60] =	vst v5  }
0x11b: {  	v14 =	vld [tilespmem:s23+$0xFFFFFF80];
	[tilespmem:s23+$0xFFFFFF70] =	vst v6  }
0x11c: {  	v12 =	vld.msk [tilespmem:s24+$0xFFFFFFFF ss:$0x0], $0xffff  }
0x11d: {  	v16 =	vld [tilespmem:s23+$0xFFFFFF90];
	v7 =	vmul.f32 v19, v7  }
0x11e: {  	v2 =	vld [tilespmem:s23+$0x80];
	v8 =	vmul.f32 v8, v19  }
0x11f: {  	v15 =	vld [tilespmem:s23+$0xFFFFFFE0];
	v63 =	vmul.f32 v9, v19;
	[tilespmem:s22+$0x80] =	vst v7  }
0x120: {  	v5 =	vld [tilespmem:s23+$0xB0];
	v13 =	vmul.f32 v13, v19;
	[tilespmem:s22+$0x90] =	vst v8  }
0x121: {  	[tilespmem:s22+$0xA0] =	vst v63;
	v23 =	vmul.f32 v12, v14;
	v14 =	vld [tilespmem:s23+$0xFFFFFFD0]  }
0x122: {  	v6 =	vld [tilespmem:s23+$0xC0];
	v10 =	vmul.f32 v10, v19;
	[tilespmem:s22+$0xF0] =	vst v13;
	v13 =	vmul.f32 v16, v12  }
0x123: {  	v9 =	vmul.f32 v11, v19;
	v16 =	vld [tilespmem:s23+$0xFFFFFFF0];
	v20 =	vmul.f32 v20, v12;
	[tilespmem:s23+$0xFFFFFF80] =	vst v23  }
0x124: {  	v11 =	vmul.f32 v18, v19;
	v7 =	vld [tilespmem:s23+$0xD0];
	v18 =	vmul.f32 v21, v12;
	[tilespmem:s23+$0xFFFFFF90] =	vst v13  }
0x125: {  	s26 =	simm.s32 $0x4;
	s19 =	simm.s32 $0x8200;
	s25 =	simm.s32 $0x5406;
	v8 =	vld [tilespmem:s23+$0xE0];
	v13 =	vmul.f32 v17, v19;
	[tilespmem:s23+$0xFFFFFFA0] =	vst v20;
	v17 =	vmul.f32 v22, v12  }
.LBB2_11:
0x126: {  	v19 =	vld [tilespmem:s19+$0xFFFFFF00];
	[tilespmem:s23+$0xFFFFFFB0] =	vst v18;
	v14 =	vmul.f32 v14, v12;
	s24 =	sadd.s32 $0x4, s24  }
0x127: {  	v18 =	vld.msk [tilespmem:s24+$0xFFFFFFFE ss:$0x0], $0xffff;
	[tilespmem:s23+$0xFFFFFFC0] =	vst v17;
	v15 =	vmul.f32 v15, v12  }
0x128: {  	v17 =	vld [tilespmem:s19+$0xFFFFFF10];
	[tilespmem:s23+$0xFFFFFFD0] =	vst v14;
	v12 =	vmul.f32 v16, v12  }
0x129: {  	v14 =	vld [tilespmem:s19+$0xFFFFFF20];
	[tilespmem:s23+$0xFFFFFFE0] =	vst v15  }
0x12a: {  	v15 =	vld [tilespmem:s19+$0xFFFFFF30];
	[tilespmem:s23+$0xFFFFFFF0] =	vst v12  }
0x12b: {  	v12 =	vld.msk [tilespmem:s25+$0x0 ss:$0x0], $0xffff;
	[tilespmem:s22+$0xB0] =	vst v10  }
0x12c: {  	v10 =	vld [tilespmem:s23+$0x0];
	[tilespmem:s22+$0xC0] =	vst v9  }
0x12d: {  	v9 =	vmul.f32 v18, v19;
	v16 =	vld [tilespmem:s23+$0x10];
	[tilespmem:s22+$0xD0] =	vst v13  }
0x12e: {  	v13 =	vmul.f32 v17, v18;
	v17 =	vld [tilespmem:s23+$0x20];
	[tilespmem:s22+$0xE0] =	vst v11;
	s22 =	smov.u32 s23;
	s23 =	smov.u32 s19  }
0x12f: {  	[tilespmem:s19+$0xFFFFFF00] =	vst v9;
	v9 =	vmul.f32 v14, v18;
	v11 =	vld [tilespmem:s22+$0x30]  }
0x130: {  	[tilespmem:s19+$0xFFFFFF10] =	vst v13;
	v13 =	vmul.f32 v15, v18;
	v14 =	vld [tilespmem:s22+$0x40]  }
0x131: {  	[tilespmem:s19+$0xFFFFFF20] =	vst v9;
	v9 =	vmul.f32 v12, v10;
	v10 =	vld [tilespmem:s22+$0x50]  }
0x132: {  	[tilespmem:s19+$0xFFFFFF30] =	vst v13;
	v13 =	vmul.f32 v16, v12;
	v15 =	vld [tilespmem:s22+$0x60]  }
0x133: {  	[tilespmem:s22+$0x0] =	vst v9;
	v9 =	vmul.f32 v17, v12;
	v16 =	vld [tilespmem:s22+$0x70]  }
0x134: {  	v17 =	vld [tilespmem:s19+$0xFFFFFF40];
	[tilespmem:s22+$0x10] =	vst v13;
	v11 =	vmul.f32 v11, v12  }
0x135: {  	v13 =	vld [tilespmem:s19+$0xFFFFFF50];
	[tilespmem:s22+$0x20] =	vst v9;
	v9 =	vmul.f32 v14, v12  }
0x136: {  	v14 =	vld [tilespmem:s19+$0xFFFFFF60];
	[tilespmem:s22+$0x30] =	vst v11;
	v10 =	vmul.f32 v10, v12  }
0x137: {  	v11 =	vld [tilespmem:s19+$0xFFFFFF70];
	[tilespmem:s22+$0x40] =	vst v9;
	v9 =	vmul.f32 v15, v12  }
0x138: {  	v15 =	vld [tilespmem:s19+$0x80];
	[tilespmem:s22+$0x50] =	vst v10;
	v10 =	vmul.f32 v16, v12  }
0x139: {  	v12 =	vmul.f32 v17, v18;
	v16 =	vld [tilespmem:s19+$0x90];
	[tilespmem:s22+$0x60] =	vst v9  }
0x13a: {  	v9 =	vmul.f32 v13, v18;
	v13 =	vld [tilespmem:s19+$0xA0];
	[tilespmem:s22+$0x70] =	vst v10  }
0x13b: {  	[tilespmem:s19+$0xFFFFFF40] =	vst v12;
	v10 =	vmul.f32 v14, v18;
	v14 =	vld.msk [tilespmem:s25+$0x1 ss:$0x0], $0xffff;
	s25 =	smov.u32 s24  }
0x13c: {  	[tilespmem:s19+$0xFFFFFF50] =	vst v9;
	v9 =	vmul.f32 v11, v18;
	v11 =	vld [tilespmem:s22+$0xF0]  }
0x13d: {  	[tilespmem:s19+$0xFFFFFF60] =	vst v10;
	v17 =	vld [tilespmem:s19+$0xB0]  }
0x13e: {  	[tilespmem:s19+$0xFFFFFF70] =	vst v9;
	v18 =	vld [tilespmem:s19+$0xC0]  }
0x13f: {  	v12 =	vld.msk [tilespmem:s24+$0xFFFFFFFF ss:$0x0], $0xffff  }
0x140: {  	v19 =	vld [tilespmem:s19+$0xFFFFFF80]  }
0x141: {  	v21 =	vmul.f32 v14, v2;
	v2 =	vmov v15;
	v20 =	vld [tilespmem:s19+$0xFFFFFF90];
	v11 =	vmul.f32 v11, v14  }
0x142: {  	v15 =	vmul.f32 v3, v14;
	v23 =	vmul.f32 v4, v14;
	v3 =	vmovc v16;
	v4 =	vmov v13;
	v22 =	vld [tilespmem:s19+$0xFFFFFFA0]  }
0x143: {  	s26 =	sadd.s32 $0x4, s26;
	v10 =	vmul.f32 v5, v14;
	v9 =	vmul.f32 v6, v14;
	v5 =	vmovc v17;
	v24 =	vld [tilespmem:s19+$0xFFFFFFB0];
	[tilespmem:s22+$0xF0] =	vst v11;
	v6 =	vmov v18  }
0x144: {  	p0 =	slt.u32 s26, $0x3C;
	v13 =	vmul.f32 v7, v14;
	v11 =	vmul.f32 v8, v14;
	v17 =	vld [tilespmem:s19+$0xFFFFFFC0];
	[tilespmem:s22+$0x80] =	vst v21  }
.Ltmp6:
0x145: {  	v7 =	vmul.f32 v12, v19;
	v14 =	vld [tilespmem:s19+$0xFFFFFFD0];
	[tilespmem:s22+$0x90] =	vst v15;
	(pc) =	sbr.rel @p0 .LBB2_11-.Ltmp6, $4  }
0x146: {  	v8 =	vmul.f32 v20, v12;
	v15 =	vld [tilespmem:s19+$0xFFFFFFE0];
	[tilespmem:s22+$0xA0] =	vst v23  }
0x147: {  	[tilespmem:s19+$0xFFFFFF80] =	vst v7;
	v19 =	vmul.f32 v22, v12;
	v16 =	vld [tilespmem:s19+$0xFFFFFFF0]  }
0x148: {  	[tilespmem:s19+$0xFFFFFF90] =	vst v8;
	v18 =	vmul.f32 v24, v12;
	v7 =	vld [tilespmem:s19+$0xD0]  }
0x149: {  	s19 =	sadd.s32 $0x200, s19;
	[tilespmem:s23+$0xFFFFFFA0] =	vst v19;
	v17 =	vmul.f32 v17, v12;
	v8 =	vld [tilespmem:s23+$0xE0]  }
0x14a: {  	[tilespmem:s23+$0xFFFFFFB0] =	vst v18;
	v14 =	vmul.f32 v14, v12  }
0x14b: {  	[tilespmem:s23+$0xFFFFFFC0] =	vst v17;
	v15 =	vmul.f32 v15, v12  }
0x14c: {  	[tilespmem:s23+$0xFFFFFFD0] =	vst v14;
	v49 =	vmul.f32 v16, v12  }
0x14d: {  	[tilespmem:s23+$0xFFFFFFE0] =	vst v15  }
0x14e: {  	v50 =	vld [tilespmem:s23+$0x0];
	[tilespmem:s23+$0xFFFFFFF0] =	vst v49  }
0x14f: {  	v12 =	vld.msk [tilespmem:s25+$0x0 ss:$0x0], $0xffff  }
0x150: {  	v51 =	vld [tilespmem:s23+$0x10]  }
0x151: {  	v52 =	vld [tilespmem:s23+$0x20]  }
0x152: {  	v53 =	vld [tilespmem:s23+$0x30]  }
0x153: {  	v54 =	vld [tilespmem:s23+$0x40]  }
0x154: {  	v19 =	vld [tilespmem:s23+$0x50];
	v14 =	vmul.f32 v12, v50  }
0x155: {  	v20 =	vld [tilespmem:s23+$0x60];
	v15 =	vmul.f32 v51, v12  }
0x156: {  	v56 =	vld [tilespmem:s23+$0x70];
	v55 =	vmul.f32 v52, v12;
	[tilespmem:s23+$0x0] =	vst v14  }
0x157: {  	v57 =	vmul.f32 v53, v12;
	[tilespmem:s23+$0x10] =	vst v15  }
0x158: {  	v58 =	vmul.f32 v54, v12;
	[tilespmem:s23+$0x20] =	vst v55  }
0x159: {  	v59 =	vmul.f32 v19, v12;
	[tilespmem:s23+$0x30] =	vst v57  }
0x15a: {  	v60 =	vmul.f32 v20, v12;
	[tilespmem:s23+$0x40] =	vst v58  }
0x15b: {  	v12 =	vmul.f32 v56, v12;
	[tilespmem:s23+$0x50] =	vst v59  }
0x15c: {  	[tilespmem:s23+$0x60] =	vst v60  }
0x15d: {  	v61 =	vld [tilespmem:s23+$0xF0];
	[tilespmem:s23+$0x70] =	vst v12  }
0x15e: {  	v12 =	vld.msk [tilespmem:s25+$0x1 ss:$0x0], $0xffff;
	_ =	sdelay $0x2  }
0x15f: {  	[tilespmem:s22+$0xB0] =	vst v10  }
0x160: {  	[tilespmem:s22+$0xC0] =	vst v9  }
0x161: {  	[tilespmem:s22+$0xD0] =	vst v13;
	v62 =	vmul.f32 v61, v12  }
0x162: {  	[tilespmem:s22+$0xE0] =	vst v11;
	v2 =	vmul.f32 v12, v2  }
0x163: {  	v3 =	vmul.f32 v3, v12;
	[tilespmem:s23+$0xF0] =	vst v62  }
0x164: {  	v4 =	vmul.f32 v4, v12;
	[tilespmem:s23+$0x80] =	vst v2  }
0x165: {  	v63 =	vmul.f32 v7, v12;
	[tilespmem:s23+$0x90] =	vst v3  }
0x166: {  	p0 =	por $0x1, $0x1;
	v2 =	vmul.f32 v5, v12;
	[tilespmem:s23+$0xA0] =	vst v4  }
.Ltmp7:
0x167: {  	v3 =	vmul.f32 v6, v12;
	[tilespmem:s23+$0xD0] =	vst v63;
	(pc) =	sbr.rel @!p0 .LBB2_14-.Ltmp7, $4  }
0x168: {  	[tilespmem:s23+$0xB0] =	vst v2;
	v2 =	vmul.f32 v8, v12  }
0x169: {  	[tilespmem:s23+$0xC0] =	vst v3  }
0x16a: {  	s7 =	simm.s32 $0x0;
	[tilespmem:s23+$0xE0] =	vst v2  }
0x16b: {  	s19 =	simm.s32 $0x40;
	v2 =	vld [tilespmem:s7+$0x5100]  }
.LBB2_13:
0x16c: {  	p0 =	sne.s32 s19, $0xC0  }
.Ltmp8:
0x16d: {  	_ = 	snop;
	(pc) =	sbr.rel @p0 .LBB2_13-.Ltmp8, $3  }
0x16e: {  	_ =	sdelay $0x1  }
0x16f: {  	[tilespmem:s7+$0x5200] =	vst v2;
	s7 =	sshra.s32 s19, $0x2;
	s19 =	sadd.s32 $0x40, s19  }
0x170: {  	v2 =	vld [tilespmem:s7+$0x5100]  }
.LBB2_14:
0x171: {  	p0 =	seq.s32 s21, $0x9C  }
.Ltmp9:
0x172: {  	_ = 	snop;
	(pc) =	sbr.rel @p0 .LBB2_18-.Ltmp9, $3  }
0x173: {  	_ =	sdelay $0x1  }
0x174: {  	s22 =	sshll.u32 s21, $0x8;
	[tilespmem:s7+$0x5200] =	vst v2  }
0x175: {  	[spmem:s3] =	stream.indirect.scatter.add.f32 [tilespmem:s0], [sflag:$0x5], $0x80, s1, s10, $0xb8;
	[tilespmem:$0x1FD00] =	vst v63  }
0x176: {  	_ =	swait.ge [sflag:s8], $0x80  }
0x177: {  	[sflag:s8] =	ssyncset.done $0x0  }
0x178: {  	s7 =	simm.s32 $0x0;
	[sflag:s8] =	ssyncadd.s32 $0xFFFFFF80  }
0x179: {  	v2 =	vld [tilespmem:s7+$0x5000];
	_ =	sdelay $0x4  }
0x17a: {  	v3 =	vshrl.u32 v2, $0xE;
	v2 =	vand.u32 $0x3FFF, v2  }
0x17b: {  	v3 =	vand.u32 $0x3FFF, v3;
	_ =	sdelay $0x1  }
0x17c: {  	[tilespmem:s7+$0x5100] =	vst v2;
	v4 =	vadd.s32 v0, v3  }
0x17d: {  	[tilespmem:s7+$0x5300] =	vst v4  }
0x17e: {  	v4 =	vld.idx.msk [tilespmem:v2+s31+$0x0], $0xffff  }
0x17f: {  	v3 =	vld.idx.msk [tilespmem:v3+s4+$0x0], $0xffff;
	_ =	sdelay $0x4  }
0x180: {  	s19 =	simm.s32 $0x10;
	v3 =	vadd.f32 v4, v3  }
0x181: {  	s23 =	simm.s32 $0x80;
	v4 =	vld [tilespmem:s19+$0x5000]  }
.LBB2_16:
0x182: {  	p1 =	sne.s32 s23, $0xC0;
	v5 =	vmul.f32 $2.000000030e-01, v3;
	_ =	sdelay $0x1  }
0x183: {  	v3 =	vmax.f32 v3, v5  }
0x184: {  	v3 =	vmul.f32 $1.442695020e+00, v3  }
0x185: {  	v5 =	vshrl.u32 v4, $0xE;
	v4 =	vand.u32 $0x3FFF, v4  }
0x186: {  	v5 =	vand.u32 $0x3FFF, v5;
	(erf) = vpow2.f32 v3;
	_ =	sdelay $0x1  }
0x187: {  	v3 =	vadd.s32 v0, v5;
	[tilespmem:s19+$0x5100] =	vst v4  }
0x188: {  	[tilespmem:s19+$0x5300] =	vst v3  }
0x189: {  	v3 =	vld.idx.msk [tilespmem:v4+s31+$0x0], $0xffff  }
0x18a: {  	v5 =	vld.idx.msk [tilespmem:v5+s4+$0x0], $0xffff;
	_ =	sdelay $0x2  }
.Ltmp10:
0x18b: {  	(pc) =	sbr.rel @p1 .LBB2_16-.Ltmp10, $4  }
0x18c: {  	v6 =	vpop (erf)  }
0x18d: {  	[tilespmem:s7+$0x5400] =	vst v6;
	s7 =	smov.u32 s19  }
0x18e: {  	s19 =	sshra.s32 s23, $0x2;
	v3 =	vadd.f32 v3, v5;
	[tilespmem:v2+s9+$0x0] =	vst.idx.add.f32.msk $0xffff, v6;
	v2 =	vmov v4  }
0x18f: {  	s23 =	sadd.s32 $0x40, s23;
	v4 =	vld [tilespmem:s19+$0x5000]  }
0x190: {  	_ =	sdelay $0x3  }
0x191: {  	v5 =	vshrl.u32 v4, $0xE;
	v61 =	vand.u32 $0x3FFF, v4  }
0x192: {  	v5 =	vand.u32 $0x3FFF, v5;
	_ =	sdelay $0x1  }
0x193: {  	[tilespmem:s19+$0x5100] =	vst v61;
	v6 =	vadd.s32 v0, v5  }
0x194: {  	[tilespmem:s19+$0x5300] =	vst v6  }
0x195: {  	v6 =	vld.idx.msk [tilespmem:v61+s31+$0x0], $0xffff  }
0x196: {  	v5 =	vld.idx.msk [tilespmem:v5+s4+$0x0], $0xffff;
	_ =	sdelay $0x4  }
0x197: {  	v62 =	vmul.f32 $2.000000030e-01, v3;
	v5 =	vadd.f32 v6, v5;
	_ =	sdelay $0x1  }
0x198: {  	v3 =	vmax.f32 v3, v62;
	v63 =	vmul.f32 $2.000000030e-01, v5  }
0x199: {  	v3 =	vmul.f32 $1.442695020e+00, v3  }
0x19a: {  	v5 =	vmax.f32 v5, v63  }
0x19b: {  	(erf) = vpow2.f32 v3;
	v3 =	vmul.f32 $1.442695020e+00, v5;
	_ =	sdelay $0x1  }
0x19c: {  	(erf) = vpow2.f32 v3;
	_ =	sdelay $0x4  }
0x19d: {  	p1 =	sgt.u32 s21, $0x9A  }
0x19e: {  	s23 =	sadd.s32 @!p1 $0x200, s22  }
0x19f: {  	s24 =	sand.u32 @!p1 $0x1FC00, s23;
	v3 =	vpop (erf)  }
0x1a0: {  	s23 =	sand.u32 @!p1 $0x300, s23;
	[tilespmem:s7+$0x5400] =	vst v3;
	s7 =	sadd.s32 @!p1 s13, s24  }
0x1a1: {  	[tilespmem:v2+s9+$0x0] =	vst.idx.add.f32.msk $0xffff, v3;
	s7 =	sor.u32 @!p1 s23, s7;
	v2 =	vpop (erf)  }
0x1a2: {  	s7 =	sshrl.u32 @!p1 s7, $0x3;
	[tilespmem:s19+$0x5400] =	vst v2  }
0x1a3: {  	s23 =	simm.s32 @!p1 $0x5000;
	s7 =	sadd.s32 @!p1 s2, s7;
	s19 =	simm.s32 @!p1 $0x0;
	[tilespmem:v61+s9+$0x0] =	vst.idx.add.f32.msk $0xffff, v2  }
0x1a4: {  	[tilespmem:s23], [sflag:$0x3] =	stream.linear.gather @!p1 [hbm4b:s7+s19], $0x80, $0x38;
	[tilespmem:$0x1FD00] =	vst v63  }
0x1a5: {  	_ =	swait.ge [sflag:s17], $0x2000  }
0x1a6: {  	[sflag:s17] =	ssyncset.done $0x0  }
0x1a7: {  	[sflag:s17] =	ssyncadd.s32 $0xFFFFE000  }
0x1a8: {  	[tilespmem:s0], [sflag:$0x1] =	stream.indirect.gather [hbm4b:s5+s10], $0x80, s11, s10, $0xb8;
	[tilespmem:$0x1FD00] =	vst v63  }
.LBB2_18:
0x1a9: {  	_ =	swait.ge [sflag:s6], $0x2000  }
0x1aa: {  	[sflag:s6] =	ssyncset.done $0x0  }
0x1ab: {  	s23 =	simm.s32 $0x9EF0;
	[sflag:s6] =	ssyncadd.s32 $0xFFFFE000  }
0x1ac: {  	s7 =	simm.s32 $0x5483;
	v2 =	vld [tilespmem:s23+$0xFFFFFE10]  }
0x1ad: {  	v3 =	vld.msk [tilespmem:s7+$0xFFFFFFFD ss:$0x0], $0xffff  }
0x1ae: {  	v4 =	vld [tilespmem:s23+$0xFFFFFE20]  }
0x1af: {  	v5 =	vld [tilespmem:s23+$0xFFFFFE30]  }
0x1b0: {  	v6 =	vld [tilespmem:s23+$0xFFFFFE40];
	_ =	sdelay $0x1  }
0x1b1: {  	v2 =	vmul.f32 v3, v2  }
0x1b2: {  	v4 =	vmul.f32 v4, v3  }
0x1b3: {  	[tilespmem:s23+$0xFFFFFE10] =	vst v2;
	v2 =	vmul.f32 v5, v3  }
0x1b4: {  	v7 =	vld [tilespmem:s23+$0xFFFFFF90];
	[tilespmem:s23+$0xFFFFFE20] =	vst v4;
	v4 =	vmul.f32 v6, v3  }
0x1b5: {  	[tilespmem:s23+$0xFFFFFE30] =	vst v2;
	v2 =	vld [tilespmem:s23+$0xFFFFFE50]  }
0x1b6: {  	[tilespmem:s23+$0xFFFFFE40] =	vst v4;
	v4 =	vld [tilespmem:s23+$0xFFFFFE60]  }
0x1b7: {  	v5 =	vld [tilespmem:s23+$0xFFFFFE70]  }
0x1b8: {  	v6 =	vld [tilespmem:s23+$0xFFFFFE80]  }
0x1b9: {  	v8 =	vld [tilespmem:s23+$0xFFFFFFA0]  }
0x1ba: {  	v9 =	vld [tilespmem:s23+$0xFFFFFFB0];
	v2 =	vmul.f32 v2, v3  }
0x1bb: {  	v10 =	vld [tilespmem:s23+$0xFFFFFFC0];
	v4 =	vmul.f32 v4, v3  }
0x1bc: {  	v11 =	vld [tilespmem:s23+$0xFFFFFFD0];
	[tilespmem:s23+$0xFFFFFE50] =	vst v2;
	v2 =	vmul.f32 v5, v3  }
0x1bd: {  	v12 =	vld [tilespmem:s23+$0xFFFFFED0];
	[tilespmem:s23+$0xFFFFFE60] =	vst v4;
	v3 =	vmul.f32 v6, v3  }
0x1be: {  	v13 =	vld [tilespmem:s23+$0xFFFFFEE0];
	[tilespmem:s23+$0xFFFFFE70] =	vst v2  }
0x1bf: {  	[tilespmem:s23+$0xFFFFFE80] =	vst v3;
	v3 =	vld [tilespmem:s23+$0xFFFFFE90]  }
0x1c0: {  	v2 =	vld.msk [tilespmem:s7+$0xFFFFFFFE ss:$0x0], $0xffff  }
0x1c1: {  	v4 =	vld [tilespmem:s23+$0xFFFFFEA0]  }
0x1c2: {  	v5 =	vld [tilespmem:s23+$0xFFFFFEB0]  }
0x1c3: {  	v6 =	vld [tilespmem:s23+$0xFFFFFEC0]  }
0x1c4: {  	v14 =	vld [tilespmem:s23+$0xFFFFFEF0]  }
0x1c5: {  	v17 =	vld [tilespmem:s23+$0xFFFFFFE0];
	v3 =	vmul.f32 v2, v3  }
0x1c6: {  	v18 =	vld [tilespmem:s23+$0xFFFFFFF0];
	v4 =	vmul.f32 v4, v2  }
0x1c7: {  	v5 =	vmul.f32 v5, v2;
	[tilespmem:s23+$0xFFFFFE90] =	vst v3;
	v3 =	vld [tilespmem:s23+$0xFFFFFF00]  }
0x1c8: {  	s25 =	simm.s32 $0x5487;
	v15 =	vld [tilespmem:s23+$0xFFFFFF30];
	[tilespmem:s23+$0xFFFFFEA0] =	vst v4;
	v4 =	vmul.f32 v6, v2  }
0x1c9: {  	s24 =	simm.s32 $0xA0F0;
	[tilespmem:s23+$0xFFFFFEB0] =	vst v5;
	v5 =	vmul.f32 v12, v2;
	v12 =	vld.msk [tilespmem:s25+$0xFFFFFFFD ss:$0x0], $0xffff  }
0x1ca: {  	[tilespmem:s23+$0xFFFFFEC0] =	vst v4;
	v4 =	vmul.f32 v13, v2;
	v13 =	vld [tilespmem:s24+$0xFFFFFE20]  }
0x1cb: {  	v6 =	vld [tilespmem:s24+$0xFFFFFE10];
	[tilespmem:s23+$0xFFFFFED0] =	vst v5;
	v5 =	vmul.f32 v14, v2  }
0x1cc: {  	[tilespmem:s23+$0xFFFFFEE0] =	vst v4;
	v4 =	vld [tilespmem:s24+$0xFFFFFE40];
	v2 =	vmul.f32 v3, v2  }
0x1cd: {  	[tilespmem:s23+$0xFFFFFEF0] =	vst v5;
	v3 =	vld [tilespmem:s24+$0xFFFFFE30]  }
0x1ce: {  	[tilespmem:s23+$0xFFFFFF00] =	vst v2;
	v2 =	vld [tilespmem:s23+$0xFFFFFF10]  }
0x1cf: {  	v13 =	vmul.f32 v13, v12;
	v5 =	vld.msk [tilespmem:s7+$0xFFFFFFFF ss:$0x0], $0xffff  }
0x1d0: {  	v14 =	vld [tilespmem:s23+$0xFFFFFF20]  }
0x1d1: {  	v6 =	vmul.f32 v12, v6;
	[tilespmem:s24+$0xFFFFFE20] =	vst v13;
	v13 =	vld [tilespmem:s23+$0xFFFFFF60]  }
0x1d2: {  	v16 =	vld [tilespmem:s23+$0xFFFFFF40];
	v4 =	vmul.f32 v4, v12  }
0x1d3: {  	v20 =	vld [tilespmem:s24+$0xFFFFFEB0];
	[tilespmem:s24+$0xFFFFFE10] =	vst v6;
	v3 =	vmul.f32 v3, v12  }
0x1d4: {  	v6 =	vld [tilespmem:s23+$0xFFFFFF50];
	[tilespmem:s24+$0xFFFFFE40] =	vst v4;
	v2 =	vmul.f32 v5, v2  }
0x1d5: {  	[tilespmem:s24+$0xFFFFFE30] =	vst v3;
	v3 =	vld [tilespmem:s23+$0xFFFFFF70];
	v14 =	vmul.f32 v14, v5  }
0x1d6: {  	v4 =	vld [tilespmem:s23+$0xFFFFFF80];
	v13 =	vmul.f32 v13, v5;
	[tilespmem:s23+$0xFFFFFF10] =	vst v2  }
0x1d7: {  	v2 =	vmul.f32 v15, v5;
	v15 =	vld [tilespmem:s24+$0xFFFFFE50];
	[tilespmem:s23+$0xFFFFFF20] =	vst v14  }
0x1d8: {  	v14 =	vmul.f32 v16, v5;
	v16 =	vld [tilespmem:s24+$0xFFFFFE60];
	[tilespmem:s23+$0xFFFFFF60] =	vst v13  }
0x1d9: {  	[tilespmem:s23+$0xFFFFFF30] =	vst v2;
	v2 =	vmul.f32 v6, v5;
	v6 =	vld [tilespmem:s24+$0xFFFFFE70]  }
0x1da: {  	[tilespmem:s23+$0xFFFFFF40] =	vst v14;
	v14 =	vld [tilespmem:s24+$0xFFFFFE80];
	v19 =	vmul.f32 v3, v5  }
0x1db: {  	v21 =	vld [tilespmem:s24+$0xFFFFFEC0];
	v5 =	vmul.f32 v4, v5;
	[tilespmem:s23+$0xFFFFFF50] =	vst v2  }
0x1dc: {  	v22 =	vld [tilespmem:s24+$0xFFFFFED0];
	[tilespmem:s23+$0xFFFFFF70] =	vst v19;
	v13 =	vmul.f32 v15, v12  }
0x1dd: {  	v3 =	vld [tilespmem:s24+$0xFFFFFFA0];
	[tilespmem:s23+$0xFFFFFF80] =	vst v5;
	v15 =	vmul.f32 v16, v12  }
0x1de: {  	v19 =	vld.msk [tilespmem:s7+$0x0 ss:$0x0], $0xffff;
	[tilespmem:s24+$0xFFFFFE50] =	vst v13;
	v5 =	vmul.f32 v6, v12  }
0x1df: {  	v4 =	vld [tilespmem:s24+$0xFFFFFFB0];
	[tilespmem:s24+$0xFFFFFE60] =	vst v15;
	v6 =	vmul.f32 v14, v12  }
0x1e0: {  	v13 =	vld [tilespmem:s23+$0x0];
	[tilespmem:s24+$0xFFFFFE70] =	vst v5  }
0x1e1: {  	v14 =	vld [tilespmem:s24+$0xFFFFFE90];
	[tilespmem:s24+$0xFFFFFE80] =	vst v6  }
0x1e2: {  	v12 =	vld.msk [tilespmem:s25+$0xFFFFFFFE ss:$0x0], $0xffff  }
0x1e3: {  	v16 =	vld [tilespmem:s24+$0xFFFFFEA0];
	v7 =	vmul.f32 v19, v7  }
0x1e4: {  	v2 =	vld [tilespmem:s24+$0xFFFFFF90];
	v8 =	vmul.f32 v8, v19  }
0x1e5: {  	v15 =	vld [tilespmem:s24+$0xFFFFFEF0];
	v63 =	vmul.f32 v9, v19;
	[tilespmem:s23+$0xFFFFFF90] =	vst v7  }
0x1e6: {  	v5 =	vld [tilespmem:s24+$0xFFFFFFC0];
	v13 =	vmul.f32 v13, v19;
	[tilespmem:s23+$0xFFFFFFA0] =	vst v8  }
0x1e7: {  	[tilespmem:s23+$0xFFFFFFB0] =	vst v63;
	v23 =	vmul.f32 v12, v14;
	v14 =	vld [tilespmem:s24+$0xFFFFFEE0]  }
0x1e8: {  	v6 =	vld [tilespmem:s24+$0xFFFFFFD0];
	v10 =	vmul.f32 v10, v19;
	[tilespmem:s23+$0x0] =	vst v13;
	v13 =	vmul.f32 v16, v12  }
0x1e9: {  	v9 =	vmul.f32 v11, v19;
	v16 =	vld [tilespmem:s24+$0xFFFFFF00];
	v20 =	vmul.f32 v20, v12;
	[tilespmem:s24+$0xFFFFFE90] =	vst v23  }
0x1ea: {  	v11 =	vmul.f32 v18, v19;
	v7 =	vld [tilespmem:s24+$0xFFFFFFE0];
	v18 =	vmul.f32 v21, v12;
	[tilespmem:s24+$0xFFFFFEA0] =	vst v13  }
0x1eb: {  	s19 =	simm.s32 $0x4;
	s26 =	simm.s32 $0x5487;
	s7 =	simm.s32 $0xA2F0;
	v8 =	vld [tilespmem:s24+$0xFFFFFFF0];
	v13 =	vmul.f32 v17, v19;
	[tilespmem:s24+$0xFFFFFEB0] =	vst v20;
	v17 =	vmul.f32 v22, v12  }
.LBB2_19:
0x1ec: {  	v19 =	vld [tilespmem:s7+$0xFFFFFE10];
	[tilespmem:s24+$0xFFFFFEC0] =	vst v18;
	v14 =	vmul.f32 v14, v12;
	s25 =	sadd.s32 $0x4, s25  }
0x1ed: {  	v18 =	vld.msk [tilespmem:s25+$0xFFFFFFFD ss:$0x0], $0xffff;
	[tilespmem:s24+$0xFFFFFED0] =	vst v17;
	v15 =	vmul.f32 v15, v12  }
0x1ee: {  	v17 =	vld [tilespmem:s7+$0xFFFFFE20];
	[tilespmem:s24+$0xFFFFFEE0] =	vst v14;
	v12 =	vmul.f32 v16, v12  }
0x1ef: {  	v14 =	vld [tilespmem:s7+$0xFFFFFE30];
	[tilespmem:s24+$0xFFFFFEF0] =	vst v15  }
0x1f0: {  	v15 =	vld [tilespmem:s7+$0xFFFFFE40];
	[tilespmem:s24+$0xFFFFFF00] =	vst v12  }
0x1f1: {  	v12 =	vld.msk [tilespmem:s26+$0xFFFFFFFF ss:$0x0], $0xffff;
	[tilespmem:s23+$0xFFFFFFC0] =	vst v10  }
0x1f2: {  	v10 =	vld [tilespmem:s24+$0xFFFFFF10];
	[tilespmem:s23+$0xFFFFFFD0] =	vst v9  }
0x1f3: {  	v9 =	vmul.f32 v18, v19;
	v16 =	vld [tilespmem:s24+$0xFFFFFF20];
	[tilespmem:s23+$0xFFFFFFE0] =	vst v13  }
0x1f4: {  	v13 =	vmul.f32 v17, v18;
	v17 =	vld [tilespmem:s24+$0xFFFFFF30];
	[tilespmem:s23+$0xFFFFFFF0] =	vst v11;
	s23 =	smov.u32 s24;
	s24 =	smov.u32 s7  }
0x1f5: {  	[tilespmem:s7+$0xFFFFFE10] =	vst v9;
	v9 =	vmul.f32 v14, v18;
	v11 =	vld [tilespmem:s23+$0xFFFFFF40]  }
0x1f6: {  	[tilespmem:s7+$0xFFFFFE20] =	vst v13;
	v13 =	vmul.f32 v15, v18;
	v14 =	vld [tilespmem:s23+$0xFFFFFF50]  }
0x1f7: {  	[tilespmem:s7+$0xFFFFFE30] =	vst v9;
	v9 =	vmul.f32 v12, v10;
	v10 =	vld [tilespmem:s23+$0xFFFFFF60]  }
0x1f8: {  	[tilespmem:s7+$0xFFFFFE40] =	vst v13;
	v13 =	vmul.f32 v16, v12;
	v15 =	vld [tilespmem:s23+$0xFFFFFF70]  }
0x1f9: {  	[tilespmem:s23+$0xFFFFFF10] =	vst v9;
	v9 =	vmul.f32 v17, v12;
	v16 =	vld [tilespmem:s23+$0xFFFFFF80]  }
0x1fa: {  	v17 =	vld [tilespmem:s7+$0xFFFFFE50];
	[tilespmem:s23+$0xFFFFFF20] =	vst v13;
	v11 =	vmul.f32 v11, v12  }
0x1fb: {  	v13 =	vld [tilespmem:s7+$0xFFFFFE60];
	[tilespmem:s23+$0xFFFFFF30] =	vst v9;
	v9 =	vmul.f32 v14, v12  }
0x1fc: {  	v14 =	vld [tilespmem:s7+$0xFFFFFE70];
	[tilespmem:s23+$0xFFFFFF40] =	vst v11;
	v10 =	vmul.f32 v10, v12  }
0x1fd: {  	v11 =	vld [tilespmem:s7+$0xFFFFFE80];
	[tilespmem:s23+$0xFFFFFF50] =	vst v9;
	v9 =	vmul.f32 v15, v12  }
0x1fe: {  	v15 =	vld [tilespmem:s7+$0xFFFFFF90];
	[tilespmem:s23+$0xFFFFFF60] =	vst v10;
	v10 =	vmul.f32 v16, v12  }
0x1ff: {  	v12 =	vmul.f32 v17, v18;
	v16 =	vld [tilespmem:s7+$0xFFFFFFA0];
	[tilespmem:s23+$0xFFFFFF70] =	vst v9  }
0x200: {  	v9 =	vmul.f32 v13, v18;
	v13 =	vld [tilespmem:s7+$0xFFFFFFB0];
	[tilespmem:s23+$0xFFFFFF80] =	vst v10  }
0x201: {  	[tilespmem:s7+$0xFFFFFE50] =	vst v12;
	v10 =	vmul.f32 v14, v18;
	v14 =	vld.msk [tilespmem:s26+$0x0 ss:$0x0], $0xffff;
	s26 =	smov.u32 s25  }
0x202: {  	[tilespmem:s7+$0xFFFFFE60] =	vst v9;
	v9 =	vmul.f32 v11, v18;
	v11 =	vld [tilespmem:s23+$0x0]  }
0x203: {  	[tilespmem:s7+$0xFFFFFE70] =	vst v10;
	v17 =	vld [tilespmem:s7+$0xFFFFFFC0]  }
0x204: {  	[tilespmem:s7+$0xFFFFFE80] =	vst v9;
	v18 =	vld [tilespmem:s7+$0xFFFFFFD0]  }
0x205: {  	v12 =	vld.msk [tilespmem:s25+$0xFFFFFFFE ss:$0x0], $0xffff  }
0x206: {  	v19 =	vld [tilespmem:s7+$0xFFFFFE90]  }
0x207: {  	v21 =	vmul.f32 v14, v2;
	v2 =	vmov v15;
	v20 =	vld [tilespmem:s7+$0xFFFFFEA0];
	v11 =	vmul.f32 v11, v14  }
0x208: {  	v15 =	vmul.f32 v3, v14;
	v23 =	vmul.f32 v4, v14;
	v3 =	vmovc v16;
	v4 =	vmov v13;
	v22 =	vld [tilespmem:s7+$0xFFFFFEB0]  }
0x209: {  	s19 =	sadd.s32 $0x4, s19;
	v10 =	vmul.f32 v5, v14;
	v9 =	vmul.f32 v6, v14;
	v5 =	vmovc v17;
	v24 =	vld [tilespmem:s7+$0xFFFFFEC0];
	[tilespmem:s23+$0x0] =	vst v11;
	v6 =	vmov v18  }
0x20a: {  	p1 =	slt.u32 s19, $0x3C;
	v13 =	vmul.f32 v7, v14;
	v11 =	vmul.f32 v8, v14;
	v17 =	vld [tilespmem:s7+$0xFFFFFED0];
	[tilespmem:s23+$0xFFFFFF90] =	vst v21  }
.Ltmp11:
0x20b: {  	v7 =	vmul.f32 v12, v19;
	v14 =	vld [tilespmem:s7+$0xFFFFFEE0];
	[tilespmem:s23+$0xFFFFFFA0] =	vst v15;
	(pc) =	sbr.rel @p1 .LBB2_19-.Ltmp11, $4  }
0x20c: {  	v8 =	vmul.f32 v20, v12;
	v15 =	vld [tilespmem:s7+$0xFFFFFEF0];
	[tilespmem:s23+$0xFFFFFFB0] =	vst v23  }
0x20d: {  	[tilespmem:s7+$0xFFFFFE90] =	vst v7;
	v19 =	vmul.f32 v22, v12;
	v16 =	vld [tilespmem:s7+$0xFFFFFF00]  }
0x20e: {  	[tilespmem:s7+$0xFFFFFEA0] =	vst v8;
	v18 =	vmul.f32 v24, v12;
	v7 =	vld [tilespmem:s7+$0xFFFFFFE0]  }
0x20f: {  	s7 =	sadd.s32 $0x200, s7;
	[tilespmem:s24+$0xFFFFFEB0] =	vst v19;
	v17 =	vmul.f32 v17, v12;
	v8 =	vld [tilespmem:s24+$0xFFFFFFF0]  }
0x210: {  	[tilespmem:s24+$0xFFFFFEC0] =	vst v18;
	v14 =	vmul.f32 v14, v12  }
0x211: {  	[tilespmem:s24+$0xFFFFFED0] =	vst v17;
	v15 =	vmul.f32 v15, v12  }
0x212: {  	[tilespmem:s24+$0xFFFFFEE0] =	vst v14;
	v49 =	vmul.f32 v16, v12  }
0x213: {  	[tilespmem:s24+$0xFFFFFEF0] =	vst v15  }
0x214: {  	v50 =	vld [tilespmem:s24+$0xFFFFFF10];
	[tilespmem:s24+$0xFFFFFF00] =	vst v49  }
0x215: {  	v12 =	vld.msk [tilespmem:s26+$0xFFFFFFFF ss:$0x0], $0xffff  }
0x216: {  	v51 =	vld [tilespmem:s24+$0xFFFFFF20]  }
0x217: {  	v52 =	vld [tilespmem:s24+$0xFFFFFF30]  }
0x218: {  	v53 =	vld [tilespmem:s24+$0xFFFFFF40]  }
0x219: {  	v54 =	vld [tilespmem:s24+$0xFFFFFF50]  }
0x21a: {  	v19 =	vld [tilespmem:s24+$0xFFFFFF60];
	v14 =	vmul.f32 v12, v50  }
0x21b: {  	v20 =	vld [tilespmem:s24+$0xFFFFFF70];
	v15 =	vmul.f32 v51, v12  }
0x21c: {  	v56 =	vld [tilespmem:s24+$0xFFFFFF80];
	v55 =	vmul.f32 v52, v12;
	[tilespmem:s24+$0xFFFFFF10] =	vst v14  }
0x21d: {  	v57 =	vmul.f32 v53, v12;
	[tilespmem:s24+$0xFFFFFF20] =	vst v15  }
0x21e: {  	v58 =	vmul.f32 v54, v12;
	[tilespmem:s24+$0xFFFFFF30] =	vst v55  }
0x21f: {  	v59 =	vmul.f32 v19, v12;
	[tilespmem:s24+$0xFFFFFF40] =	vst v57  }
0x220: {  	v60 =	vmul.f32 v20, v12;
	[tilespmem:s24+$0xFFFFFF50] =	vst v58  }
0x221: {  	v12 =	vmul.f32 v56, v12;
	[tilespmem:s24+$0xFFFFFF60] =	vst v59  }
0x222: {  	[tilespmem:s24+$0xFFFFFF70] =	vst v60  }
0x223: {  	v61 =	vld [tilespmem:s24+$0x0];
	[tilespmem:s24+$0xFFFFFF80] =	vst v12  }
0x224: {  	v12 =	vld.msk [tilespmem:s26+$0x0 ss:$0x0], $0xffff;
	_ =	sdelay $0x2  }
0x225: {  	[tilespmem:s23+$0xFFFFFFC0] =	vst v10  }
0x226: {  	[tilespmem:s23+$0xFFFFFFD0] =	vst v9  }
0x227: {  	[tilespmem:s23+$0xFFFFFFE0] =	vst v13;
	v62 =	vmul.f32 v61, v12  }
0x228: {  	[tilespmem:s23+$0xFFFFFFF0] =	vst v11;
	v2 =	vmul.f32 v12, v2  }
0x229: {  	v3 =	vmul.f32 v3, v12;
	[tilespmem:s24+$0x0] =	vst v62  }
0x22a: {  	v4 =	vmul.f32 v4, v12;
	[tilespmem:s24+$0xFFFFFF90] =	vst v2  }
0x22b: {  	v63 =	vmul.f32 v7, v12;
	[tilespmem:s24+$0xFFFFFFA0] =	vst v3  }
0x22c: {  	p1 =	por $0x1, $0x1;
	v2 =	vmul.f32 v5, v12;
	[tilespmem:s24+$0xFFFFFFB0] =	vst v4  }
.Ltmp12:
0x22d: {  	v3 =	vmul.f32 v6, v12;
	[tilespmem:s24+$0xFFFFFFE0] =	vst v63;
	(pc) =	sbr.rel @!p1 .LBB2_22-.Ltmp12, $4  }
0x22e: {  	[tilespmem:s24+$0xFFFFFFC0] =	vst v2;
	v2 =	vmul.f32 v8, v12  }
0x22f: {  	[tilespmem:s24+$0xFFFFFFD0] =	vst v3  }
0x230: {  	s7 =	simm.s32 $0x0;
	[tilespmem:s24+$0xFFFFFFF0] =	vst v2  }
0x231: {  	s19 =	simm.s32 $0x40;
	v2 =	vld [tilespmem:s7+$0x5180]  }
.LBB2_21:
0x232: {  	p1 =	sne.s32 s19, $0xC0  }
.Ltmp13:
0x233: {  	_ = 	snop;
	(pc) =	sbr.rel @p1 .LBB2_21-.Ltmp13, $3  }
0x234: {  	_ =	sdelay $0x1  }
0x235: {  	[tilespmem:s7+$0x5280] =	vst v2;
	s7 =	sshra.s32 s19, $0x2;
	s19 =	sadd.s32 $0x40, s19  }
0x236: {  	v2 =	vld [tilespmem:s7+$0x5180]  }
.LBB2_22:
0x237: {  	_ = 	snop  }
.Ltmp14:
0x238: {  	_ = 	snop;
	(pc) =	sbr.rel @p0 .LBB2_26-.Ltmp14, $3  }
0x239: {  	_ =	sdelay $0x1  }
0x23a: {  	[tilespmem:s7+$0x5280] =	vst v2  }
0x23b: {  	[spmem:s3] =	stream.indirect.scatter.add.f32 [tilespmem:s14], [sflag:$0x6], $0x80, s16, s10, $0xb8;
	[tilespmem:$0x1FD00] =	vst v63  }
0x23c: {  	_ =	swait.ge [sflag:s29], $0x80  }
0x23d: {  	[sflag:s29] =	ssyncset.done $0x0  }
0x23e: {  	s7 =	simm.s32 $0x0;
	[sflag:s29] =	ssyncadd.s32 $0xFFFFFF80  }
0x23f: {  	v2 =	vld [tilespmem:s7+$0x5080];
	_ =	sdelay $0x4  }
0x240: {  	v3 =	vshrl.u32 v2, $0xE;
	v2 =	vand.u32 $0x3FFF, v2  }
0x241: {  	v3 =	vand.u32 $0x3FFF, v3;
	_ =	sdelay $0x1  }
0x242: {  	[tilespmem:s7+$0x5180] =	vst v2;
	v4 =	vadd.s32 v0, v3  }
0x243: {  	[tilespmem:s7+$0x5380] =	vst v4  }
0x244: {  	v4 =	vld.idx.msk [tilespmem:v2+s31+$0x0], $0xffff  }
0x245: {  	v3 =	vld.idx.msk [tilespmem:v3+s4+$0x0], $0xffff;
	_ =	sdelay $0x4  }
0x246: {  	s19 =	simm.s32 $0x10;
	v3 =	vadd.f32 v4, v3  }
0x247: {  	s23 =	simm.s32 $0x80;
	v4 =	vld [tilespmem:s19+$0x5080]  }
.LBB2_24:
0x248: {  	p0 =	sne.s32 s23, $0xC0;
	v5 =	vmul.f32 $2.000000030e-01, v3;
	_ =	sdelay $0x1  }
0x249: {  	v3 =	vmax.f32 v3, v5  }
0x24a: {  	v3 =	vmul.f32 $1.442695020e+00, v3  }
0x24b: {  	v5 =	vshrl.u32 v4, $0xE;
	v4 =	vand.u32 $0x3FFF, v4  }
0x24c: {  	v5 =	vand.u32 $0x3FFF, v5;
	(erf) = vpow2.f32 v3;
	_ =	sdelay $0x1  }
0x24d: {  	v3 =	vadd.s32 v0, v5;
	[tilespmem:s19+$0x5180] =	vst v4  }
0x24e: {  	[tilespmem:s19+$0x5380] =	vst v3  }
0x24f: {  	v3 =	vld.idx.msk [tilespmem:v4+s31+$0x0], $0xffff  }
0x250: {  	v5 =	vld.idx.msk [tilespmem:v5+s4+$0x0], $0xffff;
	_ =	sdelay $0x2  }
.Ltmp15:
0x251: {  	(pc) =	sbr.rel @p0 .LBB2_24-.Ltmp15, $4  }
0x252: {  	v6 =	vpop (erf)  }
0x253: {  	[tilespmem:s7+$0x5480] =	vst v6;
	s7 =	smov.u32 s19  }
0x254: {  	s19 =	sshra.s32 s23, $0x2;
	v3 =	vadd.f32 v3, v5;
	[tilespmem:v2+s9+$0x0] =	vst.idx.add.f32.msk $0xffff, v6;
	v2 =	vmov v4  }
0x255: {  	s23 =	sadd.s32 $0x40, s23;
	v4 =	vld [tilespmem:s19+$0x5080]  }
0x256: {  	_ =	sdelay $0x3  }
0x257: {  	v5 =	vshrl.u32 v4, $0xE;
	v61 =	vand.u32 $0x3FFF, v4  }
0x258: {  	v5 =	vand.u32 $0x3FFF, v5;
	_ =	sdelay $0x1  }
0x259: {  	[tilespmem:s19+$0x5180] =	vst v61;
	v6 =	vadd.s32 v0, v5  }
0x25a: {  	[tilespmem:s19+$0x5380] =	vst v6  }
0x25b: {  	v6 =	vld.idx.msk [tilespmem:v61+s31+$0x0], $0xffff  }
0x25c: {  	v5 =	vld.idx.msk [tilespmem:v5+s4+$0x0], $0xffff;
	_ =	sdelay $0x4  }
0x25d: {  	v62 =	vmul.f32 $2.000000030e-01, v3;
	v5 =	vadd.f32 v6, v5;
	_ =	sdelay $0x1  }
0x25e: {  	v3 =	vmax.f32 v3, v62;
	v63 =	vmul.f32 $2.000000030e-01, v5  }
0x25f: {  	v3 =	vmul.f32 $1.442695020e+00, v3  }
0x260: {  	v5 =	vmax.f32 v5, v63  }
0x261: {  	(erf) = vpow2.f32 v3;
	v3 =	vmul.f32 $1.442695020e+00, v5;
	_ =	sdelay $0x1  }
0x262: {  	(erf) = vpow2.f32 v3;
	_ =	sdelay $0x4  }
0x263: {  	p0 =	sgt.u32 s21, $0x9A  }
0x264: {  	s22 =	sadd.s32 @!p0 $0x280, s22  }
0x265: {  	s23 =	sand.u32 @!p0 $0x1FC00, s22;
	v3 =	vpop (erf)  }
0x266: {  	s22 =	sand.u32 @!p0 $0x380, s22;
	[tilespmem:s7+$0x5480] =	vst v3;
	s7 =	sadd.s32 @!p0 s13, s23  }
0x267: {  	[tilespmem:v2+s9+$0x0] =	vst.idx.add.f32.msk $0xffff, v3;
	s7 =	sor.u32 @!p0 s22, s7;
	v2 =	vpop (erf)  }
0x268: {  	s21 =	sadd.s32 $0x1, s21;
	s7 =	sshrl.u32 @!p0 s7, $0x3;
	[tilespmem:s19+$0x5480] =	vst v2  }
0x269: {  	s22 =	simm.s32 @!p0 $0x5080;
	s7 =	sadd.s32 @!p0 s2, s7;
	s19 =	simm.s32 @!p0 $0x0;
	[tilespmem:v61+s9+$0x0] =	vst.idx.add.f32.msk $0xffff, v2  }
0x26a: {  	[tilespmem:s22], [sflag:$0x4] =	stream.linear.gather @!p0 [hbm4b:s7+s19], $0x80, $0x38;
	[tilespmem:$0x1FD00] =	vst v63  }
0x26b: {  	p0 =	sne.s32 s21, $0x9D  }
.Ltmp16:
0x26c: {  	_ = 	snop;
	(pc) =	sbr.rel @p0 .LBB2_10-.Ltmp16, $4  }
.Ltmp17:
0x26d: {  	_ =	swait.ge [sflag:s18], $0x2000;
	(pc) =	sbr.rel @!p0 .LBB2_26-.Ltmp17, $4  }
0x26e: {  	[sflag:s18] =	ssyncset.done $0x0  }
0x26f: {  	[sflag:s18] =	ssyncadd.s32 $0xFFFFE000  }
0x270: {  	[tilespmem:s14], [sflag:$0x2] =	stream.indirect.gather [hbm4b:s5+s10], $0x80, s12, s10, $0xb8;
	[tilespmem:$0x1FD00] =	vst v63  }
0x271: {  	_ = 	snop  }
.LBB2_27:
0x272: {  	_ =	sfence.sel $0x180000  }
0x273: {  	[bflag:$0x0] =	sbarrier.arrive $0xFFFF  }
0x274: {  	_ =	strace $0x90000047  }
0x275: {  	s0 =	stileid.u32;
	[bflag:$0x2] =	sbarrier.arrive $0xFFFF  }
0x276: {  	p0 =	sne.s32 s0, $0x0;
	s0 =	rddreg [dreg:$0x3]  }
0x277: {  	s0 =	sadd.s32 @!p0 $0x100000, s0  }
0x278: {  	[sflag:s0] =	ssyncadd.tile.s32 @!p0 $0x1;
	_ =	shalt  }
.Lfunc_end2:
_tile_overlayer_lowered:
.L_overlay_start_2:
0x279: {  	(tag) =	ssettag $0x2  }
0x27a: {  	s0 =	rddreg [dreg:$0x0];
	s2 =	stileid.u32  }
0x27b: {  	s1 =	rddreg [dreg:$0x1];
	p0 =	sne.s32 s2, $0x0  }
0x27c: {  	s3 =	rddreg [dreg:$0x2];
	[bflag:$0x3] =	sbarrier.arrive $0xFFFF;
	s2 =	simm.s32 @!p0 $0x1C07  }
0x27d: {  	[timem:s3], [sflag:s2] =	dma.local @!p0 [hbm:s0], s1  }
0x27e: {  	s0 =	simm.s32 @!p0 $0x7  }
0x27f: {  	_ =	swait.ge @!p0 [sflag:s0], s1  }
0x280: {  	s1 =	ssub.s32 @!p0 $0x0, s1;
	[sflag:s0] =	ssyncset.done @!p0 $0x0  }
0x281: {  	[sflag:s0] =	ssyncadd.s32 @!p0 s1  }
0x282: {  	[bflag:$0x3] =	sbarrier.arrive $0xFFFF  }
0x283: {  	_ =	shalt  }

</sc_bundles>
